<compile_context>
chip_gen: v7x
topology: tpu7x:2x2x1
jax: 0.10.2.dev20260603
libtpu: 0.0.44.dev20260713+nightly
codegen_flags: <defaults>
</compile_context>

<pallas_src>
import jax
import jax.numpy as jnp
from jax import lax
from jax.experimental import pallas as pl
from jax.experimental.pallas import tpu as pltpu
from jax.experimental.pallas import tpu_sc as plsc

_N = 10000
_E = 320000
_F = 128
_CH = 128
_NC, _NS = 2, 16
_NW = _NC * _NS
_CPW = 80
_PAD_ROWS = _NW * _CPW
_NSENT = 16
_NPAD = _N + _NSENT
_RMAIN = 624
_R = 2504

_sc_mesh = plsc.VectorSubcoreMesh(core_axis_name="c", subcore_axis_name="s")


def _copy_rows(src, dst, s):
    base = s * _RMAIN
    pltpu.sync_copy(src.at[pl.ds(base, _RMAIN)], dst.at[pl.ds(base, _RMAIN)])

    @pl.when(s == 0)
    def _():
        rb = _NS * _RMAIN
        pltpu.sync_copy(src.at[pl.ds(rb, 16)], dst.at[pl.ds(rb, 16)])


def _zero_rows(zsrc, dst, s):
    base = s * _RMAIN
    pltpu.sync_copy(zsrc.at[pl.ds(0, _RMAIN)], dst.at[pl.ds(base, _RMAIN)])

    @pl.when(s == 0)
    def _():
        rb = _NS * _RMAIN
        pltpu.sync_copy(zsrc.at[pl.ds(0, 16)], dst.at[pl.ds(rb, 16)])


def _hist_body(eidx_hbm, ones_hbm, zeros_hbm, out_hbm, hist_sh, didx_v, ones_v,
               sem0):
    c = lax.axis_index("c")
    s = lax.axis_index("s")
    wid = c * _NS + s
    _zero_rows(zeros_hbm, hist_sh, s)
    pltpu.sync_copy(ones_hbm, ones_v)
    pltpu.sync_copy(eidx_hbm.at[1, pl.ds(wid * _CPW, _CPW)], didx_v)
    plsc.subcore_barrier()

    def grp(g, carry):
        def fire(k, carry2):
            pltpu.async_copy(ones_v, hist_sh.at[didx_v.at[g * 8 + k]],
                             sem0, add=True)
            return carry2

        lax.fori_loop(0, 8, fire, 0)

        def drain(k, carry2):
            pltpu.make_async_copy(ones_v, hist_sh.at[didx_v.at[g * 8 + k]],
                                  sem0).wait()
            return carry2

        lax.fori_loop(0, 8, drain, 0)
        return carry

    lax.fori_loop(0, _CPW // 8, grp, 0)
    plsc.subcore_barrier()
    _copy_rows(hist_sh, out_hbm.at[c], s)


_hist_call = pl.kernel(
    _hist_body,
    out_type=jax.ShapeDtypeStruct((_NC, _NPAD, _F), jnp.float32),
    mesh=_sc_mesh,
    scratch_types=[
        pltpu.VMEM_SHARED((_NPAD, _F), jnp.float32),
        pltpu.VMEM((_CPW, _CH), jnp.int32),
        pltpu.VMEM((_CH, _F), jnp.float32),
        pltpu.SemaphoreType.DMA,
    ],
)


def _prop_body(y_hbm, zeros_hbm, eidx_hbm, out_hbm,
               acc_sh, sidx_v, didx_v, rows0, rows1, sem0, sem1):
    c = lax.axis_index("c")
    s = lax.axis_index("s")
    wid = c * _NS + s

    _HC = _CPW // 2
    pltpu.sync_copy(eidx_hbm.at[0, pl.ds(wid * _CPW, _HC)], sidx_v)
    pltpu.sync_copy(eidx_hbm.at[1, pl.ds(wid * _CPW, _HC)], didx_v)

    @pl.when(c == 0)
    def _():
        _copy_rows(y_hbm, acc_sh, s)

    @pl.when(c == 1)
    def _():
        _zero_rows(zeros_hbm, acc_sh, s)

    plsc.subcore_barrier()

    for h in range(2):
        hb = wid * _CPW + h * _HC

        if h > 0:
            pltpu.sync_copy(eidx_hbm.at[0, pl.ds(hb, _HC)], sidx_v)
            pltpu.sync_copy(eidx_hbm.at[1, pl.ds(hb, _HC)], didx_v)

        pltpu.async_copy(y_hbm.at[sidx_v.at[0]], rows0, sem0)

        def step(jj, carry):
            j0 = 2 * jj
            pltpu.async_copy(y_hbm.at[sidx_v.at[j0 + 1]], rows1, sem1)
            pltpu.make_async_copy(y_hbm.at[sidx_v.at[j0]], rows0, sem0).wait()
            pltpu.sync_copy(rows0, acc_sh.at[didx_v.at[j0]], add=True)

            @pl.when(jj < _HC // 2 - 1)
            def _():
                pltpu.async_copy(y_hbm.at[sidx_v.at[j0 + 2]], rows0, sem0)

            pltpu.make_async_copy(y_hbm.at[sidx_v.at[j0 + 1]], rows1, sem1).wait()
            pltpu.sync_copy(rows1, acc_sh.at[didx_v.at[j0 + 1]], add=True)
            return carry

        lax.fori_loop(0, _HC // 2, step, 0)
    plsc.subcore_barrier()
    _copy_rows(acc_sh, out_hbm.at[c], s)


_prop_call = pl.kernel(
    _prop_body,
    out_type=jax.ShapeDtypeStruct((_NC, _NPAD, _F), jnp.float32),
    mesh=_sc_mesh,
    scratch_types=[
        pltpu.VMEM_SHARED((_NPAD, _F), jnp.float32),
        pltpu.VMEM((_CPW // 2, _CH), jnp.int32),
        pltpu.VMEM((_CPW // 2, _CH), jnp.int32),
        pltpu.VMEM((_CH, _F), jnp.float32),
        pltpu.VMEM((_CH, _F), jnp.float32),
        pltpu.SemaphoreType.DMA,
        pltpu.SemaphoreType.DMA,
    ],
)


_EB = 512


def _e_body(e_ref, o_ref):
    i = pl.program_id(1)
    row = lax.broadcasted_iota(jnp.int32, (_EB, _CH), 0) + i * _EB
    lane = lax.broadcasted_iota(jnp.int32, (_EB, _CH), 1)
    sent = _N + (lane % _NSENT)
    o_ref[0] = jnp.where(row < _E // _CH, e_ref[0], sent)


_stage_e = pl.pallas_call(
    _e_body,
    grid=(2, _PAD_ROWS // _EB),
    in_specs=[pl.BlockSpec((1, _EB, _CH), lambda j, i: (j, i, 0))],
    out_specs=pl.BlockSpec((1, _EB, _CH), lambda j, i: (j, i, 0)),
    out_shape=jax.ShapeDtypeStruct((2, _PAD_ROWS, _CH), jnp.int32),
)


def _dinv_block(hist_ref):
    cnt = hist_ref[0, :, 0:1] + hist_ref[1, :, 0:1]
    return lax.rsqrt(cnt + 1.0)


def _b1_body(x_ref, w_ref, b_ref, h_ref):
    h = jnp.dot(x_ref[...], w_ref[...], preferred_element_type=jnp.float32)
    h_ref[...] = h + b_ref[...]


_stage_b1 = pl.pallas_call(
    _b1_body,
    grid=(_NPAD // _R,),
    in_specs=[
        pl.BlockSpec((_R, 128), lambda i: (i, 0)),
        pl.BlockSpec((128, 128), lambda i: (0, 0)),
        pl.BlockSpec((1, 128), lambda i: (0, 0)),
    ],
    out_specs=pl.BlockSpec((_R, 128), lambda i: (i, 0)),
    out_shape=jax.ShapeDtypeStruct((_NPAD, 128), jnp.float32),
)


def _b2_body(hist_ref, h_ref, y_ref, dv_ref):
    dinv = _dinv_block(hist_ref)
    y_ref[...] = dinv * h_ref[...]
    dv_ref[...] = jnp.broadcast_to(dinv, (_R, 8))


_stage_b2 = pl.pallas_call(
    _b2_body,
    grid=(_NPAD // _R,),
    in_specs=[
        pl.BlockSpec((_NC, _R, _F), lambda i: (0, i, 0)),
        pl.BlockSpec((_R, 128), lambda i: (i, 0)),
    ],
    out_specs=[pl.BlockSpec((_R, 128), lambda i: (i, 0)),
               pl.BlockSpec((_R, 8), lambda i: (i, 0))],
    out_shape=[jax.ShapeDtypeStruct((_NPAD, 128), jnp.float32),
               jax.ShapeDtypeStruct((_NPAD, 8), jnp.float32)],
)


def _d_body(dv_ref, a_ref, g_ref, bt_ref, wmu_ref, bmu_ref, y_ref):
    dinv = dv_ref[:, 0:1]
    h = dinv * (a_ref[0] + a_ref[1])
    h = h * (g_ref[...] * (1.0 / jnp.sqrt(1.0 + 1e-5))) + bt_ref[...]
    h = jnp.where(h >= 0, h, 0.01 * h)
    p = jnp.dot(h, wmu_ref[...], preferred_element_type=jnp.float32) + bmu_ref[...]
    ss = jnp.sum(p * p, axis=1, keepdims=True)
    nrm = jnp.maximum(jnp.sqrt(ss), 1e-12)
    q = p * (1.8 / nrm)
    y_ref[...] = dinv * jnp.concatenate([p, q], axis=1)


_stage_d = pl.pallas_call(
    _d_body,
    grid=(_NPAD // _R,),
    in_specs=[
        pl.BlockSpec((_R, 8), lambda i: (i, 0)),
        pl.BlockSpec((_NC, _R, 128), lambda i: (0, i, 0)),
        pl.BlockSpec((1, 128), lambda i: (0, 0)),
        pl.BlockSpec((1, 128), lambda i: (0, 0)),
        pl.BlockSpec((128, 64), lambda i: (0, 0)),
        pl.BlockSpec((1, 64), lambda i: (0, 0)),
    ],
    out_specs=pl.BlockSpec((_R, 128), lambda i: (i, 0)),
    out_shape=jax.ShapeDtypeStruct((_NPAD, 128), jnp.float32),
)


def _f_body(dv_ref, a_ref, mu_ref, ls_ref):
    z = dv_ref[:, 0:1] * (a_ref[0] + a_ref[1])
    mu_ref[...] = z[:, 0:64]
    ls_ref[...] = z[:, 64:128]


_stage_f = pl.pallas_call(
    _f_body,
    grid=(_NPAD // _R,),
    in_specs=[
        pl.BlockSpec((_R, 8), lambda i: (i, 0)),
        pl.BlockSpec((_NC, _R, 128), lambda i: (0, i, 0)),
    ],
    out_specs=[pl.BlockSpec((_R, 64), lambda i: (i, 0)),
               pl.BlockSpec((_R, 64), lambda i: (i, 0))],
    out_shape=[jax.ShapeDtypeStruct((_N, 64), jnp.float32),
               jax.ShapeDtypeStruct((_N, 64), jnp.float32)],
)


def kernel(x, edge_index, W1, b1, bn_gamma, bn_beta, Wmu, bmu):
    ones128 = jnp.ones((_CH, _F), jnp.float32)
    zeros624 = jnp.zeros((_RMAIN, _F), jnp.float32)
    eidx = _stage_e(edge_index.reshape(2, _E // _CH, _CH))

    hist = _hist_call(eidx, ones128, zeros624)
    h1 = _stage_b1(x, W1.T, b1.reshape(1, -1))
    y1, dinv8 = _stage_b2(hist, h1)
    acc1 = _prop_call(y1, zeros624, eidx)
    y2 = _stage_d(dinv8, acc1, bn_gamma.reshape(1, -1), bn_beta.reshape(1, -1),
                  Wmu.T, bmu.reshape(1, -1))
    acc2 = _prop_call(y2, zeros624, eidx)
    mu, logstd = _stage_f(dinv8, acc2)
    return (mu, logstd, mu)

# --- scband reference (transcript-rebuilt; emitter-appended) ---
"""Pipeline reference for scband-vgnaeencoder-26465588478695 (READ-ONLY COPY).

The authoritative reference and input builder live on the scoring server;
editing this copy changes nothing except your own understanding.
"""

import jax, jax.numpy as jnp
import numpy as np

N_NODES = 10000
N_EDGES = 320000
IN_CH = 128
OUT_CH = 64


def _appnp(x, edge_index):
    # APPNP with K=1, alpha=0 reduces to one GCN-normalized propagation step
    # with self-loops: out = D^{-1/2} (A + I) D^{-1/2} x
    n = x.shape[0]
    loop = jnp.arange(n, dtype=edge_index.dtype)
    src = jnp.concatenate([edge_index[0], loop])
    dst = jnp.concatenate([edge_index[1], loop])
    deg = jnp.zeros((n,), x.dtype).at[dst].add(1.0)
    dinv = jnp.where(deg > 0, 1.0 / jnp.sqrt(deg), 0.0)
    norm = dinv[src] * dinv[dst]
    return jnp.zeros_like(x).at[dst].add(norm[:, None] * x[src])


def setup_inputs(seed: int = 0):
    key = jax.random.key(seed)
    ks = jax.random.split(key, 8)
    x = jax.random.normal(ks[0], (N_NODES, IN_CH), dtype=jnp.float32)
    edge_index = jax.random.randint(ks[1], (2, N_EDGES), 0, N_NODES, dtype=jnp.int32)
    s1 = 1.0 / np.sqrt(IN_CH)
    W1 = jax.random.uniform(ks[2], (2 * OUT_CH, IN_CH), jnp.float32, -s1, s1)
    b1 = jax.random.uniform(ks[3], (2 * OUT_CH,), jnp.float32, -s1, s1)
    bn_gamma = jnp.ones((2 * OUT_CH,), jnp.float32)
    bn_beta = jnp.zeros((2 * OUT_CH,), jnp.float32)
    s2 = 1.0 / np.sqrt(2 * OUT_CH)
    Wmu = jax.random.uniform(ks[4], (OUT_CH, 2 * OUT_CH), jnp.float32, -s2, s2)
    bmu = jax.random.uniform(ks[5], (OUT_CH,), jnp.float32, -s2, s2)
    return {"x": x, "edge_index": edge_index, "W1": W1, "b1": b1,
            "bn_gamma": bn_gamma, "bn_beta": bn_beta, "Wmu": Wmu, "bmu": bmu}


def reference(x, edge_index, W1, b1, bn_gamma, bn_beta, Wmu, bmu):
    # conv1 (Linear in -> 2*out)
    h = x @ W1.T + b1
    # APPNP(K=1, alpha=0)
    h = _appnp(h, edge_index)
    # BatchNorm1d in eval mode: running_mean=0, running_var=1, eps=1e-5
    h = h / jnp.sqrt(1.0 + 1e-5) * bn_gamma + bn_beta
    # LeakyReLU (default negative_slope=0.01)
    h = jnp.where(h >= 0, h, 0.01 * h)
    # mu branch
    mu = _appnp(h @ Wmu.T + bmu, edge_index)
    # logstd branch (the original forward uses convmu here, faithful to the code)
    ls = h @ Wmu.T + bmu
    nrm = jnp.maximum(jnp.sqrt(jnp.sum(ls * ls, axis=1, keepdims=True)), 1e-12)
    logstd = _appnp(ls / nrm * 1.8, edge_index)
    # reparam in eval mode returns mu
    zeta = mu
    return (mu, logstd, zeta)

if __name__ == "__main__":
    import jax
    _d = setup_inputs()
    print(jax.jit(kernel)(*tuple(_d.values())))

</pallas_src>

<mosaic_0001>
#map = affine_map<(d0, d1) -> (0, 0)>
#map1 = affine_map<(d0, d1) -> (0, 0, 0)>
module attributes {stable_mosaic.version = 14 : i64} {
  func.func @_prop_body(%arg0: i32, %arg1: i32, %arg2: memref<10016x128xf32, #tpu.memory_space<hbm>>, %arg3: memref<624x128xf32, #tpu.memory_space<hbm>>, %arg4: memref<2x2560x128xi32, #tpu.memory_space<hbm>>, %arg5: memref<2x10016x128xf32, #tpu.memory_space<hbm>>, %arg6: memref<10016x128xf32, #tpu.memory_space<vmem_shared>>, %arg7: memref<40x128xi32, #tpu.memory_space<vmem>>, %arg8: memref<40x128xi32, #tpu.memory_space<vmem>>, %arg9: memref<128x128xf32, #tpu.memory_space<vmem>>, %arg10: memref<128x128xf32, #tpu.memory_space<vmem>>, %arg11: memref<!tpu.dma_semaphore, #tpu.memory_space<semaphore_mem>>, %arg12: memref<!tpu.dma_semaphore, #tpu.memory_space<semaphore_mem>>) attributes {dimension_semantics = [#tpu.dimension_semantics<core_parallel>, #tpu.dimension_semantics<subcore_parallel>], iteration_bounds = array<i64: 2, 16>, scalar_prefetch = 0 : i64, scratch_operands = 7 : i64, tpu.core_type = #tpu.core_type<sc_vector_subcore>, window_params = [{transform_indices = #map}, {transform_indices = #map}, {transform_indices = #map1}, {transform_indices = #map1}]} {
    %mul3A = arith.constant 16 : i32
    %mul3A_0 = arith.muli %arg0, %mul3A : i32
    %add3A = arith.addi %mul3A_0, %arg1 : i32
    %mul3A_1 = arith.constant 80 : i32
    %mul3A_2 = arith.muli %add3A, %mul3A_1 : i32
    %run_scoped3A = arith.constant 0 : i32
    "tpu.region"() ({
      %run_scoped3A_55 = tpu.sem_alloc : memref<!tpu.dma_semaphore, #tpu.memory_space<semaphore_mem>>
      %dma_start3A_56 = arith.constant 0 : i32
      %dma_start3A_57 = tpu.memref_slice %arg4[%run_scoped3A, %mul3A_2, %dma_start3A_56] : memref<2x2560x128xi32, #tpu.memory_space<hbm>> -> memref<1x40x128xi32, #tpu.memory_space<hbm>>
      %dma_start3A_58 = tpu.memref_squeeze %dma_start3A_57 : memref<1x40x128xi32, #tpu.memory_space<hbm>> -> memref<40x128xi32, #tpu.memory_space<hbm>>
      %dma_start3A_59 = arith.constant 0 : i32
      %dma_start3A_60 = tpu.memref_slice %arg4[%run_scoped3A, %mul3A_2, %dma_start3A_59] : memref<2x2560x128xi32, #tpu.memory_space<hbm>> -> memref<1x40x128xi32, #tpu.memory_space<hbm>>
      %dma_start3A_61 = tpu.memref_squeeze %dma_start3A_60 : memref<1x40x128xi32, #tpu.memory_space<hbm>> -> memref<40x128xi32, #tpu.memory_space<hbm>>
      tpu.enqueue_dma source(%dma_start3A_61 : memref<40x128xi32, #tpu.memory_space<hbm>>) target(%arg7 : memref<40x128xi32, #tpu.memory_space<vmem>>) target_semaphore(%run_scoped3A_55 : memref<!tpu.dma_semaphore, #tpu.memory_space<semaphore_mem>>)
      %dma_wait3A = arith.constant 0 : i32
      %dma_wait3A_62 = tpu.memref_slice %arg4[%run_scoped3A, %mul3A_2, %dma_wait3A] : memref<2x2560x128xi32, #tpu.memory_space<hbm>> -> memref<1x40x128xi32, #tpu.memory_space<hbm>>
      %dma_wait3A_63 = tpu.memref_squeeze %dma_wait3A_62 : memref<1x40x128xi32, #tpu.memory_space<hbm>> -> memref<40x128xi32, #tpu.memory_space<hbm>>
      %dma_wait3A_64 = arith.constant 0 : i32
      %dma_wait3A_65 = tpu.memref_slice %arg4[%run_scoped3A, %mul3A_2, %dma_wait3A_64] : memref<2x2560x128xi32, #tpu.memory_space<hbm>> -> memref<1x40x128xi32, #tpu.memory_space<hbm>>
      %dma_wait3A_66 = tpu.memref_squeeze %dma_wait3A_65 : memref<1x40x128xi32, #tpu.memory_space<hbm>> -> memref<40x128xi32, #tpu.memory_space<hbm>>
      tpu.wait_dma2 semaphore(%run_scoped3A_55 : memref<!tpu.dma_semaphore, #tpu.memory_space<semaphore_mem>>) src(%dma_wait3A_66 : memref<40x128xi32, #tpu.memory_space<hbm>>) dst(%arg7 : memref<40x128xi32, #tpu.memory_space<vmem>>)
      tpu.yield
    }) : () -> ()
    %mul3A_3 = arith.constant 80 : i32
    %mul3A_4 = arith.muli %add3A, %mul3A_3 : i32
    %run_scoped3A_5 = arith.constant 1 : i32
    "tpu.region"() ({
      %run_scoped3A_55 = tpu.sem_alloc : memref<!tpu.dma_semaphore, #tpu.memory_space<semaphore_mem>>
      %dma_start3A_56 = arith.constant 0 : i32
      %dma_start3A_57 = tpu.memref_slice %arg4[%run_scoped3A_5, %mul3A_4, %dma_start3A_56] : memref<2x2560x128xi32, #tpu.memory_space<hbm>> -> memref<1x40x128xi32, #tpu.memory_space<hbm>>
      %dma_start3A_58 = tpu.memref_squeeze %dma_start3A_57 : memref<1x40x128xi32, #tpu.memory_space<hbm>> -> memref<40x128xi32, #tpu.memory_space<hbm>>
      %dma_start3A_59 = arith.constant 0 : i32
      %dma_start3A_60 = tpu.memref_slice %arg4[%run_scoped3A_5, %mul3A_4, %dma_start3A_59] : memref<2x2560x128xi32, #tpu.memory_space<hbm>> -> memref<1x40x128xi32, #tpu.memory_space<hbm>>
      %dma_start3A_61 = tpu.memref_squeeze %dma_start3A_60 : memref<1x40x128xi32, #tpu.memory_space<hbm>> -> memref<40x128xi32, #tpu.memory_space<hbm>>
      tpu.enqueue_dma source(%dma_start3A_61 : memref<40x128xi32, #tpu.memory_space<hbm>>) target(%arg8 : memref<40x128xi32, #tpu.memory_space<vmem>>) target_semaphore(%run_scoped3A_55 : memref<!tpu.dma_semaphore, #tpu.memory_space<semaphore_mem>>)
      %dma_wait3A = arith.constant 0 : i32
      %dma_wait3A_62 = tpu.memref_slice %arg4[%run_scoped3A_5, %mul3A_4, %dma_wait3A] : memref<2x2560x128xi32, #tpu.memory_space<hbm>> -> memref<1x40x128xi32, #tpu.memory_space<hbm>>
      %dma_wait3A_63 = tpu.memref_squeeze %dma_wait3A_62 : memref<1x40x128xi32, #tpu.memory_space<hbm>> -> memref<40x128xi32, #tpu.memory_space<hbm>>
      %dma_wait3A_64 = arith.constant 0 : i32
      %dma_wait3A_65 = tpu.memref_slice %arg4[%run_scoped3A_5, %mul3A_4, %dma_wait3A_64] : memref<2x2560x128xi32, #tpu.memory_space<hbm>> -> memref<1x40x128xi32, #tpu.memory_space<hbm>>
      %dma_wait3A_66 = tpu.memref_squeeze %dma_wait3A_65 : memref<1x40x128xi32, #tpu.memory_space<hbm>> -> memref<40x128xi32, #tpu.memory_space<hbm>>
      tpu.wait_dma2 semaphore(%run_scoped3A_55 : memref<!tpu.dma_semaphore, #tpu.memory_space<semaphore_mem>>) src(%dma_wait3A_66 : memref<40x128xi32, #tpu.memory_space<hbm>>) dst(%arg8 : memref<40x128xi32, #tpu.memory_space<vmem>>)
      tpu.yield
    }) : () -> ()
    %eq3A = arith.constant 0 : i32
    %eq3A_6 = arith.cmpi eq, %arg0, %eq3A : i32
    %convert_element_type3A = arith.extui %eq3A_6 : i1 to i32
    %cond3A = arith.constant 0 : i32
    %cond3A_7 = arith.cmpi ne, %convert_element_type3A, %cond3A : i32
    scf.if %cond3A_7 {
      %mul3A_55 = arith.constant 624 : i32
      %mul3A_56 = arith.muli %arg1, %mul3A_55 : i32
      "tpu.region"() ({
        %run_scoped3A_62 = tpu.sem_alloc : memref<!tpu.dma_semaphore, #tpu.memory_space<semaphore_mem>>
        %dma_start3A_63 = arith.constant 0 : i32
        %dma_start3A_64 = tpu.memref_slice %arg6[%mul3A_56, %dma_start3A_63] : memref<10016x128xf32, #tpu.memory_space<vmem_shared>> -> memref<624x128xf32, #tpu.memory_space<vmem_shared>>
        %dma_start3A_65 = arith.constant 0 : i32
        %dma_start3A_66 = tpu.memref_slice %arg2[%mul3A_56, %dma_start3A_65] : memref<10016x128xf32, #tpu.memory_space<hbm>> -> memref<624x128xf32, #tpu.memory_space<hbm>>
        tpu.enqueue_dma source(%dma_start3A_66 : memref<624x128xf32, #tpu.memory_space<hbm>>) target(%dma_start3A_64 : memref<624x128xf32, #tpu.memory_space<vmem_shared>>) target_semaphore(%run_scoped3A_62 : memref<!tpu.dma_semaphore, #tpu.memory_space<semaphore_mem>>)
        %dma_wait3A = arith.constant 0 : i32
        %dma_wait3A_67 = tpu.memref_slice %arg6[%mul3A_56, %dma_wait3A] : memref<10016x128xf32, #tpu.memory_space<vmem_shared>> -> memref<624x128xf32, #tpu.memory_space<vmem_shared>>
        %dma_wait3A_68 = arith.constant 0 : i32
        %dma_wait3A_69 = tpu.memref_slice %arg2[%mul3A_56, %dma_wait3A_68] : memref<10016x128xf32, #tpu.memory_space<hbm>> -> memref<624x128xf32, #tpu.memory_space<hbm>>
        tpu.wait_dma2 semaphore(%run_scoped3A_62 : memref<!tpu.dma_semaphore, #tpu.memory_space<semaphore_mem>>) src(%dma_wait3A_69 : memref<624x128xf32, #tpu.memory_space<hbm>>) dst(%dma_wait3A_67 : memref<624x128xf32, #tpu.memory_space<vmem_shared>>)
        tpu.yield
      }) : () -> ()
      %eq3A_57 = arith.constant 0 : i32
      %eq3A_58 = arith.cmpi eq, %arg1, %eq3A_57 : i32
      %convert_element_type3A_59 = arith.extui %eq3A_58 : i1 to i32
      %cond3A_60 = arith.constant 0 : i32
      %cond3A_61 = arith.cmpi ne, %convert_element_type3A_59, %cond3A_60 : i32
      scf.if %cond3A_61 {
        "tpu.region"() ({
          %run_scoped3A_62 = tpu.sem_alloc : memref<!tpu.dma_semaphore, #tpu.memory_space<semaphore_mem>>
          %dma_start3A_63 = arith.constant 9984 : i32
          %dma_start3A_64 = arith.constant 0 : i32
          %dma_start3A_65 = tpu.memref_slice %arg6[%dma_start3A_63, %dma_start3A_64] : memref<10016x128xf32, #tpu.memory_space<vmem_shared>> -> memref<16x128xf32, #tpu.memory_space<vmem_shared>>
          %dma_start3A_66 = arith.constant 9984 : i32
          %dma_start3A_67 = arith.constant 0 : i32
          %dma_start3A_68 = tpu.memref_slice %arg2[%dma_start3A_66, %dma_start3A_67] : memref<10016x128xf32, #tpu.memory_space<hbm>> -> memref<16x128xf32, #tpu.memory_space<hbm>>
          tpu.enqueue_dma source(%dma_start3A_68 : memref<16x128xf32, #tpu.memory_space<hbm>>) target(%dma_start3A_65 : memref<16x128xf32, #tpu.memory_space<vmem_shared>>) target_semaphore(%run_scoped3A_62 : memref<!tpu.dma_semaphore, #tpu.memory_space<semaphore_mem>>)
          %dma_wait3A = arith.constant 9984 : i32
          %dma_wait3A_69 = arith.constant 0 : i32
          %dma_wait3A_70 = tpu.memref_slice %arg6[%dma_wait3A, %dma_wait3A_69] : memref<10016x128xf32, #tpu.memory_space<vmem_shared>> -> memref<16x128xf32, #tpu.memory_space<vmem_shared>>
          %dma_wait3A_71 = arith.constant 9984 : i32
          %dma_wait3A_72 = arith.constant 0 : i32
          %dma_wait3A_73 = tpu.memref_slice %arg2[%dma_wait3A_71, %dma_wait3A_72] : memref<10016x128xf32, #tpu.memory_space<hbm>> -> memref<16x128xf32, #tpu.memory_space<hbm>>
          tpu.wait_dma2 semaphore(%run_scoped3A_62 : memref<!tpu.dma_semaphore, #tpu.memory_space<semaphore_mem>>) src(%dma_wait3A_73 : memref<16x128xf32, #tpu.memory_space<hbm>>) dst(%dma_wait3A_70 : memref<16x128xf32, #tpu.memory_space<vmem_shared>>)
          tpu.yield
        }) : () -> ()
      } else {
      }
    } else {
    }
    %eq3A_8 = arith.constant 1 : i32
    %eq3A_9 = arith.cmpi eq, %arg0, %eq3A_8 : i32
    %convert_element_type3A_10 = arith.extui %eq3A_9 : i1 to i32
    %cond3A_11 = arith.constant 0 : i32
    %cond3A_12 = arith.cmpi ne, %convert_element_type3A_10, %cond3A_11 : i32
    scf.if %cond3A_12 {
      %mul3A_55 = arith.constant 624 : i32
      %mul3A_56 = arith.muli %arg1, %mul3A_55 : i32
      "tpu.region"() ({
        %run_scoped3A_62 = tpu.sem_alloc : memref<!tpu.dma_semaphore, #tpu.memory_space<semaphore_mem>>
        %dma_start3A_63 = arith.constant 0 : i32
        %dma_start3A_64 = tpu.memref_slice %arg6[%mul3A_56, %dma_start3A_63] : memref<10016x128xf32, #tpu.memory_space<vmem_shared>> -> memref<624x128xf32, #tpu.memory_space<vmem_shared>>
        %dma_start3A_65 = arith.constant 0 : i32
        %dma_start3A_66 = arith.constant 0 : i32
        %dma_start3A_67 = tpu.memref_slice %arg3[%dma_start3A_65, %dma_start3A_66] : memref<624x128xf32, #tpu.memory_space<hbm>> -> memref<624x128xf32, #tpu.memory_space<hbm>>
        tpu.enqueue_dma source(%dma_start3A_67 : memref<624x128xf32, #tpu.memory_space<hbm>>) target(%dma_start3A_64 : memref<624x128xf32, #tpu.memory_space<vmem_shared>>) target_semaphore(%run_scoped3A_62 : memref<!tpu.dma_semaphore, #tpu.memory_space<semaphore_mem>>)
        %dma_wait3A = arith.constant 0 : i32
        %dma_wait3A_68 = tpu.memref_slice %arg6[%mul3A_56, %dma_wait3A] : memref<10016x128xf32, #tpu.memory_space<vmem_shared>> -> memref<624x128xf32, #tpu.memory_space<vmem_shared>>
        %dma_wait3A_69 = arith.constant 0 : i32
        %dma_wait3A_70 = arith.constant 0 : i32
        %dma_wait3A_71 = tpu.memref_slice %arg3[%dma_wait3A_69, %dma_wait3A_70] : memref<624x128xf32, #tpu.memory_space<hbm>> -> memref<624x128xf32, #tpu.memory_space<hbm>>
        tpu.wait_dma2 semaphore(%run_scoped3A_62 : memref<!tpu.dma_semaphore, #tpu.memory_space<semaphore_mem>>) src(%dma_wait3A_71 : memref<624x128xf32, #tpu.memory_space<hbm>>) dst(%dma_wait3A_68 : memref<624x128xf32, #tpu.memory_space<vmem_shared>>)
        tpu.yield
      }) : () -> ()
      %eq3A_57 = arith.constant 0 : i32
      %eq3A_58 = arith.cmpi eq, %arg1, %eq3A_57 : i32
      %convert_element_type3A_59 = arith.extui %eq3A_58 : i1 to i32
      %cond3A_60 = arith.constant 0 : i32
      %cond3A_61 = arith.cmpi ne, %convert_element_type3A_59, %cond3A_60 : i32
      scf.if %cond3A_61 {
        "tpu.region"() ({
          %run_scoped3A_62 = tpu.sem_alloc : memref<!tpu.dma_semaphore, #tpu.memory_space<semaphore_mem>>
          %dma_start3A_63 = arith.constant 9984 : i32
          %dma_start3A_64 = arith.constant 0 : i32
          %dma_start3A_65 = tpu.memref_slice %arg6[%dma_start3A_63, %dma_start3A_64] : memref<10016x128xf32, #tpu.memory_space<vmem_shared>> -> memref<16x128xf32, #tpu.memory_space<vmem_shared>>
          %dma_start3A_66 = arith.constant 0 : i32
          %dma_start3A_67 = arith.constant 0 : i32
          %dma_start3A_68 = tpu.memref_slice %arg3[%dma_start3A_66, %dma_start3A_67] : memref<624x128xf32, #tpu.memory_space<hbm>> -> memref<16x128xf32, #tpu.memory_space<hbm>>
          tpu.enqueue_dma source(%dma_start3A_68 : memref<16x128xf32, #tpu.memory_space<hbm>>) target(%dma_start3A_65 : memref<16x128xf32, #tpu.memory_space<vmem_shared>>) target_semaphore(%run_scoped3A_62 : memref<!tpu.dma_semaphore, #tpu.memory_space<semaphore_mem>>)
          %dma_wait3A = arith.constant 9984 : i32
          %dma_wait3A_69 = arith.constant 0 : i32
          %dma_wait3A_70 = tpu.memref_slice %arg6[%dma_wait3A, %dma_wait3A_69] : memref<10016x128xf32, #tpu.memory_space<vmem_shared>> -> memref<16x128xf32, #tpu.memory_space<vmem_shared>>
          %dma_wait3A_71 = arith.constant 0 : i32
          %dma_wait3A_72 = arith.constant 0 : i32
          %dma_wait3A_73 = tpu.memref_slice %arg3[%dma_wait3A_71, %dma_wait3A_72] : memref<624x128xf32, #tpu.memory_space<hbm>> -> memref<16x128xf32, #tpu.memory_space<hbm>>
          tpu.wait_dma2 semaphore(%run_scoped3A_62 : memref<!tpu.dma_semaphore, #tpu.memory_space<semaphore_mem>>) src(%dma_wait3A_73 : memref<16x128xf32, #tpu.memory_space<hbm>>) dst(%dma_wait3A_70 : memref<16x128xf32, #tpu.memory_space<vmem_shared>>)
          tpu.yield
        }) : () -> ()
      } else {
      }
    } else {
    }
    %barrier3A = arith.constant 0 : index
    tpu.barrier barrier_id(%barrier3A)
    %mul3A_13 = arith.constant 80 : i32
    %mul3A_14 = arith.muli %add3A, %mul3A_13 : i32
    %add3A_15 = arith.constant 0 : i32
    %add3A_16 = arith.addi %mul3A_14, %add3A_15 : i32
    %dma_start3A = arith.constant 0 : i32
    %dma_start3A_17 = arith.constant 0 : i32
    %dma_start3A_18 = tpu.memref_slice %arg7[%dma_start3A, %dma_start3A_17] : memref<40x128xi32, #tpu.memory_space<vmem>> -> memref<1x128xi32, #tpu.memory_space<vmem>>
    %dma_start3A_19 = tpu.memref_squeeze %dma_start3A_18 : memref<1x128xi32, #tpu.memory_space<vmem>> -> memref<128xi32, #tpu.memory_space<vmem>>
    %dma_start3A_20 = arith.constant 0 : i32
    %dma_start3A_21 = arith.constant 0 : i32
    %dma_start3A_22 = tpu.memref_slice %arg2[%dma_start3A_20, %dma_start3A_21] : memref<10016x128xf32, #tpu.memory_space<hbm>> -> memref<10016x128xf32, #tpu.memory_space<hbm>>
    tpu.enqueue_indirect_dma source(%dma_start3A_22 : memref<10016x128xf32, #tpu.memory_space<hbm>>) target(%arg9 : memref<128x128xf32, #tpu.memory_space<vmem>>) offsets(%dma_start3A_19 : memref<128xi32, #tpu.memory_space<vmem>>) semaphore(%arg11 : memref<!tpu.dma_semaphore, #tpu.memory_space<semaphore_mem>>)
    %scan3A = arith.constant 0 : i32
    %scan3A_23 = arith.constant 0 : i32
    %scan3A_24 = arith.constant 20 : i32
    %scan3A_25 = arith.addi %scan3A_23, %scan3A_24 : i32
    %scan3A_26 = arith.constant 1 : i32
    scf.for %scan3A_55 = %scan3A_23 to %scan3A_25 step %scan3A_26  : i32 {
      %mul3A_56 = arith.constant 2 : i32
      %mul3A_57 = arith.muli %mul3A_56, %scan3A_55 : i32
      %add3A_58 = arith.constant 1 : i32
      %add3A_59 = arith.addi %mul3A_57, %add3A_58 : i32
      %dma_start3A_60 = arith.constant 0 : i32
      %dma_start3A_61 = tpu.memref_slice %arg7[%add3A_59, %dma_start3A_60] : memref<40x128xi32, #tpu.memory_space<vmem>> -> memref<1x128xi32, #tpu.memory_space<vmem>>
      %dma_start3A_62 = tpu.memref_squeeze %dma_start3A_61 : memref<1x128xi32, #tpu.memory_space<vmem>> -> memref<128xi32, #tpu.memory_space<vmem>>
      %dma_start3A_63 = arith.constant 0 : i32
      %dma_start3A_64 = arith.constant 0 : i32
      %dma_start3A_65 = tpu.memref_slice %arg2[%dma_start3A_63, %dma_start3A_64] : memref<10016x128xf32, #tpu.memory_space<hbm>> -> memref<10016x128xf32, #tpu.memory_space<hbm>>
      tpu.enqueue_indirect_dma source(%dma_start3A_65 : memref<10016x128xf32, #tpu.memory_space<hbm>>) target(%arg10 : memref<128x128xf32, #tpu.memory_space<vmem>>) offsets(%dma_start3A_62 : memref<128xi32, #tpu.memory_space<vmem>>) semaphore(%arg12 : memref<!tpu.dma_semaphore, #tpu.memory_space<semaphore_mem>>)
      %dma_wait3A = arith.constant 0 : i32
      %dma_wait3A_66 = tpu.memref_slice %arg7[%mul3A_57, %dma_wait3A] : memref<40x128xi32, #tpu.memory_space<vmem>> -> memref<1x128xi32, #tpu.memory_space<vmem>>
      %dma_wait3A_67 = tpu.memref_squeeze %dma_wait3A_66 : memref<1x128xi32, #tpu.memory_space<vmem>> -> memref<128xi32, #tpu.memory_space<vmem>>
      %dma_wait3A_68 = arith.constant 0 : i32
      %dma_wait3A_69 = arith.constant 0 : i32
      %dma_wait3A_70 = tpu.memref_slice %arg2[%dma_wait3A_68, %dma_wait3A_69] : memref<10016x128xf32, #tpu.memory_space<hbm>> -> memref<10016x128xf32, #tpu.memory_space<hbm>>
      tpu.wait_indirect_dma semaphore(%arg11 : memref<!tpu.dma_semaphore, #tpu.memory_space<semaphore_mem>>) src(%dma_wait3A_70 : memref<10016x128xf32, #tpu.memory_space<hbm>>) dst(%arg9 : memref<128x128xf32, #tpu.memory_space<vmem>>)
      "tpu.region"() ({
        %run_scoped3A_85 = tpu.sem_alloc : memref<!tpu.dma_semaphore, #tpu.memory_space<semaphore_mem>>
        %dma_start3A_86 = arith.constant 0 : i32
        %dma_start3A_87 = tpu.memref_slice %arg8[%mul3A_57, %dma_start3A_86] : memref<40x128xi32, #tpu.memory_space<vmem>> -> memref<1x128xi32, #tpu.memory_space<vmem>>
        %dma_start3A_88 = tpu.memref_squeeze %dma_start3A_87 : memref<1x128xi32, #tpu.memory_space<vmem>> -> memref<128xi32, #tpu.memory_space<vmem>>
        %dma_start3A_89 = arith.constant 0 : i32
        %dma_start3A_90 = arith.constant 0 : i32
        %dma_start3A_91 = tpu.memref_slice %arg6[%dma_start3A_89, %dma_start3A_90] : memref<10016x128xf32, #tpu.memory_space<vmem_shared>> -> memref<10016x128xf32, #tpu.memory_space<vmem_shared>>
        tpu.enqueue_indirect_dma source(%arg9 : memref<128x128xf32, #tpu.memory_space<vmem>>) target(%dma_start3A_91 : memref<10016x128xf32, #tpu.memory_space<vmem_shared>>) offsets(%dma_start3A_88 : memref<128xi32, #tpu.memory_space<vmem>>) semaphore(%run_scoped3A_85 : memref<!tpu.dma_semaphore, #tpu.memory_space<semaphore_mem>>) {add = true}
        %dma_wait3A_92 = arith.constant 0 : i32
        %dma_wait3A_93 = tpu.memref_slice %arg8[%mul3A_57, %dma_wait3A_92] : memref<40x128xi32, #tpu.memory_space<vmem>> -> memref<1x128xi32, #tpu.memory_space<vmem>>
        %dma_wait3A_94 = tpu.memref_squeeze %dma_wait3A_93 : memref<1x128xi32, #tpu.memory_space<vmem>> -> memref<128xi32, #tpu.memory_space<vmem>>
        %dma_wait3A_95 = arith.constant 0 : i32
        %dma_wait3A_96 = arith.constant 0 : i32
        %dma_wait3A_97 = tpu.memref_slice %arg6[%dma_wait3A_95, %dma_wait3A_96] : memref<10016x128xf32, #tpu.memory_space<vmem_shared>> -> memref<10016x128xf32, #tpu.memory_space<vmem_shared>>
        tpu.wait_indirect_dma semaphore(%run_scoped3A_85 : memref<!tpu.dma_semaphore, #tpu.memory_space<semaphore_mem>>) src(%arg9 : memref<128x128xf32, #tpu.memory_space<vmem>>) dst(%dma_wait3A_97 : memref<10016x128xf32, #tpu.memory_space<vmem_shared>>)
        tpu.yield
      }) : () -> ()
      %lt3A = arith.constant 19 : i32
      %lt3A_71 = arith.cmpi slt, %scan3A_55, %lt3A : i32
      %convert_element_type3A_72 = arith.extui %lt3A_71 : i1 to i32
      %cond3A_73 = arith.constant 0 : i32
      %cond3A_74 = arith.cmpi ne, %convert_element_type3A_72, %cond3A_73 : i32
      scf.if %cond3A_74 {
        %add3A_85 = arith.constant 2 : i32
        %add3A_86 = arith.addi %mul3A_57, %add3A_85 : i32
        %dma_start3A_87 = arith.constant 0 : i32
        %dma_start3A_88 = tpu.memref_slice %arg7[%add3A_86, %dma_start3A_87] : memref<40x128xi32, #tpu.memory_space<vmem>> -> memref<1x128xi32, #tpu.memory_space<vmem>>
        %dma_start3A_89 = tpu.memref_squeeze %dma_start3A_88 : memref<1x128xi32, #tpu.memory_space<vmem>> -> memref<128xi32, #tpu.memory_space<vmem>>
        %dma_start3A_90 = arith.constant 0 : i32
        %dma_start3A_91 = arith.constant 0 : i32
        %dma_start3A_92 = tpu.memref_slice %arg2[%dma_start3A_90, %dma_start3A_91] : memref<10016x128xf32, #tpu.memory_space<hbm>> -> memref<10016x128xf32, #tpu.memory_space<hbm>>
        tpu.enqueue_indirect_dma source(%dma_start3A_92 : memref<10016x128xf32, #tpu.memory_space<hbm>>) target(%arg9 : memref<128x128xf32, #tpu.memory_space<vmem>>) offsets(%dma_start3A_89 : memref<128xi32, #tpu.memory_space<vmem>>) semaphore(%arg11 : memref<!tpu.dma_semaphore, #tpu.memory_space<semaphore_mem>>)
      } else {
      }
      %add3A_75 = arith.constant 1 : i32
      %add3A_76 = arith.addi %mul3A_57, %add3A_75 : i32
      %dma_wait3A_77 = arith.constant 0 : i32
      %dma_wait3A_78 = tpu.memref_slice %arg7[%add3A_76, %dma_wait3A_77] : memref<40x128xi32, #tpu.memory_space<vmem>> -> memref<1x128xi32, #tpu.memory_space<vmem>>
      %dma_wait3A_79 = tpu.memref_squeeze %dma_wait3A_78 : memref<1x128xi32, #tpu.memory_space<vmem>> -> memref<128xi32, #tpu.memory_space<vmem>>
      %dma_wait3A_80 = arith.constant 0 : i32
      %dma_wait3A_81 = arith.constant 0 : i32
      %dma_wait3A_82 = tpu.memref_slice %arg2[%dma_wait3A_80, %dma_wait3A_81] : memref<10016x128xf32, #tpu.memory_space<hbm>> -> memref<10016x128xf32, #tpu.memory_space<hbm>>
      tpu.wait_indirect_dma semaphore(%arg12 : memref<!tpu.dma_semaphore, #tpu.memory_space<semaphore_mem>>) src(%dma_wait3A_82 : memref<10016x128xf32, #tpu.memory_space<hbm>>) dst(%arg10 : memref<128x128xf32, #tpu.memory_space<vmem>>)
      %add3A_83 = arith.constant 1 : i32
      %add3A_84 = arith.addi %mul3A_57, %add3A_83 : i32
      "tpu.region"() ({
        %run_scoped3A_85 = tpu.sem_alloc : memref<!tpu.dma_semaphore, #tpu.memory_space<semaphore_mem>>
        %dma_start3A_86 = arith.constant 0 : i32
        %dma_start3A_87 = tpu.memref_slice %arg8[%add3A_84, %dma_start3A_86] : memref<40x128xi32, #tpu.memory_space<vmem>> -> memref<1x128xi32, #tpu.memory_space<vmem>>
        %dma_start3A_88 = tpu.memref_squeeze %dma_start3A_87 : memref<1x128xi32, #tpu.memory_space<vmem>> -> memref<128xi32, #tpu.memory_space<vmem>>
        %dma_start3A_89 = arith.constant 0 : i32
        %dma_start3A_90 = arith.constant 0 : i32
        %dma_start3A_91 = tpu.memref_slice %arg6[%dma_start3A_89, %dma_start3A_90] : memref<10016x128xf32, #tpu.memory_space<vmem_shared>> -> memref<10016x128xf32, #tpu.memory_space<vmem_shared>>
        tpu.enqueue_indirect_dma source(%arg10 : memref<128x128xf32, #tpu.memory_space<vmem>>) target(%dma_start3A_91 : memref<10016x128xf32, #tpu.memory_space<vmem_shared>>) offsets(%dma_start3A_88 : memref<128xi32, #tpu.memory_space<vmem>>) semaphore(%run_scoped3A_85 : memref<!tpu.dma_semaphore, #tpu.memory_space<semaphore_mem>>) {add = true}
        %dma_wait3A_92 = arith.constant 0 : i32
        %dma_wait3A_93 = tpu.memref_slice %arg8[%add3A_84, %dma_wait3A_92] : memref<40x128xi32, #tpu.memory_space<vmem>> -> memref<1x128xi32, #tpu.memory_space<vmem>>
        %dma_wait3A_94 = tpu.memref_squeeze %dma_wait3A_93 : memref<1x128xi32, #tpu.memory_space<vmem>> -> memref<128xi32, #tpu.memory_space<vmem>>
        %dma_wait3A_95 = arith.constant 0 : i32
        %dma_wait3A_96 = arith.constant 0 : i32
        %dma_wait3A_97 = tpu.memref_slice %arg6[%dma_wait3A_95, %dma_wait3A_96] : memref<10016x128xf32, #tpu.memory_space<vmem_shared>> -> memref<10016x128xf32, #tpu.memory_space<vmem_shared>>
        tpu.wait_indirect_dma semaphore(%run_scoped3A_85 : memref<!tpu.dma_semaphore, #tpu.memory_space<semaphore_mem>>) src(%arg10 : memref<128x128xf32, #tpu.memory_space<vmem>>) dst(%dma_wait3A_97 : memref<10016x128xf32, #tpu.memory_space<vmem_shared>>)
        tpu.yield
      }) : () -> ()
    }
    %scan3A_27 = arith.constant 20 : i32
    %mul3A_28 = arith.constant 80 : i32
    %mul3A_29 = arith.muli %add3A, %mul3A_28 : i32
    %add3A_30 = arith.constant 40 : i32
    %add3A_31 = arith.addi %mul3A_29, %add3A_30 : i32
    %run_scoped3A_32 = arith.constant 0 : i32
    "tpu.region"() ({
      %run_scoped3A_55 = tpu.sem_alloc : memref<!tpu.dma_semaphore, #tpu.memory_space<semaphore_mem>>
      %dma_start3A_56 = arith.constant 0 : i32
      %dma_start3A_57 = tpu.memref_slice %arg4[%run_scoped3A_32, %add3A_31, %dma_start3A_56] : memref<2x2560x128xi32, #tpu.memory_space<hbm>> -> memref<1x40x128xi32, #tpu.memory_space<hbm>>
      %dma_start3A_58 = tpu.memref_squeeze %dma_start3A_57 : memref<1x40x128xi32, #tpu.memory_space<hbm>> -> memref<40x128xi32, #tpu.memory_space<hbm>>
      %dma_start3A_59 = arith.constant 0 : i32
      %dma_start3A_60 = tpu.memref_slice %arg4[%run_scoped3A_32, %add3A_31, %dma_start3A_59] : memref<2x2560x128xi32, #tpu.memory_space<hbm>> -> memref<1x40x128xi32, #tpu.memory_space<hbm>>
      %dma_start3A_61 = tpu.memref_squeeze %dma_start3A_60 : memref<1x40x128xi32, #tpu.memory_space<hbm>> -> memref<40x128xi32, #tpu.memory_space<hbm>>
      tpu.enqueue_dma source(%dma_start3A_61 : memref<40x128xi32, #tpu.memory_space<hbm>>) target(%arg7 : memref<40x128xi32, #tpu.memory_space<vmem>>) target_semaphore(%run_scoped3A_55 : memref<!tpu.dma_semaphore, #tpu.memory_space<semaphore_mem>>)
      %dma_wait3A = arith.constant 0 : i32
      %dma_wait3A_62 = tpu.memref_slice %arg4[%run_scoped3A_32, %add3A_31, %dma_wait3A] : memref<2x2560x128xi32, #tpu.memory_space<hbm>> -> memref<1x40x128xi32, #tpu.memory_space<hbm>>
      %dma_wait3A_63 = tpu.memref_squeeze %dma_wait3A_62 : memref<1x40x128xi32, #tpu.memory_space<hbm>> -> memref<40x128xi32, #tpu.memory_space<hbm>>
      %dma_wait3A_64 = arith.constant 0 : i32
      %dma_wait3A_65 = tpu.memref_slice %arg4[%run_scoped3A_32, %add3A_31, %dma_wait3A_64] : memref<2x2560x128xi32, #tpu.memory_space<hbm>> -> memref<1x40x128xi32, #tpu.memory_space<hbm>>
      %dma_wait3A_66 = tpu.memref_squeeze %dma_wait3A_65 : memref<1x40x128xi32, #tpu.memory_space<hbm>> -> memref<40x128xi32, #tpu.memory_space<hbm>>
      tpu.wait_dma2 semaphore(%run_scoped3A_55 : memref<!tpu.dma_semaphore, #tpu.memory_space<semaphore_mem>>) src(%dma_wait3A_66 : memref<40x128xi32, #tpu.memory_space<hbm>>) dst(%arg7 : memref<40x128xi32, #tpu.memory_space<vmem>>)
      tpu.yield
    }) : () -> ()
    %run_scoped3A_33 = arith.constant 1 : i32
    "tpu.region"() ({
      %run_scoped3A_55 = tpu.sem_alloc : memref<!tpu.dma_semaphore, #tpu.memory_space<semaphore_mem>>
      %dma_start3A_56 = arith.constant 0 : i32
      %dma_start3A_57 = tpu.memref_slice %arg4[%run_scoped3A_33, %add3A_31, %dma_start3A_56] : memref<2x2560x128xi32, #tpu.memory_space<hbm>> -> memref<1x40x128xi32, #tpu.memory_space<hbm>>
      %dma_start3A_58 = tpu.memref_squeeze %dma_start3A_57 : memref<1x40x128xi32, #tpu.memory_space<hbm>> -> memref<40x128xi32, #tpu.memory_space<hbm>>
      %dma_start3A_59 = arith.constant 0 : i32
      %dma_start3A_60 = tpu.memref_slice %arg4[%run_scoped3A_33, %add3A_31, %dma_start3A_59] : memref<2x2560x128xi32, #tpu.memory_space<hbm>> -> memref<1x40x128xi32, #tpu.memory_space<hbm>>
      %dma_start3A_61 = tpu.memref_squeeze %dma_start3A_60 : memref<1x40x128xi32, #tpu.memory_space<hbm>> -> memref<40x128xi32, #tpu.memory_space<hbm>>
      tpu.enqueue_dma source(%dma_start3A_61 : memref<40x128xi32, #tpu.memory_space<hbm>>) target(%arg8 : memref<40x128xi32, #tpu.memory_space<vmem>>) target_semaphore(%run_scoped3A_55 : memref<!tpu.dma_semaphore, #tpu.memory_space<semaphore_mem>>)
      %dma_wait3A = arith.constant 0 : i32
      %dma_wait3A_62 = tpu.memref_slice %arg4[%run_scoped3A_33, %add3A_31, %dma_wait3A] : memref<2x2560x128xi32, #tpu.memory_space<hbm>> -> memref<1x40x128xi32, #tpu.memory_space<hbm>>
      %dma_wait3A_63 = tpu.memref_squeeze %dma_wait3A_62 : memref<1x40x128xi32, #tpu.memory_space<hbm>> -> memref<40x128xi32, #tpu.memory_space<hbm>>
      %dma_wait3A_64 = arith.constant 0 : i32
      %dma_wait3A_65 = tpu.memref_slice %arg4[%run_scoped3A_33, %add3A_31, %dma_wait3A_64] : memref<2x2560x128xi32, #tpu.memory_space<hbm>> -> memref<1x40x128xi32, #tpu.memory_space<hbm>>
      %dma_wait3A_66 = tpu.memref_squeeze %dma_wait3A_65 : memref<1x40x128xi32, #tpu.memory_space<hbm>> -> memref<40x128xi32, #tpu.memory_space<hbm>>
      tpu.wait_dma2 semaphore(%run_scoped3A_55 : memref<!tpu.dma_semaphore, #tpu.memory_space<semaphore_mem>>) src(%dma_wait3A_66 : memref<40x128xi32, #tpu.memory_space<hbm>>) dst(%arg8 : memref<40x128xi32, #tpu.memory_space<vmem>>)
      tpu.yield
    }) : () -> ()
    %dma_start3A_34 = arith.constant 0 : i32
    %dma_start3A_35 = arith.constant 0 : i32
    %dma_start3A_36 = tpu.memref_slice %arg7[%dma_start3A_34, %dma_start3A_35] : memref<40x128xi32, #tpu.memory_space<vmem>> -> memref<1x128xi32, #tpu.memory_space<vmem>>
    %dma_start3A_37 = tpu.memref_squeeze %dma_start3A_36 : memref<1x128xi32, #tpu.memory_space<vmem>> -> memref<128xi32, #tpu.memory_space<vmem>>
    %dma_start3A_38 = arith.constant 0 : i32
    %dma_start3A_39 = arith.constant 0 : i32
    %dma_start3A_40 = tpu.memref_slice %arg2[%dma_start3A_38, %dma_start3A_39] : memref<10016x128xf32, #tpu.memory_space<hbm>> -> memref<10016x128xf32, #tpu.memory_space<hbm>>
    tpu.enqueue_indirect_dma source(%dma_start3A_40 : memref<10016x128xf32, #tpu.memory_space<hbm>>) target(%arg9 : memref<128x128xf32, #tpu.memory_space<vmem>>) offsets(%dma_start3A_37 : memref<128xi32, #tpu.memory_space<vmem>>) semaphore(%arg11 : memref<!tpu.dma_semaphore, #tpu.memory_space<semaphore_mem>>)
    %scan3A_41 = arith.constant 0 : i32
    %scan3A_42 = arith.constant 0 : i32
    %scan3A_43 = arith.constant 20 : i32
    %scan3A_44 = arith.addi %scan3A_42, %scan3A_43 : i32
    %scan3A_45 = arith.constant 1 : i32
    scf.for %scan3A_55 = %scan3A_42 to %scan3A_44 step %scan3A_45  : i32 {
      %mul3A_56 = arith.constant 2 : i32
      %mul3A_57 = arith.muli %mul3A_56, %scan3A_55 : i32
      %add3A_58 = arith.constant 1 : i32
      %add3A_59 = arith.addi %mul3A_57, %add3A_58 : i32
      %dma_start3A_60 = arith.constant 0 : i32
      %dma_start3A_61 = tpu.memref_slice %arg7[%add3A_59, %dma_start3A_60] : memref<40x128xi32, #tpu.memory_space<vmem>> -> memref<1x128xi32, #tpu.memory_space<vmem>>
      %dma_start3A_62 = tpu.memref_squeeze %dma_start3A_61 : memref<1x128xi32, #tpu.memory_space<vmem>> -> memref<128xi32, #tpu.memory_space<vmem>>
      %dma_start3A_63 = arith.constant 0 : i32
      %dma_start3A_64 = arith.constant 0 : i32
      %dma_start3A_65 = tpu.memref_slice %arg2[%dma_start3A_63, %dma_start3A_64] : memref<10016x128xf32, #tpu.memory_space<hbm>> -> memref<10016x128xf32, #tpu.memory_space<hbm>>
      tpu.enqueue_indirect_dma source(%dma_start3A_65 : memref<10016x128xf32, #tpu.memory_space<hbm>>) target(%arg10 : memref<128x128xf32, #tpu.memory_space<vmem>>) offsets(%dma_start3A_62 : memref<128xi32, #tpu.memory_space<vmem>>) semaphore(%arg12 : memref<!tpu.dma_semaphore, #tpu.memory_space<semaphore_mem>>)
      %dma_wait3A = arith.constant 0 : i32
      %dma_wait3A_66 = tpu.memref_slice %arg7[%mul3A_57, %dma_wait3A] : memref<40x128xi32, #tpu.memory_space<vmem>> -> memref<1x128xi32, #tpu.memory_space<vmem>>
      %dma_wait3A_67 = tpu.memref_squeeze %dma_wait3A_66 : memref<1x128xi32, #tpu.memory_space<vmem>> -> memref<128xi32, #tpu.memory_space<vmem>>
      %dma_wait3A_68 = arith.constant 0 : i32
      %dma_wait3A_69 = arith.constant 0 : i32
      %dma_wait3A_70 = tpu.memref_slice %arg2[%dma_wait3A_68, %dma_wait3A_69] : memref<10016x128xf32, #tpu.memory_space<hbm>> -> memref<10016x128xf32, #tpu.memory_space<hbm>>
      tpu.wait_indirect_dma semaphore(%arg11 : memref<!tpu.dma_semaphore, #tpu.memory_space<semaphore_mem>>) src(%dma_wait3A_70 : memref<10016x128xf32, #tpu.memory_space<hbm>>) dst(%arg9 : memref<128x128xf32, #tpu.memory_space<vmem>>)
      "tpu.region"() ({
        %run_scoped3A_85 = tpu.sem_alloc : memref<!tpu.dma_semaphore, #tpu.memory_space<semaphore_mem>>
        %dma_start3A_86 = arith.constant 0 : i32
        %dma_start3A_87 = tpu.memref_slice %arg8[%mul3A_57, %dma_start3A_86] : memref<40x128xi32, #tpu.memory_space<vmem>> -> memref<1x128xi32, #tpu.memory_space<vmem>>
        %dma_start3A_88 = tpu.memref_squeeze %dma_start3A_87 : memref<1x128xi32, #tpu.memory_space<vmem>> -> memref<128xi32, #tpu.memory_space<vmem>>
        %dma_start3A_89 = arith.constant 0 : i32
        %dma_start3A_90 = arith.constant 0 : i32
        %dma_start3A_91 = tpu.memref_slice %arg6[%dma_start3A_89, %dma_start3A_90] : memref<10016x128xf32, #tpu.memory_space<vmem_shared>> -> memref<10016x128xf32, #tpu.memory_space<vmem_shared>>
        tpu.enqueue_indirect_dma source(%arg9 : memref<128x128xf32, #tpu.memory_space<vmem>>) target(%dma_start3A_91 : memref<10016x128xf32, #tpu.memory_space<vmem_shared>>) offsets(%dma_start3A_88 : memref<128xi32, #tpu.memory_space<vmem>>) semaphore(%run_scoped3A_85 : memref<!tpu.dma_semaphore, #tpu.memory_space<semaphore_mem>>) {add = true}
        %dma_wait3A_92 = arith.constant 0 : i32
        %dma_wait3A_93 = tpu.memref_slice %arg8[%mul3A_57, %dma_wait3A_92] : memref<40x128xi32, #tpu.memory_space<vmem>> -> memref<1x128xi32, #tpu.memory_space<vmem>>
        %dma_wait3A_94 = tpu.memref_squeeze %dma_wait3A_93 : memref<1x128xi32, #tpu.memory_space<vmem>> -> memref<128xi32, #tpu.memory_space<vmem>>
        %dma_wait3A_95 = arith.constant 0 : i32
        %dma_wait3A_96 = arith.constant 0 : i32
        %dma_wait3A_97 = tpu.memref_slice %arg6[%dma_wait3A_95, %dma_wait3A_96] : memref<10016x128xf32, #tpu.memory_space<vmem_shared>> -> memref<10016x128xf32, #tpu.memory_space<vmem_shared>>
        tpu.wait_indirect_dma semaphore(%run_scoped3A_85 : memref<!tpu.dma_semaphore, #tpu.memory_space<semaphore_mem>>) src(%arg9 : memref<128x128xf32, #tpu.memory_space<vmem>>) dst(%dma_wait3A_97 : memref<10016x128xf32, #tpu.memory_space<vmem_shared>>)
        tpu.yield
      }) : () -> ()
      %lt3A = arith.constant 19 : i32
      %lt3A_71 = arith.cmpi slt, %scan3A_55, %lt3A : i32
      %convert_element_type3A_72 = arith.extui %lt3A_71 : i1 to i32
      %cond3A_73 = arith.constant 0 : i32
      %cond3A_74 = arith.cmpi ne, %convert_element_type3A_72, %cond3A_73 : i32
      scf.if %cond3A_74 {
        %add3A_85 = arith.constant 2 : i32
        %add3A_86 = arith.addi %mul3A_57, %add3A_85 : i32
        %dma_start3A_87 = arith.constant 0 : i32
        %dma_start3A_88 = tpu.memref_slice %arg7[%add3A_86, %dma_start3A_87] : memref<40x128xi32, #tpu.memory_space<vmem>> -> memref<1x128xi32, #tpu.memory_space<vmem>>
        %dma_start3A_89 = tpu.memref_squeeze %dma_start3A_88 : memref<1x128xi32, #tpu.memory_space<vmem>> -> memref<128xi32, #tpu.memory_space<vmem>>
        %dma_start3A_90 = arith.constant 0 : i32
        %dma_start3A_91 = arith.constant 0 : i32
        %dma_start3A_92 = tpu.memref_slice %arg2[%dma_start3A_90, %dma_start3A_91] : memref<10016x128xf32, #tpu.memory_space<hbm>> -> memref<10016x128xf32, #tpu.memory_space<hbm>>
        tpu.enqueue_indirect_dma source(%dma_start3A_92 : memref<10016x128xf32, #tpu.memory_space<hbm>>) target(%arg9 : memref<128x128xf32, #tpu.memory_space<vmem>>) offsets(%dma_start3A_89 : memref<128xi32, #tpu.memory_space<vmem>>) semaphore(%arg11 : memref<!tpu.dma_semaphore, #tpu.memory_space<semaphore_mem>>)
      } else {
      }
      %add3A_75 = arith.constant 1 : i32
      %add3A_76 = arith.addi %mul3A_57, %add3A_75 : i32
      %dma_wait3A_77 = arith.constant 0 : i32
      %dma_wait3A_78 = tpu.memref_slice %arg7[%add3A_76, %dma_wait3A_77] : memref<40x128xi32, #tpu.memory_space<vmem>> -> memref<1x128xi32, #tpu.memory_space<vmem>>
      %dma_wait3A_79 = tpu.memref_squeeze %dma_wait3A_78 : memref<1x128xi32, #tpu.memory_space<vmem>> -> memref<128xi32, #tpu.memory_space<vmem>>
      %dma_wait3A_80 = arith.constant 0 : i32
      %dma_wait3A_81 = arith.constant 0 : i32
      %dma_wait3A_82 = tpu.memref_slice %arg2[%dma_wait3A_80, %dma_wait3A_81] : memref<10016x128xf32, #tpu.memory_space<hbm>> -> memref<10016x128xf32, #tpu.memory_space<hbm>>
      tpu.wait_indirect_dma semaphore(%arg12 : memref<!tpu.dma_semaphore, #tpu.memory_space<semaphore_mem>>) src(%dma_wait3A_82 : memref<10016x128xf32, #tpu.memory_space<hbm>>) dst(%arg10 : memref<128x128xf32, #tpu.memory_space<vmem>>)
      %add3A_83 = arith.constant 1 : i32
      %add3A_84 = arith.addi %mul3A_57, %add3A_83 : i32
      "tpu.region"() ({
        %run_scoped3A_85 = tpu.sem_alloc : memref<!tpu.dma_semaphore, #tpu.memory_space<semaphore_mem>>
        %dma_start3A_86 = arith.constant 0 : i32
        %dma_start3A_87 = tpu.memref_slice %arg8[%add3A_84, %dma_start3A_86] : memref<40x128xi32, #tpu.memory_space<vmem>> -> memref<1x128xi32, #tpu.memory_space<vmem>>
        %dma_start3A_88 = tpu.memref_squeeze %dma_start3A_87 : memref<1x128xi32, #tpu.memory_space<vmem>> -> memref<128xi32, #tpu.memory_space<vmem>>
        %dma_start3A_89 = arith.constant 0 : i32
        %dma_start3A_90 = arith.constant 0 : i32
        %dma_start3A_91 = tpu.memref_slice %arg6[%dma_start3A_89, %dma_start3A_90] : memref<10016x128xf32, #tpu.memory_space<vmem_shared>> -> memref<10016x128xf32, #tpu.memory_space<vmem_shared>>
        tpu.enqueue_indirect_dma source(%arg10 : memref<128x128xf32, #tpu.memory_space<vmem>>) target(%dma_start3A_91 : memref<10016x128xf32, #tpu.memory_space<vmem_shared>>) offsets(%dma_start3A_88 : memref<128xi32, #tpu.memory_space<vmem>>) semaphore(%run_scoped3A_85 : memref<!tpu.dma_semaphore, #tpu.memory_space<semaphore_mem>>) {add = true}
        %dma_wait3A_92 = arith.constant 0 : i32
        %dma_wait3A_93 = tpu.memref_slice %arg8[%add3A_84, %dma_wait3A_92] : memref<40x128xi32, #tpu.memory_space<vmem>> -> memref<1x128xi32, #tpu.memory_space<vmem>>
        %dma_wait3A_94 = tpu.memref_squeeze %dma_wait3A_93 : memref<1x128xi32, #tpu.memory_space<vmem>> -> memref<128xi32, #tpu.memory_space<vmem>>
        %dma_wait3A_95 = arith.constant 0 : i32
        %dma_wait3A_96 = arith.constant 0 : i32
        %dma_wait3A_97 = tpu.memref_slice %arg6[%dma_wait3A_95, %dma_wait3A_96] : memref<10016x128xf32, #tpu.memory_space<vmem_shared>> -> memref<10016x128xf32, #tpu.memory_space<vmem_shared>>
        tpu.wait_indirect_dma semaphore(%run_scoped3A_85 : memref<!tpu.dma_semaphore, #tpu.memory_space<semaphore_mem>>) src(%arg10 : memref<128x128xf32, #tpu.memory_space<vmem>>) dst(%dma_wait3A_97 : memref<10016x128xf32, #tpu.memory_space<vmem_shared>>)
        tpu.yield
      }) : () -> ()
    }
    %scan3A_46 = arith.constant 20 : i32
    %barrier3A_47 = arith.constant 0 : index
    tpu.barrier barrier_id(%barrier3A_47)
    %mul3A_48 = arith.constant 624 : i32
    %mul3A_49 = arith.muli %arg1, %mul3A_48 : i32
    "tpu.region"() ({
      %run_scoped3A_55 = tpu.sem_alloc : memref<!tpu.dma_semaphore, #tpu.memory_space<semaphore_mem>>
      %dma_start3A_56 = arith.constant 0 : i32
      %dma_start3A_57 = arith.constant 0 : i32
      %dma_start3A_58 = tpu.memref_slice %arg5[%arg0, %dma_start3A_56, %dma_start3A_57] : memref<2x10016x128xf32, #tpu.memory_space<hbm>> -> memref<1x10016x128xf32, #tpu.memory_space<hbm>>
      %dma_start3A_59 = tpu.memref_squeeze %dma_start3A_58 : memref<1x10016x128xf32, #tpu.memory_space<hbm>> -> memref<10016x128xf32, #tpu.memory_space<hbm>>
      %dma_start3A_60 = arith.constant 0 : i32
      %dma_start3A_61 = tpu.memref_slice %dma_start3A_59[%mul3A_49, %dma_start3A_60] : memref<10016x128xf32, #tpu.memory_space<hbm>> -> memref<624x128xf32, #tpu.memory_space<hbm>>
      %dma_start3A_62 = arith.constant 0 : i32
      %dma_start3A_63 = tpu.memref_slice %arg6[%mul3A_49, %dma_start3A_62] : memref<10016x128xf32, #tpu.memory_space<vmem_shared>> -> memref<624x128xf32, #tpu.memory_space<vmem_shared>>
      tpu.enqueue_dma source(%dma_start3A_63 : memref<624x128xf32, #tpu.memory_space<vmem_shared>>) target(%dma_start3A_61 : memref<624x128xf32, #tpu.memory_space<hbm>>) target_semaphore(%run_scoped3A_55 : memref<!tpu.dma_semaphore, #tpu.memory_space<semaphore_mem>>)
      %dma_wait3A = arith.constant 0 : i32
      %dma_wait3A_64 = arith.constant 0 : i32
      %dma_wait3A_65 = tpu.memref_slice %arg5[%arg0, %dma_wait3A, %dma_wait3A_64] : memref<2x10016x128xf32, #tpu.memory_space<hbm>> -> memref<1x10016x128xf32, #tpu.memory_space<hbm>>
      %dma_wait3A_66 = tpu.memref_squeeze %dma_wait3A_65 : memref<1x10016x128xf32, #tpu.memory_space<hbm>> -> memref<10016x128xf32, #tpu.memory_space<hbm>>
      %dma_wait3A_67 = arith.constant 0 : i32
      %dma_wait3A_68 = tpu.memref_slice %dma_wait3A_66[%mul3A_49, %dma_wait3A_67] : memref<10016x128xf32, #tpu.memory_space<hbm>> -> memref<624x128xf32, #tpu.memory_space<hbm>>
      %dma_wait3A_69 = arith.constant 0 : i32
      %dma_wait3A_70 = tpu.memref_slice %arg6[%mul3A_49, %dma_wait3A_69] : memref<10016x128xf32, #tpu.memory_space<vmem_shared>> -> memref<624x128xf32, #tpu.memory_space<vmem_shared>>
      tpu.wait_dma2 semaphore(%run_scoped3A_55 : memref<!tpu.dma_semaphore, #tpu.memory_space<semaphore_mem>>) src(%dma_wait3A_70 : memref<624x128xf32, #tpu.memory_space<vmem_shared>>) dst(%dma_wait3A_68 : memref<624x128xf32, #tpu.memory_space<hbm>>)
      tpu.yield
    }) : () -> ()
    %eq3A_50 = arith.constant 0 : i32
    %eq3A_51 = arith.cmpi eq, %arg1, %eq3A_50 : i32
    %convert_element_type3A_52 = arith.extui %eq3A_51 : i1 to i32
    %cond3A_53 = arith.constant 0 : i32
    %cond3A_54 = arith.cmpi ne, %convert_element_type3A_52, %cond3A_53 : i32
    scf.if %cond3A_54 {
      "tpu.region"() ({
        %run_scoped3A_55 = tpu.sem_alloc : memref<!tpu.dma_semaphore, #tpu.memory_space<semaphore_mem>>
        %dma_start3A_56 = arith.constant 0 : i32
        %dma_start3A_57 = arith.constant 0 : i32
        %dma_start3A_58 = tpu.memref_slice %arg5[%arg0, %dma_start3A_56, %dma_start3A_57] : memref<2x10016x128xf32, #tpu.memory_space<hbm>> -> memref<1x10016x128xf32, #tpu.memory_space<hbm>>
        %dma_start3A_59 = tpu.memref_squeeze %dma_start3A_58 : memref<1x10016x128xf32, #tpu.memory_space<hbm>> -> memref<10016x128xf32, #tpu.memory_space<hbm>>
        %dma_start3A_60 = arith.constant 9984 : i32
        %dma_start3A_61 = arith.constant 0 : i32
        %dma_start3A_62 = tpu.memref_slice %dma_start3A_59[%dma_start3A_60, %dma_start3A_61] : memref<10016x128xf32, #tpu.memory_space<hbm>> -> memref<16x128xf32, #tpu.memory_space<hbm>>
        %dma_start3A_63 = arith.constant 9984 : i32
        %dma_start3A_64 = arith.constant 0 : i32
        %dma_start3A_65 = tpu.memref_slice %arg6[%dma_start3A_63, %dma_start3A_64] : memref<10016x128xf32, #tpu.memory_space<vmem_shared>> -> memref<16x128xf32, #tpu.memory_space<vmem_shared>>
        tpu.enqueue_dma source(%dma_start3A_65 : memref<16x128xf32, #tpu.memory_space<vmem_shared>>) target(%dma_start3A_62 : memref<16x128xf32, #tpu.memory_space<hbm>>) target_semaphore(%run_scoped3A_55 : memref<!tpu.dma_semaphore, #tpu.memory_space<semaphore_mem>>)
        %dma_wait3A = arith.constant 0 : i32
        %dma_wait3A_66 = arith.constant 0 : i32
        %dma_wait3A_67 = tpu.memref_slice %arg5[%arg0, %dma_wait3A, %dma_wait3A_66] : memref<2x10016x128xf32, #tpu.memory_space<hbm>> -> memref<1x10016x128xf32, #tpu.memory_space<hbm>>
        %dma_wait3A_68 = tpu.memref_squeeze %dma_wait3A_67 : memref<1x10016x128xf32, #tpu.memory_space<hbm>> -> memref<10016x128xf32, #tpu.memory_space<hbm>>
        %dma_wait3A_69 = arith.constant 9984 : i32
        %dma_wait3A_70 = arith.constant 0 : i32
        %dma_wait3A_71 = tpu.memref_slice %dma_wait3A_68[%dma_wait3A_69, %dma_wait3A_70] : memref<10016x128xf32, #tpu.memory_space<hbm>> -> memref<16x128xf32, #tpu.memory_space<hbm>>
        %dma_wait3A_72 = arith.constant 9984 : i32
        %dma_wait3A_73 = arith.constant 0 : i32
        %dma_wait3A_74 = tpu.memref_slice %arg6[%dma_wait3A_72, %dma_wait3A_73] : memref<10016x128xf32, #tpu.memory_space<vmem_shared>> -> memref<16x128xf32, #tpu.memory_space<vmem_shared>>
        tpu.wait_dma2 semaphore(%run_scoped3A_55 : memref<!tpu.dma_semaphore, #tpu.memory_space<semaphore_mem>>) src(%dma_wait3A_74 : memref<16x128xf32, #tpu.memory_space<vmem_shared>>) dst(%dma_wait3A_71 : memref<16x128xf32, #tpu.memory_space<hbm>>)
        tpu.yield
      }) : () -> ()
    } else {
    }
    return
  }
}

#map = affine_map<(d0, d1) -> (0, 0, 0)>
#map1 = affine_map<(d0, d1) -> (0, 0)>
module attributes {stable_mosaic.version = 14 : i64} {
  func.func @_hist_body(%arg0: i32, %arg1: i32, %arg2: memref<2x2560x128xi32, #tpu.memory_space<hbm>>, %arg3: memref<128x128xf32, #tpu.memory_space<hbm>>, %arg4: memref<624x128xf32, #tpu.memory_space<hbm>>, %arg5: memref<2x10016x128xf32, #tpu.memory_space<hbm>>, %arg6: memref<10016x128xf32, #tpu.memory_space<vmem_shared>>, %arg7: memref<80x128xi32, #tpu.memory_space<vmem>>, %arg8: memref<128x128xf32, #tpu.memory_space<vmem>>, %arg9: memref<!tpu.dma_semaphore, #tpu.memory_space<semaphore_mem>>) attributes {dimension_semantics = [#tpu.dimension_semantics<core_parallel>, #tpu.dimension_semantics<subcore_parallel>], iteration_bounds = array<i64: 2, 16>, scalar_prefetch = 0 : i64, scratch_operands = 4 : i64, tpu.core_type = #tpu.core_type<sc_vector_subcore>, window_params = [{transform_indices = #map}, {transform_indices = #map1}, {transform_indices = #map1}, {transform_indices = #map}]} {
    %mul3A = arith.constant 16 : i32
    %mul3A_0 = arith.muli %arg0, %mul3A : i32
    %add3A = arith.addi %mul3A_0, %arg1 : i32
    %mul3A_1 = arith.constant 624 : i32
    %mul3A_2 = arith.muli %arg1, %mul3A_1 : i32
    "tpu.region"() ({
      %run_scoped3A_20 = tpu.sem_alloc : memref<!tpu.dma_semaphore, #tpu.memory_space<semaphore_mem>>
      %dma_start3A = arith.constant 0 : i32
      %dma_start3A_21 = tpu.memref_slice %arg6[%mul3A_2, %dma_start3A] : memref<10016x128xf32, #tpu.memory_space<vmem_shared>> -> memref<624x128xf32, #tpu.memory_space<vmem_shared>>
      %dma_start3A_22 = arith.constant 0 : i32
      %dma_start3A_23 = arith.constant 0 : i32
      %dma_start3A_24 = tpu.memref_slice %arg4[%dma_start3A_22, %dma_start3A_23] : memref<624x128xf32, #tpu.memory_space<hbm>> -> memref<624x128xf32, #tpu.memory_space<hbm>>
      tpu.enqueue_dma source(%dma_start3A_24 : memref<624x128xf32, #tpu.memory_space<hbm>>) target(%dma_start3A_21 : memref<624x128xf32, #tpu.memory_space<vmem_shared>>) target_semaphore(%run_scoped3A_20 : memref<!tpu.dma_semaphore, #tpu.memory_space<semaphore_mem>>)
      %dma_wait3A = arith.constant 0 : i32
      %dma_wait3A_25 = tpu.memref_slice %arg6[%mul3A_2, %dma_wait3A] : memref<10016x128xf32, #tpu.memory_space<vmem_shared>> -> memref<624x128xf32, #tpu.memory_space<vmem_shared>>
      %dma_wait3A_26 = arith.constant 0 : i32
      %dma_wait3A_27 = arith.constant 0 : i32
      %dma_wait3A_28 = tpu.memref_slice %arg4[%dma_wait3A_26, %dma_wait3A_27] : memref<624x128xf32, #tpu.memory_space<hbm>> -> memref<624x128xf32, #tpu.memory_space<hbm>>
      tpu.wait_dma2 semaphore(%run_scoped3A_20 : memref<!tpu.dma_semaphore, #tpu.memory_space<semaphore_mem>>) src(%dma_wait3A_28 : memref<624x128xf32, #tpu.memory_space<hbm>>) dst(%dma_wait3A_25 : memref<624x128xf32, #tpu.memory_space<vmem_shared>>)
      tpu.yield
    }) : () -> ()
    %eq3A = arith.constant 0 : i32
    %eq3A_3 = arith.cmpi eq, %arg1, %eq3A : i32
    %convert_element_type3A = arith.extui %eq3A_3 : i1 to i32
    %cond3A = arith.constant 0 : i32
    %cond3A_4 = arith.cmpi ne, %convert_element_type3A, %cond3A : i32
    scf.if %cond3A_4 {
      "tpu.region"() ({
        %run_scoped3A_20 = tpu.sem_alloc : memref<!tpu.dma_semaphore, #tpu.memory_space<semaphore_mem>>
        %dma_start3A = arith.constant 9984 : i32
        %dma_start3A_21 = arith.constant 0 : i32
        %dma_start3A_22 = tpu.memref_slice %arg6[%dma_start3A, %dma_start3A_21] : memref<10016x128xf32, #tpu.memory_space<vmem_shared>> -> memref<16x128xf32, #tpu.memory_space<vmem_shared>>
        %dma_start3A_23 = arith.constant 0 : i32
        %dma_start3A_24 = arith.constant 0 : i32
        %dma_start3A_25 = tpu.memref_slice %arg4[%dma_start3A_23, %dma_start3A_24] : memref<624x128xf32, #tpu.memory_space<hbm>> -> memref<16x128xf32, #tpu.memory_space<hbm>>
        tpu.enqueue_dma source(%dma_start3A_25 : memref<16x128xf32, #tpu.memory_space<hbm>>) target(%dma_start3A_22 : memref<16x128xf32, #tpu.memory_space<vmem_shared>>) target_semaphore(%run_scoped3A_20 : memref<!tpu.dma_semaphore, #tpu.memory_space<semaphore_mem>>)
        %dma_wait3A = arith.constant 9984 : i32
        %dma_wait3A_26 = arith.constant 0 : i32
        %dma_wait3A_27 = tpu.memref_slice %arg6[%dma_wait3A, %dma_wait3A_26] : memref<10016x128xf32, #tpu.memory_space<vmem_shared>> -> memref<16x128xf32, #tpu.memory_space<vmem_shared>>
        %dma_wait3A_28 = arith.constant 0 : i32
        %dma_wait3A_29 = arith.constant 0 : i32
        %dma_wait3A_30 = tpu.memref_slice %arg4[%dma_wait3A_28, %dma_wait3A_29] : memref<624x128xf32, #tpu.memory_space<hbm>> -> memref<16x128xf32, #tpu.memory_space<hbm>>
        tpu.wait_dma2 semaphore(%run_scoped3A_20 : memref<!tpu.dma_semaphore, #tpu.memory_space<semaphore_mem>>) src(%dma_wait3A_30 : memref<16x128xf32, #tpu.memory_space<hbm>>) dst(%dma_wait3A_27 : memref<16x128xf32, #tpu.memory_space<vmem_shared>>)
        tpu.yield
      }) : () -> ()
    } else {
    }
    "tpu.region"() ({
      %run_scoped3A_20 = tpu.sem_alloc : memref<!tpu.dma_semaphore, #tpu.memory_space<semaphore_mem>>
      tpu.enqueue_dma source(%arg3 : memref<128x128xf32, #tpu.memory_space<hbm>>) target(%arg8 : memref<128x128xf32, #tpu.memory_space<vmem>>) target_semaphore(%run_scoped3A_20 : memref<!tpu.dma_semaphore, #tpu.memory_space<semaphore_mem>>)
      tpu.wait_dma2 semaphore(%run_scoped3A_20 : memref<!tpu.dma_semaphore, #tpu.memory_space<semaphore_mem>>) src(%arg3 : memref<128x128xf32, #tpu.memory_space<hbm>>) dst(%arg8 : memref<128x128xf32, #tpu.memory_space<vmem>>)
      tpu.yield
    }) : () -> ()
    %mul3A_5 = arith.constant 80 : i32
    %mul3A_6 = arith.muli %add3A, %mul3A_5 : i32
    %run_scoped3A = arith.constant 1 : i32
    "tpu.region"() ({
      %run_scoped3A_20 = tpu.sem_alloc : memref<!tpu.dma_semaphore, #tpu.memory_space<semaphore_mem>>
      %dma_start3A = arith.constant 0 : i32
      %dma_start3A_21 = tpu.memref_slice %arg2[%run_scoped3A, %mul3A_6, %dma_start3A] : memref<2x2560x128xi32, #tpu.memory_space<hbm>> -> memref<1x80x128xi32, #tpu.memory_space<hbm>>
      %dma_start3A_22 = tpu.memref_squeeze %dma_start3A_21 : memref<1x80x128xi32, #tpu.memory_space<hbm>> -> memref<80x128xi32, #tpu.memory_space<hbm>>
      %dma_start3A_23 = arith.constant 0 : i32
      %dma_start3A_24 = tpu.memref_slice %arg2[%run_scoped3A, %mul3A_6, %dma_start3A_23] : memref<2x2560x128xi32, #tpu.memory_space<hbm>> -> memref<1x80x128xi32, #tpu.memory_space<hbm>>
      %dma_start3A_25 = tpu.memref_squeeze %dma_start3A_24 : memref<1x80x128xi32, #tpu.memory_space<hbm>> -> memref<80x128xi32, #tpu.memory_space<hbm>>
      tpu.enqueue_dma source(%dma_start3A_25 : memref<80x128xi32, #tpu.memory_space<hbm>>) target(%arg7 : memref<80x128xi32, #tpu.memory_space<vmem>>) target_semaphore(%run_scoped3A_20 : memref<!tpu.dma_semaphore, #tpu.memory_space<semaphore_mem>>)
      %dma_wait3A = arith.constant 0 : i32
      %dma_wait3A_26 = tpu.memref_slice %arg2[%run_scoped3A, %mul3A_6, %dma_wait3A] : memref<2x2560x128xi32, #tpu.memory_space<hbm>> -> memref<1x80x128xi32, #tpu.memory_space<hbm>>
      %dma_wait3A_27 = tpu.memref_squeeze %dma_wait3A_26 : memref<1x80x128xi32, #tpu.memory_space<hbm>> -> memref<80x128xi32, #tpu.memory_space<hbm>>
      %dma_wait3A_28 = arith.constant 0 : i32
      %dma_wait3A_29 = tpu.memref_slice %arg2[%run_scoped3A, %mul3A_6, %dma_wait3A_28] : memref<2x2560x128xi32, #tpu.memory_space<hbm>> -> memref<1x80x128xi32, #tpu.memory_space<hbm>>
      %dma_wait3A_30 = tpu.memref_squeeze %dma_wait3A_29 : memref<1x80x128xi32, #tpu.memory_space<hbm>> -> memref<80x128xi32, #tpu.memory_space<hbm>>
      tpu.wait_dma2 semaphore(%run_scoped3A_20 : memref<!tpu.dma_semaphore, #tpu.memory_space<semaphore_mem>>) src(%dma_wait3A_30 : memref<80x128xi32, #tpu.memory_space<hbm>>) dst(%arg7 : memref<80x128xi32, #tpu.memory_space<vmem>>)
      tpu.yield
    }) : () -> ()
    %barrier3A = arith.constant 0 : index
    tpu.barrier barrier_id(%barrier3A)
    %scan3A = arith.constant 0 : i32
    %scan3A_7 = arith.constant 0 : i32
    %scan3A_8 = arith.constant 10 : i32
    %scan3A_9 = arith.addi %scan3A_7, %scan3A_8 : i32
    %scan3A_10 = arith.constant 1 : i32
    scf.for %scan3A_20 = %scan3A_7 to %scan3A_9 step %scan3A_10  : i32 {
      %scan3A_21 = arith.constant 0 : i32
      %scan3A_22 = arith.constant 0 : i32
      %scan3A_23 = arith.constant 8 : i32
      %scan3A_24 = arith.addi %scan3A_22, %scan3A_23 : i32
      %scan3A_25 = arith.constant 1 : i32
      scf.for %scan3A_33 = %scan3A_22 to %scan3A_24 step %scan3A_25  : i32 {
        %mul3A_34 = arith.constant 8 : i32
        %mul3A_35 = arith.muli %scan3A_20, %mul3A_34 : i32
        %add3A_36 = arith.addi %mul3A_35, %scan3A_33 : i32
        %dma_start3A = arith.constant 0 : i32
        %dma_start3A_37 = tpu.memref_slice %arg7[%add3A_36, %dma_start3A] : memref<80x128xi32, #tpu.memory_space<vmem>> -> memref<1x128xi32, #tpu.memory_space<vmem>>
        %dma_start3A_38 = tpu.memref_squeeze %dma_start3A_37 : memref<1x128xi32, #tpu.memory_space<vmem>> -> memref<128xi32, #tpu.memory_space<vmem>>
        %dma_start3A_39 = arith.constant 0 : i32
        %dma_start3A_40 = arith.constant 0 : i32
        %dma_start3A_41 = tpu.memref_slice %arg6[%dma_start3A_39, %dma_start3A_40] : memref<10016x128xf32, #tpu.memory_space<vmem_shared>> -> memref<10016x128xf32, #tpu.memory_space<vmem_shared>>
        tpu.enqueue_indirect_dma source(%arg8 : memref<128x128xf32, #tpu.memory_space<vmem>>) target(%dma_start3A_41 : memref<10016x128xf32, #tpu.memory_space<vmem_shared>>) offsets(%dma_start3A_38 : memref<128xi32, #tpu.memory_space<vmem>>) semaphore(%arg9 : memref<!tpu.dma_semaphore, #tpu.memory_space<semaphore_mem>>) {add = true}
      }
      %scan3A_26 = arith.constant 8 : i32
      %scan3A_27 = arith.constant 0 : i32
      %scan3A_28 = arith.constant 0 : i32
      %scan3A_29 = arith.constant 8 : i32
      %scan3A_30 = arith.addi %scan3A_28, %scan3A_29 : i32
      %scan3A_31 = arith.constant 1 : i32
      scf.for %scan3A_33 = %scan3A_28 to %scan3A_30 step %scan3A_31  : i32 {
        %mul3A_34 = arith.constant 8 : i32
        %mul3A_35 = arith.muli %scan3A_20, %mul3A_34 : i32
        %add3A_36 = arith.addi %mul3A_35, %scan3A_33 : i32
        %dma_wait3A = arith.constant 0 : i32
        %dma_wait3A_37 = tpu.memref_slice %arg7[%add3A_36, %dma_wait3A] : memref<80x128xi32, #tpu.memory_space<vmem>> -> memref<1x128xi32, #tpu.memory_space<vmem>>
        %dma_wait3A_38 = tpu.memref_squeeze %dma_wait3A_37 : memref<1x128xi32, #tpu.memory_space<vmem>> -> memref<128xi32, #tpu.memory_space<vmem>>
        %dma_wait3A_39 = arith.constant 0 : i32
        %dma_wait3A_40 = arith.constant 0 : i32
        %dma_wait3A_41 = tpu.memref_slice %arg6[%dma_wait3A_39, %dma_wait3A_40] : memref<10016x128xf32, #tpu.memory_space<vmem_shared>> -> memref<10016x128xf32, #tpu.memory_space<vmem_shared>>
        tpu.wait_indirect_dma semaphore(%arg9 : memref<!tpu.dma_semaphore, #tpu.memory_space<semaphore_mem>>) src(%arg8 : memref<128x128xf32, #tpu.memory_space<vmem>>) dst(%dma_wait3A_41 : memref<10016x128xf32, #tpu.memory_space<vmem_shared>>)
      }
      %scan3A_32 = arith.constant 8 : i32
    }
    %scan3A_11 = arith.constant 10 : i32
    %barrier3A_12 = arith.constant 0 : index
    tpu.barrier barrier_id(%barrier3A_12)
    %mul3A_13 = arith.constant 624 : i32
    %mul3A_14 = arith.muli %arg1, %mul3A_13 : i32
    "tpu.region"() ({
      %run_scoped3A_20 = tpu.sem_alloc : memref<!tpu.dma_semaphore, #tpu.memory_space<semaphore_mem>>
      %dma_start3A = arith.constant 0 : i32
      %dma_start3A_21 = arith.constant 0 : i32
      %dma_start3A_22 = tpu.memref_slice %arg5[%arg0, %dma_start3A, %dma_start3A_21] : memref<2x10016x128xf32, #tpu.memory_space<hbm>> -> memref<1x10016x128xf32, #tpu.memory_space<hbm>>
      %dma_start3A_23 = tpu.memref_squeeze %dma_start3A_22 : memref<1x10016x128xf32, #tpu.memory_space<hbm>> -> memref<10016x128xf32, #tpu.memory_space<hbm>>
      %dma_start3A_24 = arith.constant 0 : i32
      %dma_start3A_25 = tpu.memref_slice %dma_start3A_23[%mul3A_14, %dma_start3A_24] : memref<10016x128xf32, #tpu.memory_space<hbm>> -> memref<624x128xf32, #tpu.memory_space<hbm>>
      %dma_start3A_26 = arith.constant 0 : i32
      %dma_start3A_27 = tpu.memref_slice %arg6[%mul3A_14, %dma_start3A_26] : memref<10016x128xf32, #tpu.memory_space<vmem_shared>> -> memref<624x128xf32, #tpu.memory_space<vmem_shared>>
      tpu.enqueue_dma source(%dma_start3A_27 : memref<624x128xf32, #tpu.memory_space<vmem_shared>>) target(%dma_start3A_25 : memref<624x128xf32, #tpu.memory_space<hbm>>) target_semaphore(%run_scoped3A_20 : memref<!tpu.dma_semaphore, #tpu.memory_space<semaphore_mem>>)
      %dma_wait3A = arith.constant 0 : i32
      %dma_wait3A_28 = arith.constant 0 : i32
      %dma_wait3A_29 = tpu.memref_slice %arg5[%arg0, %dma_wait3A, %dma_wait3A_28] : memref<2x10016x128xf32, #tpu.memory_space<hbm>> -> memref<1x10016x128xf32, #tpu.memory_space<hbm>>
      %dma_wait3A_30 = tpu.memref_squeeze %dma_wait3A_29 : memref<1x10016x128xf32, #tpu.memory_space<hbm>> -> memref<10016x128xf32, #tpu.memory_space<hbm>>
      %dma_wait3A_31 = arith.constant 0 : i32
      %dma_wait3A_32 = tpu.memref_slice %dma_wait3A_30[%mul3A_14, %dma_wait3A_31] : memref<10016x128xf32, #tpu.memory_space<hbm>> -> memref<624x128xf32, #tpu.memory_space<hbm>>
      %dma_wait3A_33 = arith.constant 0 : i32
      %dma_wait3A_34 = tpu.memref_slice %arg6[%mul3A_14, %dma_wait3A_33] : memref<10016x128xf32, #tpu.memory_space<vmem_shared>> -> memref<624x128xf32, #tpu.memory_space<vmem_shared>>
      tpu.wait_dma2 semaphore(%run_scoped3A_20 : memref<!tpu.dma_semaphore, #tpu.memory_space<semaphore_mem>>) src(%dma_wait3A_34 : memref<624x128xf32, #tpu.memory_space<vmem_shared>>) dst(%dma_wait3A_32 : memref<624x128xf32, #tpu.memory_space<hbm>>)
      tpu.yield
    }) : () -> ()
    %eq3A_15 = arith.constant 0 : i32
    %eq3A_16 = arith.cmpi eq, %arg1, %eq3A_15 : i32
    %convert_element_type3A_17 = arith.extui %eq3A_16 : i1 to i32
    %cond3A_18 = arith.constant 0 : i32
    %cond3A_19 = arith.cmpi ne, %convert_element_type3A_17, %cond3A_18 : i32
    scf.if %cond3A_19 {
      "tpu.region"() ({
        %run_scoped3A_20 = tpu.sem_alloc : memref<!tpu.dma_semaphore, #tpu.memory_space<semaphore_mem>>
        %dma_start3A = arith.constant 0 : i32
        %dma_start3A_21 = arith.constant 0 : i32
        %dma_start3A_22 = tpu.memref_slice %arg5[%arg0, %dma_start3A, %dma_start3A_21] : memref<2x10016x128xf32, #tpu.memory_space<hbm>> -> memref<1x10016x128xf32, #tpu.memory_space<hbm>>
        %dma_start3A_23 = tpu.memref_squeeze %dma_start3A_22 : memref<1x10016x128xf32, #tpu.memory_space<hbm>> -> memref<10016x128xf32, #tpu.memory_space<hbm>>
        %dma_start3A_24 = arith.constant 9984 : i32
        %dma_start3A_25 = arith.constant 0 : i32
        %dma_start3A_26 = tpu.memref_slice %dma_start3A_23[%dma_start3A_24, %dma_start3A_25] : memref<10016x128xf32, #tpu.memory_space<hbm>> -> memref<16x128xf32, #tpu.memory_space<hbm>>
        %dma_start3A_27 = arith.constant 9984 : i32
        %dma_start3A_28 = arith.constant 0 : i32
        %dma_start3A_29 = tpu.memref_slice %arg6[%dma_start3A_27, %dma_start3A_28] : memref<10016x128xf32, #tpu.memory_space<vmem_shared>> -> memref<16x128xf32, #tpu.memory_space<vmem_shared>>
        tpu.enqueue_dma source(%dma_start3A_29 : memref<16x128xf32, #tpu.memory_space<vmem_shared>>) target(%dma_start3A_26 : memref<16x128xf32, #tpu.memory_space<hbm>>) target_semaphore(%run_scoped3A_20 : memref<!tpu.dma_semaphore, #tpu.memory_space<semaphore_mem>>)
        %dma_wait3A = arith.constant 0 : i32
        %dma_wait3A_30 = arith.constant 0 : i32
        %dma_wait3A_31 = tpu.memref_slice %arg5[%arg0, %dma_wait3A, %dma_wait3A_30] : memref<2x10016x128xf32, #tpu.memory_space<hbm>> -> memref<1x10016x128xf32, #tpu.memory_space<hbm>>
        %dma_wait3A_32 = tpu.memref_squeeze %dma_wait3A_31 : memref<1x10016x128xf32, #tpu.memory_space<hbm>> -> memref<10016x128xf32, #tpu.memory_space<hbm>>
        %dma_wait3A_33 = arith.constant 9984 : i32
        %dma_wait3A_34 = arith.constant 0 : i32
        %dma_wait3A_35 = tpu.memref_slice %dma_wait3A_32[%dma_wait3A_33, %dma_wait3A_34] : memref<10016x128xf32, #tpu.memory_space<hbm>> -> memref<16x128xf32, #tpu.memory_space<hbm>>
        %dma_wait3A_36 = arith.constant 9984 : i32
        %dma_wait3A_37 = arith.constant 0 : i32
        %dma_wait3A_38 = tpu.memref_slice %arg6[%dma_wait3A_36, %dma_wait3A_37] : memref<10016x128xf32, #tpu.memory_space<vmem_shared>> -> memref<16x128xf32, #tpu.memory_space<vmem_shared>>
        tpu.wait_dma2 semaphore(%run_scoped3A_20 : memref<!tpu.dma_semaphore, #tpu.memory_space<semaphore_mem>>) src(%dma_wait3A_38 : memref<16x128xf32, #tpu.memory_space<vmem_shared>>) dst(%dma_wait3A_35 : memref<16x128xf32, #tpu.memory_space<hbm>>)
        tpu.yield
      }) : () -> ()
    } else {
    }
    return
  }
}

#map = affine_map<(d0, d1) -> (0, 0)>
#map1 = affine_map<(d0, d1) -> (0, 0, 0)>
module attributes {stable_mosaic.version = 14 : i64} {
  func.func @_prop_body(%arg0: i32, %arg1: i32, %arg2: memref<10016x128xf32, #tpu.memory_space<hbm>>, %arg3: memref<624x128xf32, #tpu.memory_space<hbm>>, %arg4: memref<2x2560x128xi32, #tpu.memory_space<hbm>>, %arg5: memref<2x10016x128xf32, #tpu.memory_space<hbm>>, %arg6: memref<10016x128xf32, #tpu.memory_space<vmem_shared>>, %arg7: memref<40x128xi32, #tpu.memory_space<vmem>>, %arg8: memref<40x128xi32, #tpu.memory_space<vmem>>, %arg9: memref<128x128xf32, #tpu.memory_space<vmem>>, %arg10: memref<128x128xf32, #tpu.memory_space<vmem>>, %arg11: memref<!tpu.dma_semaphore, #tpu.memory_space<semaphore_mem>>, %arg12: memref<!tpu.dma_semaphore, #tpu.memory_space<semaphore_mem>>) attributes {dimension_semantics = [#tpu.dimension_semantics<core_parallel>, #tpu.dimension_semantics<subcore_parallel>], iteration_bounds = array<i64: 2, 16>, scalar_prefetch = 0 : i64, scratch_operands = 7 : i64, tpu.core_type = #tpu.core_type<sc_vector_subcore>, window_params = [{transform_indices = #map}, {transform_indices = #map}, {transform_indices = #map1}, {transform_indices = #map1}]} {
    %mul3A = arith.constant 16 : i32
    %mul3A_0 = arith.muli %arg0, %mul3A : i32
    %add3A = arith.addi %mul3A_0, %arg1 : i32
    %mul3A_1 = arith.constant 80 : i32
    %mul3A_2 = arith.muli %add3A, %mul3A_1 : i32
    %run_scoped3A = arith.constant 0 : i32
    "tpu.region"() ({
      %run_scoped3A_55 = tpu.sem_alloc : memref<!tpu.dma_semaphore, #tpu.memory_space<semaphore_mem>>
      %dma_start3A_56 = arith.constant 0 : i32
      %dma_start3A_57 = tpu.memref_slice %arg4[%run_scoped3A, %mul3A_2, %dma_start3A_56] : memref<2x2560x128xi32, #tpu.memory_space<hbm>> -> memref<1x40x128xi32, #tpu.memory_space<hbm>>
      %dma_start3A_58 = tpu.memref_squeeze %dma_start3A_57 : memref<1x40x128xi32, #tpu.memory_space<hbm>> -> memref<40x128xi32, #tpu.memory_space<hbm>>
      %dma_start3A_59 = arith.constant 0 : i32
      %dma_start3A_60 = tpu.memref_slice %arg4[%run_scoped3A, %mul3A_2, %dma_start3A_59] : memref<2x2560x128xi32, #tpu.memory_space<hbm>> -> memref<1x40x128xi32, #tpu.memory_space<hbm>>
      %dma_start3A_61 = tpu.memref_squeeze %dma_start3A_60 : memref<1x40x128xi32, #tpu.memory_space<hbm>> -> memref<40x128xi32, #tpu.memory_space<hbm>>
      tpu.enqueue_dma source(%dma_start3A_61 : memref<40x128xi32, #tpu.memory_space<hbm>>) target(%arg7 : memref<40x128xi32, #tpu.memory_space<vmem>>) target_semaphore(%run_scoped3A_55 : memref<!tpu.dma_semaphore, #tpu.memory_space<semaphore_mem>>)
      %dma_wait3A = arith.constant 0 : i32
      %dma_wait3A_62 = tpu.memref_slice %arg4[%run_scoped3A, %mul3A_2, %dma_wait3A] : memref<2x2560x128xi32, #tpu.memory_space<hbm>> -> memref<1x40x128xi32, #tpu.memory_space<hbm>>
      %dma_wait3A_63 = tpu.memref_squeeze %dma_wait3A_62 : memref<1x40x128xi32, #tpu.memory_space<hbm>> -> memref<40x128xi32, #tpu.memory_space<hbm>>
      %dma_wait3A_64 = arith.constant 0 : i32
      %dma_wait3A_65 = tpu.memref_slice %arg4[%run_scoped3A, %mul3A_2, %dma_wait3A_64] : memref<2x2560x128xi32, #tpu.memory_space<hbm>> -> memref<1x40x128xi32, #tpu.memory_space<hbm>>
      %dma_wait3A_66 = tpu.memref_squeeze %dma_wait3A_65 : memref<1x40x128xi32, #tpu.memory_space<hbm>> -> memref<40x128xi32, #tpu.memory_space<hbm>>
      tpu.wait_dma2 semaphore(%run_scoped3A_55 : memref<!tpu.dma_semaphore, #tpu.memory_space<semaphore_mem>>) src(%dma_wait3A_66 : memref<40x128xi32, #tpu.memory_space<hbm>>) dst(%arg7 : memref<40x128xi32, #tpu.memory_space<vmem>>)
      tpu.yield
    }) : () -> ()
    %mul3A_3 = arith.constant 80 : i32
    %mul3A_4 = arith.muli %add3A, %mul3A_3 : i32
    %run_scoped3A_5 = arith.constant 1 : i32
    "tpu.region"() ({
      %run_scoped3A_55 = tpu.sem_alloc : memref<!tpu.dma_semaphore, #tpu.memory_space<semaphore_mem>>
      %dma_start3A_56 = arith.constant 0 : i32
      %dma_start3A_57 = tpu.memref_slice %arg4[%run_scoped3A_5, %mul3A_4, %dma_start3A_56] : memref<2x2560x128xi32, #tpu.memory_space<hbm>> -> memref<1x40x128xi32, #tpu.memory_space<hbm>>
      %dma_start3A_58 = tpu.memref_squeeze %dma_start3A_57 : memref<1x40x128xi32, #tpu.memory_space<hbm>> -> memref<40x128xi32, #tpu.memory_space<hbm>>
      %dma_start3A_59 = arith.constant 0 : i32
      %dma_start3A_60 = tpu.memref_slice %arg4[%run_scoped3A_5, %mul3A_4, %dma_start3A_59] : memref<2x2560x128xi32, #tpu.memory_space<hbm>> -> memref<1x40x128xi32, #tpu.memory_space<hbm>>
      %dma_start3A_61 = tpu.memref_squeeze %dma_start3A_60 : memref<1x40x128xi32, #tpu.memory_space<hbm>> -> memref<40x128xi32, #tpu.memory_space<hbm>>
      tpu.enqueue_dma source(%dma_start3A_61 : memref<40x128xi32, #tpu.memory_space<hbm>>) target(%arg8 : memref<40x128xi32, #tpu.memory_space<vmem>>) target_semaphore(%run_scoped3A_55 : memref<!tpu.dma_semaphore, #tpu.memory_space<semaphore_mem>>)
      %dma_wait3A = arith.constant 0 : i32
      %dma_wait3A_62 = tpu.memref_slice %arg4[%run_scoped3A_5, %mul3A_4, %dma_wait3A] : memref<2x2560x128xi32, #tpu.memory_space<hbm>> -> memref<1x40x128xi32, #tpu.memory_space<hbm>>
      %dma_wait3A_63 = tpu.memref_squeeze %dma_wait3A_62 : memref<1x40x128xi32, #tpu.memory_space<hbm>> -> memref<40x128xi32, #tpu.memory_space<hbm>>
      %dma_wait3A_64 = arith.constant 0 : i32
      %dma_wait3A_65 = tpu.memref_slice %arg4[%run_scoped3A_5, %mul3A_4, %dma_wait3A_64] : memref<2x2560x128xi32, #tpu.memory_space<hbm>> -> memref<1x40x128xi32, #tpu.memory_space<hbm>>
      %dma_wait3A_66 = tpu.memref_squeeze %dma_wait3A_65 : memref<1x40x128xi32, #tpu.memory_space<hbm>> -> memref<40x128xi32, #tpu.memory_space<hbm>>
      tpu.wait_dma2 semaphore(%run_scoped3A_55 : memref<!tpu.dma_semaphore, #tpu.memory_space<semaphore_mem>>) src(%dma_wait3A_66 : memref<40x128xi32, #tpu.memory_space<hbm>>) dst(%arg8 : memref<40x128xi32, #tpu.memory_space<vmem>>)
      tpu.yield
    }) : () -> ()
    %eq3A = arith.constant 0 : i32
    %eq3A_6 = arith.cmpi eq, %arg0, %eq3A : i32
    %convert_element_type3A = arith.extui %eq3A_6 : i1 to i32
    %cond3A = arith.constant 0 : i32
    %cond3A_7 = arith.cmpi ne, %convert_element_type3A, %cond3A : i32
    scf.if %cond3A_7 {
      %mul3A_55 = arith.constant 624 : i32
      %mul3A_56 = arith.muli %arg1, %mul3A_55 : i32
      "tpu.region"() ({
        %run_scoped3A_62 = tpu.sem_alloc : memref<!tpu.dma_semaphore, #tpu.memory_space<semaphore_mem>>
        %dma_start3A_63 = arith.constant 0 : i32
        %dma_start3A_64 = tpu.memref_slice %arg6[%mul3A_56, %dma_start3A_63] : memref<10016x128xf32, #tpu.memory_space<vmem_shared>> -> memref<624x128xf32, #tpu.memory_space<vmem_shared>>
        %dma_start3A_65 = arith.constant 0 : i32
        %dma_start3A_66 = tpu.memref_slice %arg2[%mul3A_56, %dma_start3A_65] : memref<10016x128xf32, #tpu.memory_space<hbm>> -> memref<624x128xf32, #tpu.memory_space<hbm>>
        tpu.enqueue_dma source(%dma_start3A_66 : memref<624x128xf32, #tpu.memory_space<hbm>>) target(%dma_start3A_64 : memref<624x128xf32, #tpu.memory_space<vmem_shared>>) target_semaphore(%run_scoped3A_62 : memref<!tpu.dma_semaphore, #tpu.memory_space<semaphore_mem>>)
        %dma_wait3A = arith.constant 0 : i32
        %dma_wait3A_67 = tpu.memref_slice %arg6[%mul3A_56, %dma_wait3A] : memref<10016x128xf32, #tpu.memory_space<vmem_shared>> -> memref<624x128xf32, #tpu.memory_space<vmem_shared>>
        %dma_wait3A_68 = arith.constant 0 : i32
        %dma_wait3A_69 = tpu.memref_slice %arg2[%mul3A_56, %dma_wait3A_68] : memref<10016x128xf32, #tpu.memory_space<hbm>> -> memref<624x128xf32, #tpu.memory_space<hbm>>
        tpu.wait_dma2 semaphore(%run_scoped3A_62 : memref<!tpu.dma_semaphore, #tpu.memory_space<semaphore_mem>>) src(%dma_wait3A_69 : memref<624x128xf32, #tpu.memory_space<hbm>>) dst(%dma_wait3A_67 : memref<624x128xf32, #tpu.memory_space<vmem_shared>>)
        tpu.yield
      }) : () -> ()
      %eq3A_57 = arith.constant 0 : i32
      %eq3A_58 = arith.cmpi eq, %arg1, %eq3A_57 : i32
      %convert_element_type3A_59 = arith.extui %eq3A_58 : i1 to i32
      %cond3A_60 = arith.constant 0 : i32
      %cond3A_61 = arith.cmpi ne, %convert_element_type3A_59, %cond3A_60 : i32
      scf.if %cond3A_61 {
        "tpu.region"() ({
          %run_scoped3A_62 = tpu.sem_alloc : memref<!tpu.dma_semaphore, #tpu.memory_space<semaphore_mem>>
          %dma_start3A_63 = arith.constant 9984 : i32
          %dma_start3A_64 = arith.constant 0 : i32
          %dma_start3A_65 = tpu.memref_slice %arg6[%dma_start3A_63, %dma_start3A_64] : memref<10016x128xf32, #tpu.memory_space<vmem_shared>> -> memref<16x128xf32, #tpu.memory_space<vmem_shared>>
          %dma_start3A_66 = arith.constant 9984 : i32
          %dma_start3A_67 = arith.constant 0 : i32
          %dma_start3A_68 = tpu.memref_slice %arg2[%dma_start3A_66, %dma_start3A_67] : memref<10016x128xf32, #tpu.memory_space<hbm>> -> memref<16x128xf32, #tpu.memory_space<hbm>>
          tpu.enqueue_dma source(%dma_start3A_68 : memref<16x128xf32, #tpu.memory_space<hbm>>) target(%dma_start3A_65 : memref<16x128xf32, #tpu.memory_space<vmem_shared>>) target_semaphore(%run_scoped3A_62 : memref<!tpu.dma_semaphore, #tpu.memory_space<semaphore_mem>>)
          %dma_wait3A = arith.constant 9984 : i32
          %dma_wait3A_69 = arith.constant 0 : i32
          %dma_wait3A_70 = tpu.memref_slice %arg6[%dma_wait3A, %dma_wait3A_69] : memref<10016x128xf32, #tpu.memory_space<vmem_shared>> -> memref<16x128xf32, #tpu.memory_space<vmem_shared>>
          %dma_wait3A_71 = arith.constant 9984 : i32
          %dma_wait3A_72 = arith.constant 0 : i32
          %dma_wait3A_73 = tpu.memref_slice %arg2[%dma_wait3A_71, %dma_wait3A_72] : memref<10016x128xf32, #tpu.memory_space<hbm>> -> memref<16x128xf32, #tpu.memory_space<hbm>>
          tpu.wait_dma2 semaphore(%run_scoped3A_62 : memref<!tpu.dma_semaphore, #tpu.memory_space<semaphore_mem>>) src(%dma_wait3A_73 : memref<16x128xf32, #tpu.memory_space<hbm>>) dst(%dma_wait3A_70 : memref<16x128xf32, #tpu.memory_space<vmem_shared>>)
          tpu.yield
        }) : () -> ()
      } else {
      }
    } else {
    }
    %eq3A_8 = arith.constant 1 : i32
    %eq3A_9 = arith.cmpi eq, %arg0, %eq3A_8 : i32
    %convert_element_type3A_10 = arith.extui %eq3A_9 : i1 to i32
    %cond3A_11 = arith.constant 0 : i32
    %cond3A_12 = arith.cmpi ne, %convert_element_type3A_10, %cond3A_11 : i32
    scf.if %cond3A_12 {
      %mul3A_55 = arith.constant 624 : i32
      %mul3A_56 = arith.muli %arg1, %mul3A_55 : i32
      "tpu.region"() ({
        %run_scoped3A_62 = tpu.sem_alloc : memref<!tpu.dma_semaphore, #tpu.memory_space<semaphore_mem>>
        %dma_start3A_63 = arith.constant 0 : i32
        %dma_start3A_64 = tpu.memref_slice %arg6[%mul3A_56, %dma_start3A_63] : memref<10016x128xf32, #tpu.memory_space<vmem_shared>> -> memref<624x128xf32, #tpu.memory_space<vmem_shared>>
        %dma_start3A_65 = arith.constant 0 : i32
        %dma_start3A_66 = arith.constant 0 : i32
        %dma_start3A_67 = tpu.memref_slice %arg3[%dma_start3A_65, %dma_start3A_66] : memref<624x128xf32, #tpu.memory_space<hbm>> -> memref<624x128xf32, #tpu.memory_space<hbm>>
        tpu.enqueue_dma source(%dma_start3A_67 : memref<624x128xf32, #tpu.memory_space<hbm>>) target(%dma_start3A_64 : memref<624x128xf32, #tpu.memory_space<vmem_shared>>) target_semaphore(%run_scoped3A_62 : memref<!tpu.dma_semaphore, #tpu.memory_space<semaphore_mem>>)
        %dma_wait3A = arith.constant 0 : i32
        %dma_wait3A_68 = tpu.memref_slice %arg6[%mul3A_56, %dma_wait3A] : memref<10016x128xf32, #tpu.memory_space<vmem_shared>> -> memref<624x128xf32, #tpu.memory_space<vmem_shared>>
        %dma_wait3A_69 = arith.constant 0 : i32
        %dma_wait3A_70 = arith.constant 0 : i32
        %dma_wait3A_71 = tpu.memref_slice %arg3[%dma_wait3A_69, %dma_wait3A_70] : memref<624x128xf32, #tpu.memory_space<hbm>> -> memref<624x128xf32, #tpu.memory_space<hbm>>
        tpu.wait_dma2 semaphore(%run_scoped3A_62 : memref<!tpu.dma_semaphore, #tpu.memory_space<semaphore_mem>>) src(%dma_wait3A_71 : memref<624x128xf32, #tpu.memory_space<hbm>>) dst(%dma_wait3A_68 : memref<624x128xf32, #tpu.memory_space<vmem_shared>>)
        tpu.yield
      }) : () -> ()
      %eq3A_57 = arith.constant 0 : i32
      %eq3A_58 = arith.cmpi eq, %arg1, %eq3A_57 : i32
      %convert_element_type3A_59 = arith.extui %eq3A_58 : i1 to i32
      %cond3A_60 = arith.constant 0 : i32
      %cond3A_61 = arith.cmpi ne, %convert_element_type3A_59, %cond3A_60 : i32
      scf.if %cond3A_61 {
        "tpu.region"() ({
          %run_scoped3A_62 = tpu.sem_alloc : memref<!tpu.dma_semaphore, #tpu.memory_space<semaphore_mem>>
          %dma_start3A_63 = arith.constant 9984 : i32
          %dma_start3A_64 = arith.constant 0 : i32
          %dma_start3A_65 = tpu.memref_slice %arg6[%dma_start3A_63, %dma_start3A_64] : memref<10016x128xf32, #tpu.memory_space<vmem_shared>> -> memref<16x128xf32, #tpu.memory_space<vmem_shared>>
          %dma_start3A_66 = arith.constant 0 : i32
          %dma_start3A_67 = arith.constant 0 : i32
          %dma_start3A_68 = tpu.memref_slice %arg3[%dma_start3A_66, %dma_start3A_67] : memref<624x128xf32, #tpu.memory_space<hbm>> -> memref<16x128xf32, #tpu.memory_space<hbm>>
          tpu.enqueue_dma source(%dma_start3A_68 : memref<16x128xf32, #tpu.memory_space<hbm>>) target(%dma_start3A_65 : memref<16x128xf32, #tpu.memory_space<vmem_shared>>) target_semaphore(%run_scoped3A_62 : memref<!tpu.dma_semaphore, #tpu.memory_space<semaphore_mem>>)
          %dma_wait3A = arith.constant 9984 : i32
          %dma_wait3A_69 = arith.constant 0 : i32
          %dma_wait3A_70 = tpu.memref_slice %arg6[%dma_wait3A, %dma_wait3A_69] : memref<10016x128xf32, #tpu.memory_space<vmem_shared>> -> memref<16x128xf32, #tpu.memory_space<vmem_shared>>
          %dma_wait3A_71 = arith.constant 0 : i32
          %dma_wait3A_72 = arith.constant 0 : i32
          %dma_wait3A_73 = tpu.memref_slice %arg3[%dma_wait3A_71, %dma_wait3A_72] : memref<624x128xf32, #tpu.memory_space<hbm>> -> memref<16x128xf32, #tpu.memory_space<hbm>>
          tpu.wait_dma2 semaphore(%run_scoped3A_62 : memref<!tpu.dma_semaphore, #tpu.memory_space<semaphore_mem>>) src(%dma_wait3A_73 : memref<16x128xf32, #tpu.memory_space<hbm>>) dst(%dma_wait3A_70 : memref<16x128xf32, #tpu.memory_space<vmem_shared>>)
          tpu.yield
        }) : () -> ()
      } else {
      }
    } else {
    }
    %barrier3A = arith.constant 0 : index
    tpu.barrier barrier_id(%barrier3A)
    %mul3A_13 = arith.constant 80 : i32
    %mul3A_14 = arith.muli %add3A, %mul3A_13 : i32
    %add3A_15 = arith.constant 0 : i32
    %add3A_16 = arith.addi %mul3A_14, %add3A_15 : i32
    %dma_start3A = arith.constant 0 : i32
    %dma_start3A_17 = arith.constant 0 : i32
    %dma_start3A_18 = tpu.memref_slice %arg7[%dma_start3A, %dma_start3A_17] : memref<40x128xi32, #tpu.memory_space<vmem>> -> memref<1x128xi32, #tpu.memory_space<vmem>>
    %dma_start3A_19 = tpu.memref_squeeze %dma_start3A_18 : memref<1x128xi32, #tpu.memory_space<vmem>> -> memref<128xi32, #tpu.memory_space<vmem>>
    %dma_start3A_20 = arith.constant 0 : i32
    %dma_start3A_21 = arith.constant 0 : i32
    %dma_start3A_22 = tpu.memref_slice %arg2[%dma_start3A_20, %dma_start3A_21] : memref<10016x128xf32, #tpu.memory_space<hbm>> -> memref<10016x128xf32, #tpu.memory_space<hbm>>
    tpu.enqueue_indirect_dma source(%dma_start3A_22 : memref<10016x128xf32, #tpu.memory_space<hbm>>) target(%arg9 : memref<128x128xf32, #tpu.memory_space<vmem>>) offsets(%dma_start3A_19 : memref<128xi32, #tpu.memory_space<vmem>>) semaphore(%arg11 : memref<!tpu.dma_semaphore, #tpu.memory_space<semaphore_mem>>)
    %scan3A = arith.constant 0 : i32
    %scan3A_23 = arith.constant 0 : i32
    %scan3A_24 = arith.constant 20 : i32
    %scan3A_25 = arith.addi %scan3A_23, %scan3A_24 : i32
    %scan3A_26 = arith.constant 1 : i32
    scf.for %scan3A_55 = %scan3A_23 to %scan3A_25 step %scan3A_26  : i32 {
      %mul3A_56 = arith.constant 2 : i32
      %mul3A_57 = arith.muli %mul3A_56, %scan3A_55 : i32
      %add3A_58 = arith.constant 1 : i32
      %add3A_59 = arith.addi %mul3A_57, %add3A_58 : i32
      %dma_start3A_60 = arith.constant 0 : i32
      %dma_start3A_61 = tpu.memref_slice %arg7[%add3A_59, %dma_start3A_60] : memref<40x128xi32, #tpu.memory_space<vmem>> -> memref<1x128xi32, #tpu.memory_space<vmem>>
      %dma_start3A_62 = tpu.memref_squeeze %dma_start3A_61 : memref<1x128xi32, #tpu.memory_space<vmem>> -> memref<128xi32, #tpu.memory_space<vmem>>
      %dma_start3A_63 = arith.constant 0 : i32
      %dma_start3A_64 = arith.constant 0 : i32
      %dma_start3A_65 = tpu.memref_slice %arg2[%dma_start3A_63, %dma_start3A_64] : memref<10016x128xf32, #tpu.memory_space<hbm>> -> memref<10016x128xf32, #tpu.memory_space<hbm>>
      tpu.enqueue_indirect_dma source(%dma_start3A_65 : memref<10016x128xf32, #tpu.memory_space<hbm>>) target(%arg10 : memref<128x128xf32, #tpu.memory_space<vmem>>) offsets(%dma_start3A_62 : memref<128xi32, #tpu.memory_space<vmem>>) semaphore(%arg12 : memref<!tpu.dma_semaphore, #tpu.memory_space<semaphore_mem>>)
      %dma_wait3A = arith.constant 0 : i32
      %dma_wait3A_66 = tpu.memref_slice %arg7[%mul3A_57, %dma_wait3A] : memref<40x128xi32, #tpu.memory_space<vmem>> -> memref<1x128xi32, #tpu.memory_space<vmem>>
      %dma_wait3A_67 = tpu.memref_squeeze %dma_wait3A_66 : memref<1x128xi32, #tpu.memory_space<vmem>> -> memref<128xi32, #tpu.memory_space<vmem>>
      %dma_wait3A_68 = arith.constant 0 : i32
      %dma_wait3A_69 = arith.constant 0 : i32
      %dma_wait3A_70 = tpu.memref_slice %arg2[%dma_wait3A_68, %dma_wait3A_69] : memref<10016x128xf32, #tpu.memory_space<hbm>> -> memref<10016x128xf32, #tpu.memory_space<hbm>>
      tpu.wait_indirect_dma semaphore(%arg11 : memref<!tpu.dma_semaphore, #tpu.memory_space<semaphore_mem>>) src(%dma_wait3A_70 : memref<10016x128xf32, #tpu.memory_space<hbm>>) dst(%arg9 : memref<128x128xf32, #tpu.memory_space<vmem>>)
      "tpu.region"() ({
        %run_scoped3A_85 = tpu.sem_alloc : memref<!tpu.dma_semaphore, #tpu.memory_space<semaphore_mem>>
        %dma_start3A_86 = arith.constant 0 : i32
        %dma_start3A_87 = tpu.memref_slice %arg8[%mul3A_57, %dma_start3A_86] : memref<40x128xi32, #tpu.memory_space<vmem>> -> memref<1x128xi32, #tpu.memory_space<vmem>>
        %dma_start3A_88 = tpu.memref_squeeze %dma_start3A_87 : memref<1x128xi32, #tpu.memory_space<vmem>> -> memref<128xi32, #tpu.memory_space<vmem>>
        %dma_start3A_89 = arith.constant 0 : i32
        %dma_start3A_90 = arith.constant 0 : i32
        %dma_start3A_91 = tpu.memref_slice %arg6[%dma_start3A_89, %dma_start3A_90] : memref<10016x128xf32, #tpu.memory_space<vmem_shared>> -> memref<10016x128xf32, #tpu.memory_space<vmem_shared>>
        tpu.enqueue_indirect_dma source(%arg9 : memref<128x128xf32, #tpu.memory_space<vmem>>) target(%dma_start3A_91 : memref<10016x128xf32, #tpu.memory_space<vmem_shared>>) offsets(%dma_start3A_88 : memref<128xi32, #tpu.memory_space<vmem>>) semaphore(%run_scoped3A_85 : memref<!tpu.dma_semaphore, #tpu.memory_space<semaphore_mem>>) {add = true}
        %dma_wait3A_92 = arith.constant 0 : i32
        %dma_wait3A_93 = tpu.memref_slice %arg8[%mul3A_57, %dma_wait3A_92] : memref<40x128xi32, #tpu.memory_space<vmem>> -> memref<1x128xi32, #tpu.memory_space<vmem>>
        %dma_wait3A_94 = tpu.memref_squeeze %dma_wait3A_93 : memref<1x128xi32, #tpu.memory_space<vmem>> -> memref<128xi32, #tpu.memory_space<vmem>>
        %dma_wait3A_95 = arith.constant 0 : i32
        %dma_wait3A_96 = arith.constant 0 : i32
        %dma_wait3A_97 = tpu.memref_slice %arg6[%dma_wait3A_95, %dma_wait3A_96] : memref<10016x128xf32, #tpu.memory_space<vmem_shared>> -> memref<10016x128xf32, #tpu.memory_space<vmem_shared>>
        tpu.wait_indirect_dma semaphore(%run_scoped3A_85 : memref<!tpu.dma_semaphore, #tpu.memory_space<semaphore_mem>>) src(%arg9 : memref<128x128xf32, #tpu.memory_space<vmem>>) dst(%dma_wait3A_97 : memref<10016x128xf32, #tpu.memory_space<vmem_shared>>)
        tpu.yield
      }) : () -> ()
      %lt3A = arith.constant 19 : i32
      %lt3A_71 = arith.cmpi slt, %scan3A_55, %lt3A : i32
      %convert_element_type3A_72 = arith.extui %lt3A_71 : i1 to i32
      %cond3A_73 = arith.constant 0 : i32
      %cond3A_74 = arith.cmpi ne, %convert_element_type3A_72, %cond3A_73 : i32
      scf.if %cond3A_74 {
        %add3A_85 = arith.constant 2 : i32
        %add3A_86 = arith.addi %mul3A_57, %add3A_85 : i32
        %dma_start3A_87 = arith.constant 0 : i32
        %dma_start3A_88 = tpu.memref_slice %arg7[%add3A_86, %dma_start3A_87] : memref<40x128xi32, #tpu.memory_space<vmem>> -> memref<1x128xi32, #tpu.memory_space<vmem>>
        %dma_start3A_89 = tpu.memref_squeeze %dma_start3A_88 : memref<1x128xi32, #tpu.memory_space<vmem>> -> memref<128xi32, #tpu.memory_space<vmem>>
        %dma_start3A_90 = arith.constant 0 : i32
        %dma_start3A_91 = arith.constant 0 : i32
        %dma_start3A_92 = tpu.memref_slice %arg2[%dma_start3A_90, %dma_start3A_91] : memref<10016x128xf32, #tpu.memory_space<hbm>> -> memref<10016x128xf32, #tpu.memory_space<hbm>>
        tpu.enqueue_indirect_dma source(%dma_start3A_92 : memref<10016x128xf32, #tpu.memory_space<hbm>>) target(%arg9 : memref<128x128xf32, #tpu.memory_space<vmem>>) offsets(%dma_start3A_89 : memref<128xi32, #tpu.memory_space<vmem>>) semaphore(%arg11 : memref<!tpu.dma_semaphore, #tpu.memory_space<semaphore_mem>>)
      } else {
      }
      %add3A_75 = arith.constant 1 : i32
      %add3A_76 = arith.addi %mul3A_57, %add3A_75 : i32
      %dma_wait3A_77 = arith.constant 0 : i32
      %dma_wait3A_78 = tpu.memref_slice %arg7[%add3A_76, %dma_wait3A_77] : memref<40x128xi32, #tpu.memory_space<vmem>> -> memref<1x128xi32, #tpu.memory_space<vmem>>
      %dma_wait3A_79 = tpu.memref_squeeze %dma_wait3A_78 : memref<1x128xi32, #tpu.memory_space<vmem>> -> memref<128xi32, #tpu.memory_space<vmem>>
      %dma_wait3A_80 = arith.constant 0 : i32
      %dma_wait3A_81 = arith.constant 0 : i32
      %dma_wait3A_82 = tpu.memref_slice %arg2[%dma_wait3A_80, %dma_wait3A_81] : memref<10016x128xf32, #tpu.memory_space<hbm>> -> memref<10016x128xf32, #tpu.memory_space<hbm>>
      tpu.wait_indirect_dma semaphore(%arg12 : memref<!tpu.dma_semaphore, #tpu.memory_space<semaphore_mem>>) src(%dma_wait3A_82 : memref<10016x128xf32, #tpu.memory_space<hbm>>) dst(%arg10 : memref<128x128xf32, #tpu.memory_space<vmem>>)
      %add3A_83 = arith.constant 1 : i32
      %add3A_84 = arith.addi %mul3A_57, %add3A_83 : i32
      "tpu.region"() ({
        %run_scoped3A_85 = tpu.sem_alloc : memref<!tpu.dma_semaphore, #tpu.memory_space<semaphore_mem>>
        %dma_start3A_86 = arith.constant 0 : i32
        %dma_start3A_87 = tpu.memref_slice %arg8[%add3A_84, %dma_start3A_86] : memref<40x128xi32, #tpu.memory_space<vmem>> -> memref<1x128xi32, #tpu.memory_space<vmem>>
        %dma_start3A_88 = tpu.memref_squeeze %dma_start3A_87 : memref<1x128xi32, #tpu.memory_space<vmem>> -> memref<128xi32, #tpu.memory_space<vmem>>
        %dma_start3A_89 = arith.constant 0 : i32
        %dma_start3A_90 = arith.constant 0 : i32
        %dma_start3A_91 = tpu.memref_slice %arg6[%dma_start3A_89, %dma_start3A_90] : memref<10016x128xf32, #tpu.memory_space<vmem_shared>> -> memref<10016x128xf32, #tpu.memory_space<vmem_shared>>
        tpu.enqueue_indirect_dma source(%arg10 : memref<128x128xf32, #tpu.memory_space<vmem>>) target(%dma_start3A_91 : memref<10016x128xf32, #tpu.memory_space<vmem_shared>>) offsets(%dma_start3A_88 : memref<128xi32, #tpu.memory_space<vmem>>) semaphore(%run_scoped3A_85 : memref<!tpu.dma_semaphore, #tpu.memory_space<semaphore_mem>>) {add = true}
        %dma_wait3A_92 = arith.constant 0 : i32
        %dma_wait3A_93 = tpu.memref_slice %arg8[%add3A_84, %dma_wait3A_92] : memref<40x128xi32, #tpu.memory_space<vmem>> -> memref<1x128xi32, #tpu.memory_space<vmem>>
        %dma_wait3A_94 = tpu.memref_squeeze %dma_wait3A_93 : memref<1x128xi32, #tpu.memory_space<vmem>> -> memref<128xi32, #tpu.memory_space<vmem>>
        %dma_wait3A_95 = arith.constant 0 : i32
        %dma_wait3A_96 = arith.constant 0 : i32
        %dma_wait3A_97 = tpu.memref_slice %arg6[%dma_wait3A_95, %dma_wait3A_96] : memref<10016x128xf32, #tpu.memory_space<vmem_shared>> -> memref<10016x128xf32, #tpu.memory_space<vmem_shared>>
        tpu.wait_indirect_dma semaphore(%run_scoped3A_85 : memref<!tpu.dma_semaphore, #tpu.memory_space<semaphore_mem>>) src(%arg10 : memref<128x128xf32, #tpu.memory_space<vmem>>) dst(%dma_wait3A_97 : memref<10016x128xf32, #tpu.memory_space<vmem_shared>>)
        tpu.yield
      }) : () -> ()
    }
    %scan3A_27 = arith.constant 20 : i32
    %mul3A_28 = arith.constant 80 : i32
    %mul3A_29 = arith.muli %add3A, %mul3A_28 : i32
    %add3A_30 = arith.constant 40 : i32
    %add3A_31 = arith.addi %mul3A_29, %add3A_30 : i32
    %run_scoped3A_32 = arith.constant 0 : i32
    "tpu.region"() ({
      %run_scoped3A_55 = tpu.sem_alloc : memref<!tpu.dma_semaphore, #tpu.memory_space<semaphore_mem>>
      %dma_start3A_56 = arith.constant 0 : i32
      %dma_start3A_57 = tpu.memref_slice %arg4[%run_scoped3A_32, %add3A_31, %dma_start3A_56] : memref<2x2560x128xi32, #tpu.memory_space<hbm>> -> memref<1x40x128xi32, #tpu.memory_space<hbm>>
      %dma_start3A_58 = tpu.memref_squeeze %dma_start3A_57 : memref<1x40x128xi32, #tpu.memory_space<hbm>> -> memref<40x128xi32, #tpu.memory_space<hbm>>
      %dma_start3A_59 = arith.constant 0 : i32
      %dma_start3A_60 = tpu.memref_slice %arg4[%run_scoped3A_32, %add3A_31, %dma_start3A_59] : memref<2x2560x128xi32, #tpu.memory_space<hbm>> -> memref<1x40x128xi32, #tpu.memory_space<hbm>>
      %dma_start3A_61 = tpu.memref_squeeze %dma_start3A_60 : memref<1x40x128xi32, #tpu.memory_space<hbm>> -> memref<40x128xi32, #tpu.memory_space<hbm>>
      tpu.enqueue_dma source(%dma_start3A_61 : memref<40x128xi32, #tpu.memory_space<hbm>>) target(%arg7 : memref<40x128xi32, #tpu.memory_space<vmem>>) target_semaphore(%run_scoped3A_55 : memref<!tpu.dma_semaphore, #tpu.memory_space<semaphore_mem>>)
      %dma_wait3A = arith.constant 0 : i32
      %dma_wait3A_62 = tpu.memref_slice %arg4[%run_scoped3A_32, %add3A_31, %dma_wait3A] : memref<2x2560x128xi32, #tpu.memory_space<hbm>> -> memref<1x40x128xi32, #tpu.memory_space<hbm>>
      %dma_wait3A_63 = tpu.memref_squeeze %dma_wait3A_62 : memref<1x40x128xi32, #tpu.memory_space<hbm>> -> memref<40x128xi32, #tpu.memory_space<hbm>>
      %dma_wait3A_64 = arith.constant 0 : i32
      %dma_wait3A_65 = tpu.memref_slice %arg4[%run_scoped3A_32, %add3A_31, %dma_wait3A_64] : memref<2x2560x128xi32, #tpu.memory_space<hbm>> -> memref<1x40x128xi32, #tpu.memory_space<hbm>>
      %dma_wait3A_66 = tpu.memref_squeeze %dma_wait3A_65 : memref<1x40x128xi32, #tpu.memory_space<hbm>> -> memref<40x128xi32, #tpu.memory_space<hbm>>
      tpu.wait_dma2 semaphore(%run_scoped3A_55 : memref<!tpu.dma_semaphore, #tpu.memory_space<semaphore_mem>>) src(%dma_wait3A_66 : memref<40x128xi32, #tpu.memory_space<hbm>>) dst(%arg7 : memref<40x128xi32, #tpu.memory_space<vmem>>)
      tpu.yield
    }) : () -> ()
    %run_scoped3A_33 = arith.constant 1 : i32
    "tpu.region"() ({
      %run_scoped3A_55 = tpu.sem_alloc : memref<!tpu.dma_semaphore, #tpu.memory_space<semaphore_mem>>
      %dma_start3A_56 = arith.constant 0 : i32
      %dma_start3A_57 = tpu.memref_slice %arg4[%run_scoped3A_33, %add3A_31, %dma_start3A_56] : memref<2x2560x128xi32, #tpu.memory_space<hbm>> -> memref<1x40x128xi32, #tpu.memory_space<hbm>>
      %dma_start3A_58 = tpu.memref_squeeze %dma_start3A_57 : memref<1x40x128xi32, #tpu.memory_space<hbm>> -> memref<40x128xi32, #tpu.memory_space<hbm>>
      %dma_start3A_59 = arith.constant 0 : i32
      %dma_start3A_60 = tpu.memref_slice %arg4[%run_scoped3A_33, %add3A_31, %dma_start3A_59] : memref<2x2560x128xi32, #tpu.memory_space<hbm>> -> memref<1x40x128xi32, #tpu.memory_space<hbm>>
      %dma_start3A_61 = tpu.memref_squeeze %dma_start3A_60 : memref<1x40x128xi32, #tpu.memory_space<hbm>> -> memref<40x128xi32, #tpu.memory_space<hbm>>
      tpu.enqueue_dma source(%dma_start3A_61 : memref<40x128xi32, #tpu.memory_space<hbm>>) target(%arg8 : memref<40x128xi32, #tpu.memory_space<vmem>>) target_semaphore(%run_scoped3A_55 : memref<!tpu.dma_semaphore, #tpu.memory_space<semaphore_mem>>)
      %dma_wait3A = arith.constant 0 : i32
      %dma_wait3A_62 = tpu.memref_slice %arg4[%run_scoped3A_33, %add3A_31, %dma_wait3A] : memref<2x2560x128xi32, #tpu.memory_space<hbm>> -> memref<1x40x128xi32, #tpu.memory_space<hbm>>
      %dma_wait3A_63 = tpu.memref_squeeze %dma_wait3A_62 : memref<1x40x128xi32, #tpu.memory_space<hbm>> -> memref<40x128xi32, #tpu.memory_space<hbm>>
      %dma_wait3A_64 = arith.constant 0 : i32
      %dma_wait3A_65 = tpu.memref_slice %arg4[%run_scoped3A_33, %add3A_31, %dma_wait3A_64] : memref<2x2560x128xi32, #tpu.memory_space<hbm>> -> memref<1x40x128xi32, #tpu.memory_space<hbm>>
      %dma_wait3A_66 = tpu.memref_squeeze %dma_wait3A_65 : memref<1x40x128xi32, #tpu.memory_space<hbm>> -> memref<40x128xi32, #tpu.memory_space<hbm>>
      tpu.wait_dma2 semaphore(%run_scoped3A_55 : memref<!tpu.dma_semaphore, #tpu.memory_space<semaphore_mem>>) src(%dma_wait3A_66 : memref<40x128xi32, #tpu.memory_space<hbm>>) dst(%arg8 : memref<40x128xi32, #tpu.memory_space<vmem>>)
      tpu.yield
    }) : () -> ()
    %dma_start3A_34 = arith.constant 0 : i32
    %dma_start3A_35 = arith.constant 0 : i32
    %dma_start3A_36 = tpu.memref_slice %arg7[%dma_start3A_34, %dma_start3A_35] : memref<40x128xi32, #tpu.memory_space<vmem>> -> memref<1x128xi32, #tpu.memory_space<vmem>>
    %dma_start3A_37 = tpu.memref_squeeze %dma_start3A_36 : memref<1x128xi32, #tpu.memory_space<vmem>> -> memref<128xi32, #tpu.memory_space<vmem>>
    %dma_start3A_38 = arith.constant 0 : i32
    %dma_start3A_39 = arith.constant 0 : i32
    %dma_start3A_40 = tpu.memref_slice %arg2[%dma_start3A_38, %dma_start3A_39] : memref<10016x128xf32, #tpu.memory_space<hbm>> -> memref<10016x128xf32, #tpu.memory_space<hbm>>
    tpu.enqueue_indirect_dma source(%dma_start3A_40 : memref<10016x128xf32, #tpu.memory_space<hbm>>) target(%arg9 : memref<128x128xf32, #tpu.memory_space<vmem>>) offsets(%dma_start3A_37 : memref<128xi32, #tpu.memory_space<vmem>>) semaphore(%arg11 : memref<!tpu.dma_semaphore, #tpu.memory_space<semaphore_mem>>)
    %scan3A_41 = arith.constant 0 : i32
    %scan3A_42 = arith.constant 0 : i32
    %scan3A_43 = arith.constant 20 : i32
    %scan3A_44 = arith.addi %scan3A_42, %scan3A_43 : i32
    %scan3A_45 = arith.constant 1 : i32
    scf.for %scan3A_55 = %scan3A_42 to %scan3A_44 step %scan3A_45  : i32 {
      %mul3A_56 = arith.constant 2 : i32
      %mul3A_57 = arith.muli %mul3A_56, %scan3A_55 : i32
      %add3A_58 = arith.constant 1 : i32
      %add3A_59 = arith.addi %mul3A_57, %add3A_58 : i32
      %dma_start3A_60 = arith.constant 0 : i32
      %dma_start3A_61 = tpu.memref_slice %arg7[%add3A_59, %dma_start3A_60] : memref<40x128xi32, #tpu.memory_space<vmem>> -> memref<1x128xi32, #tpu.memory_space<vmem>>
      %dma_start3A_62 = tpu.memref_squeeze %dma_start3A_61 : memref<1x128xi32, #tpu.memory_space<vmem>> -> memref<128xi32, #tpu.memory_space<vmem>>
      %dma_start3A_63 = arith.constant 0 : i32
      %dma_start3A_64 = arith.constant 0 : i32
      %dma_start3A_65 = tpu.memref_slice %arg2[%dma_start3A_63, %dma_start3A_64] : memref<10016x128xf32, #tpu.memory_space<hbm>> -> memref<10016x128xf32, #tpu.memory_space<hbm>>
      tpu.enqueue_indirect_dma source(%dma_start3A_65 : memref<10016x128xf32, #tpu.memory_space<hbm>>) target(%arg10 : memref<128x128xf32, #tpu.memory_space<vmem>>) offsets(%dma_start3A_62 : memref<128xi32, #tpu.memory_space<vmem>>) semaphore(%arg12 : memref<!tpu.dma_semaphore, #tpu.memory_space<semaphore_mem>>)
      %dma_wait3A = arith.constant 0 : i32
      %dma_wait3A_66 = tpu.memref_slice %arg7[%mul3A_57, %dma_wait3A] : memref<40x128xi32, #tpu.memory_space<vmem>> -> memref<1x128xi32, #tpu.memory_space<vmem>>
      %dma_wait3A_67 = tpu.memref_squeeze %dma_wait3A_66 : memref<1x128xi32, #tpu.memory_space<vmem>> -> memref<128xi32, #tpu.memory_space<vmem>>
      %dma_wait3A_68 = arith.constant 0 : i32
      %dma_wait3A_69 = arith.constant 0 : i32
      %dma_wait3A_70 = tpu.memref_slice %arg2[%dma_wait3A_68, %dma_wait3A_69] : memref<10016x128xf32, #tpu.memory_space<hbm>> -> memref<10016x128xf32, #tpu.memory_space<hbm>>
      tpu.wait_indirect_dma semaphore(%arg11 : memref<!tpu.dma_semaphore, #tpu.memory_space<semaphore_mem>>) src(%dma_wait3A_70 : memref<10016x128xf32, #tpu.memory_space<hbm>>) dst(%arg9 : memref<128x128xf32, #tpu.memory_space<vmem>>)
      "tpu.region"() ({
        %run_scoped3A_85 = tpu.sem_alloc : memref<!tpu.dma_semaphore, #tpu.memory_space<semaphore_mem>>
        %dma_start3A_86 = arith.constant 0 : i32
        %dma_start3A_87 = tpu.memref_slice %arg8[%mul3A_57, %dma_start3A_86] : memref<40x128xi32, #tpu.memory_space<vmem>> -> memref<1x128xi32, #tpu.memory_space<vmem>>
        %dma_start3A_88 = tpu.memref_squeeze %dma_start3A_87 : memref<1x128xi32, #tpu.memory_space<vmem>> -> memref<128xi32, #tpu.memory_space<vmem>>
        %dma_start3A_89 = arith.constant 0 : i32
        %dma_start3A_90 = arith.constant 0 : i32
        %dma_start3A_91 = tpu.memref_slice %arg6[%dma_start3A_89, %dma_start3A_90] : memref<10016x128xf32, #tpu.memory_space<vmem_shared>> -> memref<10016x128xf32, #tpu.memory_space<vmem_shared>>
        tpu.enqueue_indirect_dma source(%arg9 : memref<128x128xf32, #tpu.memory_space<vmem>>) target(%dma_start3A_91 : memref<10016x128xf32, #tpu.memory_space<vmem_shared>>) offsets(%dma_start3A_88 : memref<128xi32, #tpu.memory_space<vmem>>) semaphore(%run_scoped3A_85 : memref<!tpu.dma_semaphore, #tpu.memory_space<semaphore_mem>>) {add = true}
        %dma_wait3A_92 = arith.constant 0 : i32
        %dma_wait3A_93 = tpu.memref_slice %arg8[%mul3A_57, %dma_wait3A_92] : memref<40x128xi32, #tpu.memory_space<vmem>> -> memref<1x128xi32, #tpu.memory_space<vmem>>
        %dma_wait3A_94 = tpu.memref_squeeze %dma_wait3A_93 : memref<1x128xi32, #tpu.memory_space<vmem>> -> memref<128xi32, #tpu.memory_space<vmem>>
        %dma_wait3A_95 = arith.constant 0 : i32
        %dma_wait3A_96 = arith.constant 0 : i32
        %dma_wait3A_97 = tpu.memref_slice %arg6[%dma_wait3A_95, %dma_wait3A_96] : memref<10016x128xf32, #tpu.memory_space<vmem_shared>> -> memref<10016x128xf32, #tpu.memory_space<vmem_shared>>
        tpu.wait_indirect_dma semaphore(%run_scoped3A_85 : memref<!tpu.dma_semaphore, #tpu.memory_space<semaphore_mem>>) src(%arg9 : memref<128x128xf32, #tpu.memory_space<vmem>>) dst(%dma_wait3A_97 : memref<10016x128xf32, #tpu.memory_space<vmem_shared>>)
        tpu.yield
      }) : () -> ()
      %lt3A = arith.constant 19 : i32
      %lt3A_71 = arith.cmpi slt, %scan3A_55, %lt3A : i32
      %convert_element_type3A_72 = arith.extui %lt3A_71 : i1 to i32
      %cond3A_73 = arith.constant 0 : i32
      %cond3A_74 = arith.cmpi ne, %convert_element_type3A_72, %cond3A_73 : i32
      scf.if %cond3A_74 {
        %add3A_85 = arith.constant 2 : i32
        %add3A_86 = arith.addi %mul3A_57, %add3A_85 : i32
        %dma_start3A_87 = arith.constant 0 : i32
        %dma_start3A_88 = tpu.memref_slice %arg7[%add3A_86, %dma_start3A_87] : memref<40x128xi32, #tpu.memory_space<vmem>> -> memref<1x128xi32, #tpu.memory_space<vmem>>
        %dma_start3A_89 = tpu.memref_squeeze %dma_start3A_88 : memref<1x128xi32, #tpu.memory_space<vmem>> -> memref<128xi32, #tpu.memory_space<vmem>>
        %dma_start3A_90 = arith.constant 0 : i32
        %dma_start3A_91 = arith.constant 0 : i32
        %dma_start3A_92 = tpu.memref_slice %arg2[%dma_start3A_90, %dma_start3A_91] : memref<10016x128xf32, #tpu.memory_space<hbm>> -> memref<10016x128xf32, #tpu.memory_space<hbm>>
        tpu.enqueue_indirect_dma source(%dma_start3A_92 : memref<10016x128xf32, #tpu.memory_space<hbm>>) target(%arg9 : memref<128x128xf32, #tpu.memory_space<vmem>>) offsets(%dma_start3A_89 : memref<128xi32, #tpu.memory_space<vmem>>) semaphore(%arg11 : memref<!tpu.dma_semaphore, #tpu.memory_space<semaphore_mem>>)
      } else {
      }
      %add3A_75 = arith.constant 1 : i32
      %add3A_76 = arith.addi %mul3A_57, %add3A_75 : i32
      %dma_wait3A_77 = arith.constant 0 : i32
      %dma_wait3A_78 = tpu.memref_slice %arg7[%add3A_76, %dma_wait3A_77] : memref<40x128xi32, #tpu.memory_space<vmem>> -> memref<1x128xi32, #tpu.memory_space<vmem>>
      %dma_wait3A_79 = tpu.memref_squeeze %dma_wait3A_78 : memref<1x128xi32, #tpu.memory_space<vmem>> -> memref<128xi32, #tpu.memory_space<vmem>>
      %dma_wait3A_80 = arith.constant 0 : i32
      %dma_wait3A_81 = arith.constant 0 : i32
      %dma_wait3A_82 = tpu.memref_slice %arg2[%dma_wait3A_80, %dma_wait3A_81] : memref<10016x128xf32, #tpu.memory_space<hbm>> -> memref<10016x128xf32, #tpu.memory_space<hbm>>
      tpu.wait_indirect_dma semaphore(%arg12 : memref<!tpu.dma_semaphore, #tpu.memory_space<semaphore_mem>>) src(%dma_wait3A_82 : memref<10016x128xf32, #tpu.memory_space<hbm>>) dst(%arg10 : memref<128x128xf32, #tpu.memory_space<vmem>>)
      %add3A_83 = arith.constant 1 : i32
      %add3A_84 = arith.addi %mul3A_57, %add3A_83 : i32
      "tpu.region"() ({
        %run_scoped3A_85 = tpu.sem_alloc : memref<!tpu.dma_semaphore, #tpu.memory_space<semaphore_mem>>
        %dma_start3A_86 = arith.constant 0 : i32
        %dma_start3A_87 = tpu.memref_slice %arg8[%add3A_84, %dma_start3A_86] : memref<40x128xi32, #tpu.memory_space<vmem>> -> memref<1x128xi32, #tpu.memory_space<vmem>>
        %dma_start3A_88 = tpu.memref_squeeze %dma_start3A_87 : memref<1x128xi32, #tpu.memory_space<vmem>> -> memref<128xi32, #tpu.memory_space<vmem>>
        %dma_start3A_89 = arith.constant 0 : i32
        %dma_start3A_90 = arith.constant 0 : i32
        %dma_start3A_91 = tpu.memref_slice %arg6[%dma_start3A_89, %dma_start3A_90] : memref<10016x128xf32, #tpu.memory_space<vmem_shared>> -> memref<10016x128xf32, #tpu.memory_space<vmem_shared>>
        tpu.enqueue_indirect_dma source(%arg10 : memref<128x128xf32, #tpu.memory_space<vmem>>) target(%dma_start3A_91 : memref<10016x128xf32, #tpu.memory_space<vmem_shared>>) offsets(%dma_start3A_88 : memref<128xi32, #tpu.memory_space<vmem>>) semaphore(%run_scoped3A_85 : memref<!tpu.dma_semaphore, #tpu.memory_space<semaphore_mem>>) {add = true}
        %dma_wait3A_92 = arith.constant 0 : i32
        %dma_wait3A_93 = tpu.memref_slice %arg8[%add3A_84, %dma_wait3A_92] : memref<40x128xi32, #tpu.memory_space<vmem>> -> memref<1x128xi32, #tpu.memory_space<vmem>>
        %dma_wait3A_94 = tpu.memref_squeeze %dma_wait3A_93 : memref<1x128xi32, #tpu.memory_space<vmem>> -> memref<128xi32, #tpu.memory_space<vmem>>
        %dma_wait3A_95 = arith.constant 0 : i32
        %dma_wait3A_96 = arith.constant 0 : i32
        %dma_wait3A_97 = tpu.memref_slice %arg6[%dma_wait3A_95, %dma_wait3A_96] : memref<10016x128xf32, #tpu.memory_space<vmem_shared>> -> memref<10016x128xf32, #tpu.memory_space<vmem_shared>>
        tpu.wait_indirect_dma semaphore(%run_scoped3A_85 : memref<!tpu.dma_semaphore, #tpu.memory_space<semaphore_mem>>) src(%arg10 : memref<128x128xf32, #tpu.memory_space<vmem>>) dst(%dma_wait3A_97 : memref<10016x128xf32, #tpu.memory_space<vmem_shared>>)
        tpu.yield
      }) : () -> ()
    }
    %scan3A_46 = arith.constant 20 : i32
    %barrier3A_47 = arith.constant 0 : index
    tpu.barrier barrier_id(%barrier3A_47)
    %mul3A_48 = arith.constant 624 : i32
    %mul3A_49 = arith.muli %arg1, %mul3A_48 : i32
    "tpu.region"() ({
      %run_scoped3A_55 = tpu.sem_alloc : memref<!tpu.dma_semaphore, #tpu.memory_space<semaphore_mem>>
      %dma_start3A_56 = arith.constant 0 : i32
      %dma_start3A_57 = arith.constant 0 : i32
      %dma_start3A_58 = tpu.memref_slice %arg5[%arg0, %dma_start3A_56, %dma_start3A_57] : memref<2x10016x128xf32, #tpu.memory_space<hbm>> -> memref<1x10016x128xf32, #tpu.memory_space<hbm>>
      %dma_start3A_59 = tpu.memref_squeeze %dma_start3A_58 : memref<1x10016x128xf32, #tpu.memory_space<hbm>> -> memref<10016x128xf32, #tpu.memory_space<hbm>>
      %dma_start3A_60 = arith.constant 0 : i32
      %dma_start3A_61 = tpu.memref_slice %dma_start3A_59[%mul3A_49, %dma_start3A_60] : memref<10016x128xf32, #tpu.memory_space<hbm>> -> memref<624x128xf32, #tpu.memory_space<hbm>>
      %dma_start3A_62 = arith.constant 0 : i32
      %dma_start3A_63 = tpu.memref_slice %arg6[%mul3A_49, %dma_start3A_62] : memref<10016x128xf32, #tpu.memory_space<vmem_shared>> -> memref<624x128xf32, #tpu.memory_space<vmem_shared>>
      tpu.enqueue_dma source(%dma_start3A_63 : memref<624x128xf32, #tpu.memory_space<vmem_shared>>) target(%dma_start3A_61 : memref<624x128xf32, #tpu.memory_space<hbm>>) target_semaphore(%run_scoped3A_55 : memref<!tpu.dma_semaphore, #tpu.memory_space<semaphore_mem>>)
      %dma_wait3A = arith.constant 0 : i32
      %dma_wait3A_64 = arith.constant 0 : i32
      %dma_wait3A_65 = tpu.memref_slice %arg5[%arg0, %dma_wait3A, %dma_wait3A_64] : memref<2x10016x128xf32, #tpu.memory_space<hbm>> -> memref<1x10016x128xf32, #tpu.memory_space<hbm>>
      %dma_wait3A_66 = tpu.memref_squeeze %dma_wait3A_65 : memref<1x10016x128xf32, #tpu.memory_space<hbm>> -> memref<10016x128xf32, #tpu.memory_space<hbm>>
      %dma_wait3A_67 = arith.constant 0 : i32
      %dma_wait3A_68 = tpu.memref_slice %dma_wait3A_66[%mul3A_49, %dma_wait3A_67] : memref<10016x128xf32, #tpu.memory_space<hbm>> -> memref<624x128xf32, #tpu.memory_space<hbm>>
      %dma_wait3A_69 = arith.constant 0 : i32
      %dma_wait3A_70 = tpu.memref_slice %arg6[%mul3A_49, %dma_wait3A_69] : memref<10016x128xf32, #tpu.memory_space<vmem_shared>> -> memref<624x128xf32, #tpu.memory_space<vmem_shared>>
      tpu.wait_dma2 semaphore(%run_scoped3A_55 : memref<!tpu.dma_semaphore, #tpu.memory_space<semaphore_mem>>) src(%dma_wait3A_70 : memref<624x128xf32, #tpu.memory_space<vmem_shared>>) dst(%dma_wait3A_68 : memref<624x128xf32, #tpu.memory_space<hbm>>)
      tpu.yield
    }) : () -> ()
    %eq3A_50 = arith.constant 0 : i32
    %eq3A_51 = arith.cmpi eq, %arg1, %eq3A_50 : i32
    %convert_element_type3A_52 = arith.extui %eq3A_51 : i1 to i32
    %cond3A_53 = arith.constant 0 : i32
    %cond3A_54 = arith.cmpi ne, %convert_element_type3A_52, %cond3A_53 : i32
    scf.if %cond3A_54 {
      "tpu.region"() ({
        %run_scoped3A_55 = tpu.sem_alloc : memref<!tpu.dma_semaphore, #tpu.memory_space<semaphore_mem>>
        %dma_start3A_56 = arith.constant 0 : i32
        %dma_start3A_57 = arith.constant 0 : i32
        %dma_start3A_58 = tpu.memref_slice %arg5[%arg0, %dma_start3A_56, %dma_start3A_57] : memref<2x10016x128xf32, #tpu.memory_space<hbm>> -> memref<1x10016x128xf32, #tpu.memory_space<hbm>>
        %dma_start3A_59 = tpu.memref_squeeze %dma_start3A_58 : memref<1x10016x128xf32, #tpu.memory_space<hbm>> -> memref<10016x128xf32, #tpu.memory_space<hbm>>
        %dma_start3A_60 = arith.constant 9984 : i32
        %dma_start3A_61 = arith.constant 0 : i32
        %dma_start3A_62 = tpu.memref_slice %dma_start3A_59[%dma_start3A_60, %dma_start3A_61] : memref<10016x128xf32, #tpu.memory_space<hbm>> -> memref<16x128xf32, #tpu.memory_space<hbm>>
        %dma_start3A_63 = arith.constant 9984 : i32
        %dma_start3A_64 = arith.constant 0 : i32
        %dma_start3A_65 = tpu.memref_slice %arg6[%dma_start3A_63, %dma_start3A_64] : memref<10016x128xf32, #tpu.memory_space<vmem_shared>> -> memref<16x128xf32, #tpu.memory_space<vmem_shared>>
        tpu.enqueue_dma source(%dma_start3A_65 : memref<16x128xf32, #tpu.memory_space<vmem_shared>>) target(%dma_start3A_62 : memref<16x128xf32, #tpu.memory_space<hbm>>) target_semaphore(%run_scoped3A_55 : memref<!tpu.dma_semaphore, #tpu.memory_space<semaphore_mem>>)
        %dma_wait3A = arith.constant 0 : i32
        %dma_wait3A_66 = arith.constant 0 : i32
        %dma_wait3A_67 = tpu.memref_slice %arg5[%arg0, %dma_wait3A, %dma_wait3A_66] : memref<2x10016x128xf32, #tpu.memory_space<hbm>> -> memref<1x10016x128xf32, #tpu.memory_space<hbm>>
        %dma_wait3A_68 = tpu.memref_squeeze %dma_wait3A_67 : memref<1x10016x128xf32, #tpu.memory_space<hbm>> -> memref<10016x128xf32, #tpu.memory_space<hbm>>
        %dma_wait3A_69 = arith.constant 9984 : i32
        %dma_wait3A_70 = arith.constant 0 : i32
        %dma_wait3A_71 = tpu.memref_slice %dma_wait3A_68[%dma_wait3A_69, %dma_wait3A_70] : memref<10016x128xf32, #tpu.memory_space<hbm>> -> memref<16x128xf32, #tpu.memory_space<hbm>>
        %dma_wait3A_72 = arith.constant 9984 : i32
        %dma_wait3A_73 = arith.constant 0 : i32
        %dma_wait3A_74 = tpu.memref_slice %arg6[%dma_wait3A_72, %dma_wait3A_73] : memref<10016x128xf32, #tpu.memory_space<vmem_shared>> -> memref<16x128xf32, #tpu.memory_space<vmem_shared>>
        tpu.wait_dma2 semaphore(%run_scoped3A_55 : memref<!tpu.dma_semaphore, #tpu.memory_space<semaphore_mem>>) src(%dma_wait3A_74 : memref<16x128xf32, #tpu.memory_space<vmem_shared>>) dst(%dma_wait3A_71 : memref<16x128xf32, #tpu.memory_space<hbm>>)
        tpu.yield
      }) : () -> ()
    } else {
    }
    return
  }
}

module attributes {stable_mosaic.version = 14 : i64} {
  func.func @_e_body(%arg0: i32, %arg1: i32, %arg2: memref<1x512x128xi32, #tpu.memory_space<vmem>>, %arg3: memref<1x512x128xi32, #tpu.memory_space<vmem>>) attributes {dimension_semantics = [#tpu.dimension_semantics<arbitrary>, #tpu.dimension_semantics<arbitrary>], iteration_bounds = array<i64: 2, 5>, scalar_prefetch = 0 : i64, scratch_operands = 0 : i64, tpu.core_type = #tpu.core_type<tc>, window_params = [{transform_indices = @transform_0, window_bounds = array<i64: 1, 512, 128>}, {transform_indices = @transform_1, window_bounds = array<i64: 1, 512, 128>}]} {
    %iota3A = tpu.iota {dimensions = array<i32: 0>} : vector<512x128xi32>
    %mul3A = arith.constant 512 : i32
    %mul3A_0 = arith.muli %arg1, %mul3A : i32
    %add3A = vector.broadcast %mul3A_0 : i32 to vector<512x128xi32>
    %add3A_1 = arith.addi %iota3A, %add3A : vector<512x128xi32>
    %iota3A_2 = tpu.iota {dimensions = array<i32: 1>} : vector<512x128xi32>
    %jit3A = arith.constant 16 : i32
    %eq3A = arith.constant 0 : i32
    %eq3A_3 = arith.cmpi eq, %jit3A, %eq3A : i32
    %jit3A_4 = arith.constant 1 : i32
    %select_n3A = arith.select %eq3A_3, %jit3A_4, %jit3A : i32
    %rem3A = vector.broadcast %select_n3A : i32 to vector<512x128xi32>
    %rem3A_5 = arith.remsi %iota3A_2, %rem3A : vector<512x128xi32>
    %ne3A = arith.constant 0 : i32
    %ne3A_6 = vector.broadcast %ne3A : i32 to vector<512x128xi32>
    %ne3A_7 = arith.cmpi ne, %rem3A_5, %ne3A_6 : vector<512x128xi32>
    %lt3A = arith.constant 0 : i32
    %lt3A_8 = vector.broadcast %lt3A : i32 to vector<512x128xi32>
    %lt3A_9 = arith.cmpi slt, %rem3A_5, %lt3A_8 : vector<512x128xi32>
    %lt3A_10 = arith.constant 0 : i32
    %lt3A_11 = arith.cmpi slt, %select_n3A, %lt3A_10 : i32
    %ne3A_12 = vector.broadcast %lt3A_11 : i1 to vector<512x128xi1>
    %ne3A_13 = vector.broadcast %ne3A_12 : vector<512x128xi1> to vector<512x128xi1>
    %ne3A_14 = arith.xori %lt3A_9, %ne3A_13 : vector<512x128xi1>
    %and3A = arith.andi %ne3A_14, %ne3A_7 : vector<512x128xi1>
    %add3A_15 = vector.broadcast %select_n3A : i32 to vector<512x128xi32>
    %add3A_16 = arith.addi %rem3A_5, %add3A_15 : vector<512x128xi32>
    %select_n3A_17 = arith.select %and3A, %add3A_16, %rem3A_5 : vector<512x128xi1>, vector<512x128xi32>
    %add3A_18 = arith.constant 10000 : i32
    %add3A_19 = vector.broadcast %add3A_18 : i32 to vector<512x128xi32>
    %add3A_20 = arith.addi %add3A_19, %select_n3A_17 : vector<512x128xi32>
    %lt3A_21 = arith.constant 2500 : i32
    %lt3A_22 = vector.broadcast %lt3A_21 : i32 to vector<512x128xi32>
    %lt3A_23 = arith.cmpi slt, %add3A_1, %lt3A_22 : vector<512x128xi32>
    %get3A = arith.constant 0 : index
    %get3A_24 = arith.constant 0 : index
    %get3A_25 = arith.constant 0 : index
    %get3A_26 = vector.load %arg2[%get3A, %get3A_24, %get3A_25] : memref<1x512x128xi32, #tpu.memory_space<vmem>>, vector<1x512x128xi32>
    %get3A_27 = vector.shape_cast %get3A_26 : vector<1x512x128xi32> to vector<512x128xi32>
    %select_n3A_28 = arith.select %lt3A_23, %get3A_27, %add3A_20 : vector<512x128xi1>, vector<512x128xi32>
    %swap3A = arith.constant 0 : index
    %swap3A_29 = arith.constant 0 : index
    %swap3A_30 = arith.constant 0 : index
    %swap3A_31 = vector.load %arg3[%swap3A, %swap3A_29, %swap3A_30] : memref<1x512x128xi32, #tpu.memory_space<vmem>>, vector<1x512x128xi32>
    %swap3A_32 = vector.shape_cast %swap3A_31 : vector<1x512x128xi32> to vector<512x128xi32>
    %swap3A_33 = vector.shape_cast %select_n3A_28 : vector<512x128xi32> to vector<1x512x128xi32>
    tpu.vector_store %arg3[%swap3A, %swap3A_29, %swap3A_30], %swap3A_33 {strides = array<i32>} : memref<1x512x128xi32, #tpu.memory_space<vmem>>, vector<1x512x128xi32>,
    return
  }
  func.func @transform_0(%arg0: i32, %arg1: i32) -> (i32, i32, i32) {
    %c0_i32 = arith.constant 0 : i32
    %c0_i32_0 = arith.constant 0 : i32
    return %arg0, %arg1, %c0_i32 : i32, i32, i32
  }
  func.func @transform_1(%arg0: i32, %arg1: i32) -> (i32, i32, i32) {
    %c0_i32 = arith.constant 0 : i32
    %c0_i32_0 = arith.constant 0 : i32
    return %arg0, %arg1, %c0_i32 : i32, i32, i32
  }
}

module attributes {stable_mosaic.version = 14 : i64} {
  func.func @_b1_body(%arg0: i32, %arg1: memref<2504x128xf32, #tpu.memory_space<vmem>>, %arg2: memref<128x128xf32, #tpu.memory_space<vmem>>, %arg3: memref<1x128xf32, #tpu.memory_space<vmem>>, %arg4: memref<2504x128xf32, #tpu.memory_space<vmem>>) attributes {dimension_semantics = [#tpu.dimension_semantics<arbitrary>], iteration_bounds = array<i64: 4>, scalar_prefetch = 0 : i64, scratch_operands = 0 : i64, tpu.core_type = #tpu.core_type<tc>, window_params = [{transform_indices = @transform_0, window_bounds = array<i64: 2504, 128>}, {pipeline_mode = #tpu.pipeline_mode<synchronous>, transform_indices = @transform_1, window_bounds = array<i64: 128, 128>}, {pipeline_mode = #tpu.pipeline_mode<synchronous>, transform_indices = @transform_2, window_bounds = array<i64: 1, 128>}, {transform_indices = @transform_3, window_bounds = array<i64: 2504, 128>}]} {
    %get3A = arith.constant 0 : index
    %get3A_0 = arith.constant 0 : index
    %get3A_1 = vector.load %arg1[%get3A, %get3A_0] : memref<2504x128xf32, #tpu.memory_space<vmem>>, vector<2504x128xf32>
    %get3A_2 = arith.constant 0 : index
    %get3A_3 = arith.constant 0 : index
    %get3A_4 = vector.load %arg2[%get3A_2, %get3A_3] : memref<128x128xf32, #tpu.memory_space<vmem>>, vector<128x128xf32>
    %dot_general3A = arith.constant dense<0.000000e+00> : vector<2504x128xf32>
    %dot_general3A_5 = tpu.matmul %get3A_1, %get3A_4, %dot_general3A {dimension_numbers = #tpu.dot_dimension_numbers<[1], [0], [0], [1], [0, 0, 1, 1], [], []>, transpose_lhs_hint = false} : vector<2504x128xf32>, vector<128x128xf32>, vector<2504x128xf32> -> vector<2504x128xf32>
    %get3A_6 = arith.constant 0 : index
    %get3A_7 = arith.constant 0 : index
    %get3A_8 = vector.load %arg3[%get3A_6, %get3A_7] : memref<1x128xf32, #tpu.memory_space<vmem>>, vector<1x128xf32>
    %add3A = vector.broadcast %get3A_8 : vector<1x128xf32> to vector<2504x128xf32>
    %add3A_9 = arith.addf %dot_general3A_5, %add3A : vector<2504x128xf32>
    %swap3A = arith.constant 0 : index
    %swap3A_10 = arith.constant 0 : index
    %swap3A_11 = vector.load %arg4[%swap3A, %swap3A_10] : memref<2504x128xf32, #tpu.memory_space<vmem>>, vector<2504x128xf32>
    tpu.vector_store %arg4[%swap3A, %swap3A_10], %add3A_9 {strides = array<i32>} : memref<2504x128xf32, #tpu.memory_space<vmem>>, vector<2504x128xf32>,
    return
  }
  func.func @transform_0(%arg0: i32) -> (i32, i32) {
    %c0_i32 = arith.constant 0 : i32
    %c0_i32_0 = arith.constant 0 : i32
    return %arg0, %c0_i32 : i32, i32
  }
  func.func @transform_1(%arg0: i32) -> (i32, i32) {
    %c0_i32 = arith.constant 0 : i32
    %c0_i32_0 = arith.constant 0 : i32
    %c0_i32_1 = arith.constant 0 : i32
    return %c0_i32, %c0_i32_0 : i32, i32
  }
  func.func @transform_2(%arg0: i32) -> (i32, i32) {
    %c0_i32 = arith.constant 0 : i32
    %c0_i32_0 = arith.constant 0 : i32
    %c0_i32_1 = arith.constant 0 : i32
    return %c0_i32, %c0_i32_0 : i32, i32
  }
  func.func @transform_3(%arg0: i32) -> (i32, i32) {
    %c0_i32 = arith.constant 0 : i32
    %c0_i32_0 = arith.constant 0 : i32
    return %arg0, %c0_i32 : i32, i32
  }
}

module attributes {stable_mosaic.version = 14 : i64} {
  func.func @_b2_body(%arg0: i32, %arg1: memref<2x2504x128xf32, #tpu.memory_space<vmem>>, %arg2: memref<2504x128xf32, #tpu.memory_space<vmem>>, %arg3: memref<2504x128xf32, #tpu.memory_space<vmem>>, %arg4: memref<2504x8xf32, #tpu.memory_space<vmem>>) attributes {dimension_semantics = [#tpu.dimension_semantics<arbitrary>], iteration_bounds = array<i64: 4>, scalar_prefetch = 0 : i64, scratch_operands = 0 : i64, tpu.core_type = #tpu.core_type<tc>, window_params = [{transform_indices = @transform_0, window_bounds = array<i64: 2, 2504, 128>}, {transform_indices = @transform_1, window_bounds = array<i64: 2504, 128>}, {transform_indices = @transform_2, window_bounds = array<i64: 2504, 128>}, {transform_indices = @transform_3, window_bounds = array<i64: 2504, 8>}]} {
    %get3A = arith.constant 0 : index
    %get3A_0 = arith.constant 0 : index
    %get3A_1 = arith.constant 0 : index
    %get3A_2 = vector.load %arg1[%get3A, %get3A_0, %get3A_1] : memref<2x2504x128xf32, #tpu.memory_space<vmem>>, vector<1x2504x1xf32>
    %get3A_3 = vector.shape_cast %get3A_2 : vector<1x2504x1xf32> to vector<2504x1xf32>
    %get3A_4 = arith.constant 1 : index
    %get3A_5 = arith.constant 0 : index
    %get3A_6 = arith.constant 0 : index
    %get3A_7 = vector.load %arg1[%get3A_4, %get3A_5, %get3A_6] : memref<2x2504x128xf32, #tpu.memory_space<vmem>>, vector<1x2504x1xf32>
    %get3A_8 = vector.shape_cast %get3A_7 : vector<1x2504x1xf32> to vector<2504x1xf32>
    %add3A = arith.addf %get3A_3, %get3A_8 : vector<2504x1xf32>
    %add3A_9 = arith.constant 1.000000e+00 : f32
    %add3A_10 = vector.broadcast %add3A_9 : f32 to vector<2504x1xf32>
    %add3A_11 = arith.addf %add3A, %add3A_10 : vector<2504x1xf32>
    %rsqrt3A = math.rsqrt %add3A_11 : vector<2504x1xf32>
    %get3A_12 = arith.constant 0 : index
    %get3A_13 = arith.constant 0 : index
    %get3A_14 = vector.load %arg2[%get3A_12, %get3A_13] : memref<2504x128xf32, #tpu.memory_space<vmem>>, vector<2504x128xf32>
    %mul3A = vector.broadcast %rsqrt3A : vector<2504x1xf32> to vector<2504x128xf32>
    %mul3A_15 = arith.mulf %mul3A, %get3A_14 : vector<2504x128xf32>
    %swap3A = arith.constant 0 : index
    %swap3A_16 = arith.constant 0 : index
    %swap3A_17 = vector.load %arg3[%swap3A, %swap3A_16] : memref<2504x128xf32, #tpu.memory_space<vmem>>, vector<2504x128xf32>
    tpu.vector_store %arg3[%swap3A, %swap3A_16], %mul3A_15 {strides = array<i32>} : memref<2504x128xf32, #tpu.memory_space<vmem>>, vector<2504x128xf32>,
    %broadcast_in_dim3A = vector.shape_cast %rsqrt3A : vector<2504x1xf32> to vector<2504x1xf32>
    %broadcast_in_dim3A_18 = vector.broadcast %broadcast_in_dim3A : vector<2504x1xf32> to vector<2504x8xf32>
    %swap3A_19 = arith.constant 0 : index
    %swap3A_20 = arith.constant 0 : index
    %swap3A_21 = vector.load %arg4[%swap3A_19, %swap3A_20] : memref<2504x8xf32, #tpu.memory_space<vmem>>, vector<2504x8xf32>
    tpu.vector_store %arg4[%swap3A_19, %swap3A_20], %broadcast_in_dim3A_18 {strides = array<i32>} : memref<2504x8xf32, #tpu.memory_space<vmem>>, vector<2504x8xf32>,
    return
  }
  func.func @transform_0(%arg0: i32) -> (i32, i32, i32) {
    %c0_i32 = arith.constant 0 : i32
    %c0_i32_0 = arith.constant 0 : i32
    %c0_i32_1 = arith.constant 0 : i32
    return %c0_i32, %arg0, %c0_i32_0 : i32, i32, i32
  }
  func.func @transform_1(%arg0: i32) -> (i32, i32) {
    %c0_i32 = arith.constant 0 : i32
    %c0_i32_0 = arith.constant 0 : i32
    return %arg0, %c0_i32 : i32, i32
  }
  func.func @transform_2(%arg0: i32) -> (i32, i32) {
    %c0_i32 = arith.constant 0 : i32
    %c0_i32_0 = arith.constant 0 : i32
    return %arg0, %c0_i32 : i32, i32
  }
  func.func @transform_3(%arg0: i32) -> (i32, i32) {
    %c0_i32 = arith.constant 0 : i32
    %c0_i32_0 = arith.constant 0 : i32
    return %arg0, %c0_i32 : i32, i32
  }
}

module attributes {stable_mosaic.version = 14 : i64} {
  func.func @_d_body(%arg0: i32, %arg1: memref<2504x8xf32, #tpu.memory_space<vmem>>, %arg2: memref<2x2504x128xf32, #tpu.memory_space<vmem>>, %arg3: memref<1x128xf32, #tpu.memory_space<vmem>>, %arg4: memref<1x128xf32, #tpu.memory_space<vmem>>, %arg5: memref<128x64xf32, #tpu.memory_space<vmem>>, %arg6: memref<1x64xf32, #tpu.memory_space<vmem>>, %arg7: memref<2504x128xf32, #tpu.memory_space<vmem>>) attributes {dimension_semantics = [#tpu.dimension_semantics<arbitrary>], iteration_bounds = array<i64: 4>, scalar_prefetch = 0 : i64, scratch_operands = 0 : i64, tpu.core_type = #tpu.core_type<tc>, window_params = [{transform_indices = @transform_0, window_bounds = array<i64: 2504, 8>}, {transform_indices = @transform_1, window_bounds = array<i64: 2, 2504, 128>}, {pipeline_mode = #tpu.pipeline_mode<synchronous>, transform_indices = @transform_2, window_bounds = array<i64: 1, 128>}, {pipeline_mode = #tpu.pipeline_mode<synchronous>, transform_indices = @transform_3, window_bounds = array<i64: 1, 128>}, {pipeline_mode = #tpu.pipeline_mode<synchronous>, transform_indices = @transform_4, window_bounds = array<i64: 128, 64>}, {pipeline_mode = #tpu.pipeline_mode<synchronous>, transform_indices = @transform_5, window_bounds = array<i64: 1, 64>}, {transform_indices = @transform_6, window_bounds = array<i64: 2504, 128>}]} {
    %get3A = arith.constant 0 : index
    %get3A_0 = arith.constant 0 : index
    %get3A_1 = vector.load %arg1[%get3A, %get3A_0] : memref<2504x8xf32, #tpu.memory_space<vmem>>, vector<2504x1xf32>
    %get3A_2 = arith.constant 0 : index
    %get3A_3 = arith.constant 0 : index
    %get3A_4 = arith.constant 0 : index
    %get3A_5 = vector.load %arg2[%get3A_2, %get3A_3, %get3A_4] : memref<2x2504x128xf32, #tpu.memory_space<vmem>>, vector<1x2504x128xf32>
    %get3A_6 = vector.shape_cast %get3A_5 : vector<1x2504x128xf32> to vector<2504x128xf32>
    %get3A_7 = arith.constant 1 : index
    %get3A_8 = arith.constant 0 : index
    %get3A_9 = arith.constant 0 : index
    %get3A_10 = vector.load %arg2[%get3A_7, %get3A_8, %get3A_9] : memref<2x2504x128xf32, #tpu.memory_space<vmem>>, vector<1x2504x128xf32>
    %get3A_11 = vector.shape_cast %get3A_10 : vector<1x2504x128xf32> to vector<2504x128xf32>
    %add3A = arith.addf %get3A_6, %get3A_11 : vector<2504x128xf32>
    %mul3A = vector.broadcast %get3A_1 : vector<2504x1xf32> to vector<2504x128xf32>
    %mul3A_12 = arith.mulf %mul3A, %add3A : vector<2504x128xf32>
    %get3A_13 = arith.constant 0 : index
    %get3A_14 = arith.constant 0 : index
    %get3A_15 = vector.load %arg3[%get3A_13, %get3A_14] : memref<1x128xf32, #tpu.memory_space<vmem>>, vector<1x128xf32>
    %sqrt3A = arith.constant 1.000010e+00 : f32
    %sqrt3A_16 = math.sqrt %sqrt3A : f32
    %div3A = arith.constant 1.000000e+00 : f32
    %div3A_17 = arith.divf %div3A, %sqrt3A_16 : f32
    %mul3A_18 = vector.broadcast %div3A_17 : f32 to vector<1x128xf32>
    %mul3A_19 = arith.mulf %get3A_15, %mul3A_18 : vector<1x128xf32>
    %mul3A_20 = vector.broadcast %mul3A_19 : vector<1x128xf32> to vector<2504x128xf32>
    %mul3A_21 = arith.mulf %mul3A_12, %mul3A_20 : vector<2504x128xf32>
    %get3A_22 = arith.constant 0 : index
    %get3A_23 = arith.constant 0 : index
    %get3A_24 = vector.load %arg4[%get3A_22, %get3A_23] : memref<1x128xf32, #tpu.memory_space<vmem>>, vector<1x128xf32>
    %add3A_25 = vector.broadcast %get3A_24 : vector<1x128xf32> to vector<2504x128xf32>
    %add3A_26 = arith.addf %mul3A_21, %add3A_25 : vector<2504x128xf32>
    %ge3A = arith.constant 0.000000e+00 : f32
    %ge3A_27 = vector.broadcast %ge3A : f32 to vector<2504x128xf32>
    %ge3A_28 = arith.cmpf oge, %add3A_26, %ge3A_27 : vector<2504x128xf32>
    %mul3A_29 = arith.constant 0.00999999977 : f32
    %mul3A_30 = vector.broadcast %mul3A_29 : f32 to vector<2504x128xf32>
    %mul3A_31 = arith.mulf %mul3A_30, %add3A_26 : vector<2504x128xf32>
    %select_n3A = arith.select %ge3A_28, %add3A_26, %mul3A_31 : vector<2504x128xi1>, vector<2504x128xf32>
    %get3A_32 = arith.constant 0 : index
    %get3A_33 = arith.constant 0 : index
    %get3A_34 = vector.load %arg5[%get3A_32, %get3A_33] : memref<128x64xf32, #tpu.memory_space<vmem>>, vector<128x64xf32>
    %dot_general3A = arith.constant dense<0.000000e+00> : vector<2504x64xf32>
    %dot_general3A_35 = tpu.matmul %select_n3A, %get3A_34, %dot_general3A {dimension_numbers = #tpu.dot_dimension_numbers<[1], [0], [0], [1], [0, 0, 1, 1], [], []>, transpose_lhs_hint = false} : vector<2504x128xf32>, vector<128x64xf32>, vector<2504x64xf32> -> vector<2504x64xf32>
    %get3A_36 = arith.constant 0 : index
    %get3A_37 = arith.constant 0 : index
    %get3A_38 = vector.load %arg6[%get3A_36, %get3A_37] : memref<1x64xf32, #tpu.memory_space<vmem>>, vector<1x64xf32>
    %add3A_39 = vector.broadcast %get3A_38 : vector<1x64xf32> to vector<2504x64xf32>
    %add3A_40 = arith.addf %dot_general3A_35, %add3A_39 : vector<2504x64xf32>
    %mul3A_41 = arith.mulf %add3A_40, %add3A_40 : vector<2504x64xf32>
    %reduce_sum3A = arith.constant dense<0.000000e+00> : vector<2504xf32>
    %reduce_sum3A_42 = vector.multi_reduction <add>, %mul3A_41, %reduce_sum3A [1] : vector<2504x64xf32> to vector<2504xf32>
    %broadcast_in_dim3A = vector.shape_cast %reduce_sum3A_42 : vector<2504xf32> to vector<2504x1xf32>
    %sqrt3A_43 = math.sqrt %broadcast_in_dim3A : vector<2504x1xf32>
    %max3A = arith.constant 9.99999996E-13 : f32
    %max3A_44 = vector.broadcast %max3A : f32 to vector<2504x1xf32>
    %max3A_45 = arith.maximumf %sqrt3A_43, %max3A_44 : vector<2504x1xf32>
    %div3A_46 = arith.constant 1.800000e+00 : f32
    %div3A_47 = vector.broadcast %div3A_46 : f32 to vector<2504x1xf32>
    %div3A_48 = arith.divf %div3A_47, %max3A_45 : vector<2504x1xf32>
    %mul3A_49 = vector.broadcast %div3A_48 : vector<2504x1xf32> to vector<2504x64xf32>
    %mul3A_50 = arith.mulf %add3A_40, %mul3A_49 : vector<2504x64xf32>
    %concatenate3A = tpu.concatenate %add3A_40, %mul3A_50 in 1 : vector<2504x64xf32>, vector<2504x64xf32> -> vector<2504x128xf32>
    %mul3A_51 = vector.broadcast %get3A_1 : vector<2504x1xf32> to vector<2504x128xf32>
    %mul3A_52 = arith.mulf %mul3A_51, %concatenate3A : vector<2504x128xf32>
    %swap3A = arith.constant 0 : index
    %swap3A_53 = arith.constant 0 : index
    %swap3A_54 = vector.load %arg7[%swap3A, %swap3A_53] : memref<2504x128xf32, #tpu.memory_space<vmem>>, vector<2504x128xf32>
    tpu.vector_store %arg7[%swap3A, %swap3A_53], %mul3A_52 {strides = array<i32>} : memref<2504x128xf32, #tpu.memory_space<vmem>>, vector<2504x128xf32>,
    return
  }
  func.func @transform_0(%arg0: i32) -> (i32, i32) {
    %c0_i32 = arith.constant 0 : i32
    %c0_i32_0 = arith.constant 0 : i32
    return %arg0, %c0_i32 : i32, i32
  }
  func.func @transform_1(%arg0: i32) -> (i32, i32, i32) {
    %c0_i32 = arith.constant 0 : i32
    %c0_i32_0 = arith.constant 0 : i32
    %c0_i32_1 = arith.constant 0 : i32
    return %c0_i32, %arg0, %c0_i32_0 : i32, i32, i32
  }
  func.func @transform_2(%arg0: i32) -> (i32, i32) {
    %c0_i32 = arith.constant 0 : i32
    %c0_i32_0 = arith.constant 0 : i32
    %c0_i32_1 = arith.constant 0 : i32
    return %c0_i32, %c0_i32_0 : i32, i32
  }
  func.func @transform_3(%arg0: i32) -> (i32, i32) {
    %c0_i32 = arith.constant 0 : i32
    %c0_i32_0 = arith.constant 0 : i32
    %c0_i32_1 = arith.constant 0 : i32
    return %c0_i32, %c0_i32_0 : i32, i32
  }
  func.func @transform_4(%arg0: i32) -> (i32, i32) {
    %c0_i32 = arith.constant 0 : i32
    %c0_i32_0 = arith.constant 0 : i32
    %c0_i32_1 = arith.constant 0 : i32
    return %c0_i32, %c0_i32_0 : i32, i32
  }
  func.func @transform_5(%arg0: i32) -> (i32, i32) {
    %c0_i32 = arith.constant 0 : i32
    %c0_i32_0 = arith.constant 0 : i32
    %c0_i32_1 = arith.constant 0 : i32
    return %c0_i32, %c0_i32_0 : i32, i32
  }
  func.func @transform_6(%arg0: i32) -> (i32, i32) {
    %c0_i32 = arith.constant 0 : i32
    %c0_i32_0 = arith.constant 0 : i32
    return %arg0, %c0_i32 : i32, i32
  }
}

module attributes {stable_mosaic.version = 14 : i64} {
  func.func @_f_body(%arg0: i32, %arg1: memref<2504x8xf32, #tpu.memory_space<vmem>>, %arg2: memref<2x2504x128xf32, #tpu.memory_space<vmem>>, %arg3: memref<2504x64xf32, #tpu.memory_space<vmem>>, %arg4: memref<2504x64xf32, #tpu.memory_space<vmem>>) attributes {dimension_semantics = [#tpu.dimension_semantics<arbitrary>], iteration_bounds = array<i64: 4>, scalar_prefetch = 0 : i64, scratch_operands = 0 : i64, tpu.core_type = #tpu.core_type<tc>, window_params = [{transform_indices = @transform_0, window_bounds = array<i64: 2504, 8>}, {transform_indices = @transform_1, window_bounds = array<i64: 2, 2504, 128>}, {transform_indices = @transform_2, window_bounds = array<i64: 2504, 64>}, {transform_indices = @transform_3, window_bounds = array<i64: 2504, 64>}]} {
    %get3A = arith.constant 0 : index
    %get3A_0 = arith.constant 0 : index
    %get3A_1 = vector.load %arg1[%get3A, %get3A_0] : memref<2504x8xf32, #tpu.memory_space<vmem>>, vector<2504x1xf32>
    %get3A_2 = arith.constant 0 : index
    %get3A_3 = arith.constant 0 : index
    %get3A_4 = arith.constant 0 : index
    %get3A_5 = vector.load %arg2[%get3A_2, %get3A_3, %get3A_4] : memref<2x2504x128xf32, #tpu.memory_space<vmem>>, vector<1x2504x128xf32>
    %get3A_6 = vector.shape_cast %get3A_5 : vector<1x2504x128xf32> to vector<2504x128xf32>
    %get3A_7 = arith.constant 1 : index
    %get3A_8 = arith.constant 0 : index
    %get3A_9 = arith.constant 0 : index
    %get3A_10 = vector.load %arg2[%get3A_7, %get3A_8, %get3A_9] : memref<2x2504x128xf32, #tpu.memory_space<vmem>>, vector<1x2504x128xf32>
    %get3A_11 = vector.shape_cast %get3A_10 : vector<1x2504x128xf32> to vector<2504x128xf32>
    %add3A = arith.addf %get3A_6, %get3A_11 : vector<2504x128xf32>
    %mul3A = vector.broadcast %get3A_1 : vector<2504x1xf32> to vector<2504x128xf32>
    %mul3A_12 = arith.mulf %mul3A, %add3A : vector<2504x128xf32>
    %slice3A = vector.extract_strided_slice %mul3A_12 {offsets = [0, 0], sizes = [2504, 64], strides = [1, 1]} : vector<2504x128xf32> to vector<2504x64xf32>
    %swap3A = arith.constant 0 : index
    %swap3A_13 = arith.constant 0 : index
    %swap3A_14 = vector.load %arg3[%swap3A, %swap3A_13] : memref<2504x64xf32, #tpu.memory_space<vmem>>, vector<2504x64xf32>
    tpu.vector_store %arg3[%swap3A, %swap3A_13], %slice3A {strides = array<i32>} : memref<2504x64xf32, #tpu.memory_space<vmem>>, vector<2504x64xf32>,
    %slice3A_15 = vector.extract_strided_slice %mul3A_12 {offsets = [0, 64], sizes = [2504, 64], strides = [1, 1]} : vector<2504x128xf32> to vector<2504x64xf32>
    %swap3A_16 = arith.constant 0 : index
    %swap3A_17 = arith.constant 0 : index
    %swap3A_18 = vector.load %arg4[%swap3A_16, %swap3A_17] : memref<2504x64xf32, #tpu.memory_space<vmem>>, vector<2504x64xf32>
    tpu.vector_store %arg4[%swap3A_16, %swap3A_17], %slice3A_15 {strides = array<i32>} : memref<2504x64xf32, #tpu.memory_space<vmem>>, vector<2504x64xf32>,
    return
  }
  func.func @transform_0(%arg0: i32) -> (i32, i32) {
    %c0_i32 = arith.constant 0 : i32
    %c0_i32_0 = arith.constant 0 : i32
    return %arg0, %c0_i32 : i32, i32
  }
  func.func @transform_1(%arg0: i32) -> (i32, i32, i32) {
    %c0_i32 = arith.constant 0 : i32
    %c0_i32_0 = arith.constant 0 : i32
    %c0_i32_1 = arith.constant 0 : i32
    return %c0_i32, %arg0, %c0_i32_0 : i32, i32, i32
  }
  func.func @transform_2(%arg0: i32) -> (i32, i32) {
    %c0_i32 = arith.constant 0 : i32
    %c0_i32_0 = arith.constant 0 : i32
    return %arg0, %c0_i32 : i32, i32
  }
  func.func @transform_3(%arg0: i32) -> (i32, i32) {
    %c0_i32 = arith.constant 0 : i32
    %c0_i32_0 = arith.constant 0 : i32
    return %arg0, %c0_i32 : i32, i32
  }
}

</mosaic_0001>

<sc_bundles>
// kernel: kernel.10.cloned.1.call-start
scs
__scs_entry_jumppad:
0x0: {  	(pc) =	sbr.rel $0x88, $3  }
0x1: {  	(tag) =	ssettag $0x0;
	lr =	simm.s32 $0x1  }
0x2: {  	[smem:$0x3F99] =	sst lr;
	_ =	strace $0xD0000000  }
0x3: {  	_ = 	snop  }
0x4: {  	_ = 	snop  }
0x5: {  	_ = 	snop  }
0x6: {  	_ = 	snop  }
0x7: {  	_ = 	snop  }
__scs_overlays_trampoline_lowered:
0x8: {  	[smem:$0x3FA8] =	sst s0  }
0x9: {  	[smem:$0x3FA9] =	sst s1  }
0xa: {  	[smem:$0x3FAA] =	sst s2  }
0xb: {  	[smem:$0x3FAB] =	sst s3  }
0xc: {  	[smem:$0x3FAC] =	sst s4  }
0xd: {  	[smem:$0x3FAD] =	sst s5  }
0xe: {  	[smem:$0x3FAE] =	sst s6  }
0xf: {  	[smem:$0x3FAF] =	sst s7  }
0x10: {  	[smem:$0x3FB0] =	sst s8  }
0x11: {  	[smem:$0x3FB1] =	sst s9;
	s0 =	simm.s32 @!p0 $0x0  }
0x12: {  	s1 =	sld [smem:$0x3F97];
	s0 =	simm.s32 @p0 $0x1  }
0x13: {  	[smem:$0x3FB2] =	sst s0;
	s0 =	simm.s32 @!p1 $0x0  }
0x14: {  	s2 =	sld [smem:$0x3F96];
	s0 =	simm.s32 @p1 $0x1  }
0x15: {  	[smem:$0x3FB3] =	sst s0;
	s0 =	simm.s32 @!p2 $0x0  }
0x16: {  	s3 =	sld [smem:$0x3FDB];
	s0 =	simm.s32 @p2 $0x1  }
0x17: {  	s4 =	simm.s32 $0x1BF5;
	[smem:$0x3FB5] =	sst s0  }
0x18: {  	s0 =	sld [smem:$0x3F98];
	_ =	swait.ge [sflag:s4], $0x0  }
0x19: {  	s7 =	sld [smem:$0x3F99]  }
0x1a: {  	s8 =	sadd.s32 $0xFFFFE003, lr  }
0x1b: {  	s9 =	sadd.s32 $0xFFFFFEF7, lr;
	s5 =	simm.s32 $0xFFFFFFFF;
	p2 =	slt.u32 s8, $0xFFFFF086  }
0x1c: {  	p1 =	slt.u32 s9, $0xF7A;
	s5 =	simm.s32 @!p2 $0x0  }
0x1d: {  	s5 =	simm.s32 @p1 $0x1;
	p0 =	seq.s32 s7, s2  }
0x1e: {  	s7 =	smul.u32 @!p0 $0xF7A, s2;
	p2 =	seq.s32 @!p0 s5, $0x0  }
0x1f: {  	s9 =	smul.u32 $0xF7A, s1;
	s8 =	simm.s32 @!p0 $0x1BF5;
	p2 =	por !p2, p0  }
0x20: {  	[sflag:s8] =	ssyncset.s32 @!p0 $0xFFFFF086;
	s6 =	sadd.s32 @!p0 s3, s7;
	s7 =	simm.s32 @!p0 $0x108  }
0x21: {  	s3 =	sadd.s32 s3, s9;
	s6 =	sadd.s32 @!p0 $0x88, s6;
	s7 =	simm.s32 @p2 $0x1082  }
0x22: {  	[simem:s7], [sflag:s8] =	dma.local @!p0 [hbm:s6], $0xF7A  }
0x23: {  	s9 =	sor.u32 $0xD0000000, s2;
	s6 =	simm.s32 $0x108;
	_ =	swait.ge @!p0 [sflag:s8], $0x0  }
0x24: {  	s3 =	sadd.s32 $0x88, s3;
	s6 =	simm.s32 @!p1 $0x1082;
	[sflag:s4] =	ssyncset.s32 $0xFFFFF086  }
0x25: {  	[simem:s6], [sflag:s4] =	dma.local [hbm:s3], $0xF7A  }
0x26: {  	[smem:$0x3F99] =	sst s1;
	(tag) =	ssettag s2;
	_ =	strace s9  }
0x27: {  	s1 =	sld [smem:$0x3FA9]  }
0x28: {  	s2 =	sld [smem:$0x3FAA]  }
0x29: {  	s4 =	sld [smem:$0x3FAC]  }
0x2a: {  	p0 =	seq.s32 s5, $0x0;
	s5 =	sld [smem:$0x3FAD]  }
0x2b: {  	s6 =	sld [smem:$0x3FAE]  }
0x2c: {  	s7 =	sld [smem:$0x3FAF]  }
0x2d: {  	s3 =	simm.s32 $0x108;
	s8 =	sld [smem:$0x3FB0]  }
0x2e: {  	s3 =	simm.s32 @!p0 $0x1082;
	s9 =	sld [smem:$0x3FB1]  }
0x2f: {  	lr =	sadd.s32 s0, s3;
	s0 =	sld [smem:$0x3FA8]  }
0x30: {  	s3 =	sld [smem:$0x3FAB]  }
0x31: {  	[smem:$0x3FB4] =	sst s10  }
0x32: {  	s10 =	sld [smem:$0x3FB2];
	_ =	sdelay $0x3  }
0x33: {  	p0 =	seq.s32 s10, $0x1;
	s10 =	sld [smem:$0x3FB4];
	_ =	sdelay $0x3  }
0x34: {  	[smem:$0x3FB4] =	sst s10  }
0x35: {  	s10 =	sld [smem:$0x3FB3];
	_ =	sdelay $0x3  }
0x36: {  	p1 =	seq.s32 s10, $0x1;
	s10 =	sld [smem:$0x3FB4];
	_ =	sdelay $0x3  }
0x37: {  	[smem:$0x3FB4] =	sst s10  }
0x38: {  	s10 =	sld [smem:$0x3FB5]  }
0x39: {  	_ = 	snop;
	(pc) =	sbr.ind lr, $3  }
0x3a: {  	_ = 	snop  }
0x3b: {  	_ = 	snop  }
0x3c: {  	p2 =	seq.s32 s10, $0x1;
	s10 =	sld [smem:$0x3FB4]  }
0x3d: {  	_ =	shalt  }
0x3e: {  	_ =	shalt  }
0x3f: {  	_ =	shalt  }
0x40: {  	_ =	shalt  }
0x41: {  	_ =	shalt  }
0x42: {  	_ =	shalt  }
0x43: {  	_ =	shalt  }
0x44: {  	_ =	shalt  }
0x45: {  	_ =	shalt  }
0x46: {  	_ =	shalt  }
0x47: {  	_ =	shalt  }
0x48: {  	_ =	shalt  }
0x49: {  	_ =	shalt  }
0x4a: {  	_ =	shalt  }
0x4b: {  	_ =	shalt  }
0x4c: {  	_ =	shalt  }
0x4d: {  	_ =	shalt  }
0x4e: {  	_ =	shalt  }
0x4f: {  	_ =	shalt  }
0x50: {  	_ =	shalt  }
0x51: {  	_ =	shalt  }
0x52: {  	_ =	shalt  }
0x53: {  	_ =	shalt  }
0x54: {  	_ =	shalt  }
0x55: {  	_ =	shalt  }
0x56: {  	_ =	shalt  }
0x57: {  	_ =	shalt  }
0x58: {  	_ =	shalt  }
0x59: {  	_ =	shalt  }
0x5a: {  	_ =	shalt  }
0x5b: {  	_ =	shalt  }
0x5c: {  	_ =	shalt  }
0x5d: {  	_ =	shalt  }
0x5e: {  	_ =	shalt  }
0x5f: {  	_ =	shalt  }
0x60: {  	_ =	shalt  }
0x61: {  	_ =	shalt  }
0x62: {  	_ =	shalt  }
0x63: {  	_ =	shalt  }
0x64: {  	_ =	shalt  }
0x65: {  	_ =	shalt  }
0x66: {  	_ =	shalt  }
0x67: {  	_ =	shalt  }
0x68: {  	_ =	shalt  }
0x69: {  	_ =	shalt  }
0x6a: {  	_ =	shalt  }
0x6b: {  	_ =	shalt  }
0x6c: {  	_ =	shalt  }
0x6d: {  	_ =	shalt  }
0x6e: {  	_ =	shalt  }
0x6f: {  	_ =	shalt  }
0x70: {  	_ =	shalt  }
0x71: {  	_ =	shalt  }
0x72: {  	_ =	shalt  }
0x73: {  	_ =	shalt  }
0x74: {  	_ =	shalt  }
0x75: {  	_ =	shalt  }
0x76: {  	_ =	shalt  }
0x77: {  	_ =	shalt  }
0x78: {  	_ =	shalt  }
0x79: {  	_ =	shalt  }
0x7a: {  	_ =	shalt  }
0x7b: {  	_ =	shalt  }
0x7c: {  	_ =	shalt  }
0x7d: {  	_ =	shalt  }
0x7e: {  	_ =	shalt  }
0x7f: {  	_ =	shalt  }
0x80: {  	_ =	shalt  }
0x81: {  	_ =	shalt  }
0x82: {  	_ =	shalt  }
0x83: {  	_ =	shalt  }
0x84: {  	_ =	shalt  }
0x85: {  	_ =	shalt  }
0x86: {  	_ =	shalt  }
0x87: {  	_ =	shalt  }
.Lfunc_end0:
.L_simem_size_0:
called_computation_lowered:
.L_overlay_start_0:
0x88: {  	s2 =	sld [smem:$0x3FD9]  }
0x89: {  	s3 =	sld [smem:$0x3FFE];
	_ =	sdelay $0x1  }
0x8a: {  	s1 =	srdreg.scid  }
0x8b: {  	s0 =	sand.u32 $0x1, s1  }
0x8c: {  	s14 =	sshll.u32 s0, $0xA;
	s2 =	sadd.s32 s3, s2  }
0x8d: {  	s2 =	sadd.s32 s2, s14  }
0x8e: {  	[smem:$0x3FC0] =	sst s2  }
0x8f: {  	_ = 	snop  }
0x90: {  	s2 =	sld [smem:$0x3FD0];
	_ =	sdelay $0x2  }
0x91: {  	s15 =	simm.s32 $0xA;
	s4 =	simm.s32 $0x10  }
0x92: {  	[smem:s4], [sflag:s15] =	dma.local [hbm:s2], $0x1  }
0x93: {  	_ =	swait.eq [sflag:s15], $0x1  }
0x94: {  	[sflag:s15] =	ssyncset.done $0x0  }
0x95: {  	s16 =	sld [smem:$0x11];
	[sflag:s15] =	ssyncadd.s32 $0xFFFFFFFF  }
0x96: {  	s17 =	sld [smem:$0x12];
	(tm) =	ssettm $0x1  }
0x97: {  	s18 =	sld [smem:$0x3FFB];
	_ =	sdelay $0x3  }
0x98: {  	_ =	strace s18  }
0x99: {  	s4 =	sld [smem:$0x3FFC];
	_ =	sdelay $0x3  }
0x9a: {  	_ =	strace s4  }
0x9b: {  	s4 =	sld [smem:$0x3FFD];
	_ =	sdelay $0x3  }
0x9c: {  	_ =	strace s4  }
0x9d: {  	_ =	strace $0x8FFFFFFF  }
0x9e: {  	s19 =	sld [smem:$0x3FDB];
	_ =	sdelay $0x1  }
0x9f: {  	s5 =	simm.s32 $_scs_section_size  }
0xa0: {  	s6 =	simm.s32 $_size__tile_overlayer_lowered;
	s7 =	simm.s32 $_tile_overlayer_lowered  }
0xa1: {  	s22 =	simm.s32 $0x1BFF;
	s21 =	sshll.u32 s7, $0x1;
	s4 =	sadd.s32 s5, s19  }
0xa2: {  	s8 =	simm.s32 $0x0;
	s20 =	sshll.u32 s6, $0x1;
	s6 =	sadd.s32 s21, s4  }
0xa3: {  	[timem:s8], [sflag:s22] =	dma.local [hbm:s6], s20  }
0xa4: {  	_ =	swait.ge [sflag:s22], s20  }
0xa5: {  	s5 =	ssub.s32 $0x0, s20;
	[sflag:s22] =	ssyncset.done $0x0  }
0xa6: {  	[sflag:s22] =	ssyncadd.s32 s5;
	_ =	sdelay $0x1  }
0xa7: {  	s23 =	simm.s32 $0x1B8B  }
0xa8: {  	_ =	swait.ge [sflag:s23], $0x1  }
0xa9: {  	[sflag:s23] =	ssyncset.done $0x0  }
0xaa: {  	s25 =	simm.s32 $0x1B8E;
	s24 =	sld [smem:$0x3FFE];
	[sflag:s23] =	ssyncadd.s32 $0xFFFFFFFF  }
0xab: {  	s26 =	simm.s32 $execute0_lowered;
	[smem:$0x3FD2] =	sst s25  }
0xac: {  	s6 =	sshll.u32 s26, $0x1;
	_ =	strace $0x80000046;
	[dreg:$0x1] =	wrdreg $0xFFFFFFFF  }
0xad: {  	s28 =	simm.s32 $_size_execute0_lowered;
	s4 =	sadd.s32 s4, s6;
	[dreg:$0x0] =	wrdreg $0x0  }
0xae: {  	s6 =	sshll.u32 s28, $0x1;
	[dreg:$0x2] =	wrdreg s4  }
0xaf: {  	[dreg:$0x3] =	wrdreg s6  }
0xb0: {  	[dreg:$0x4] =	wrdreg $0xC0  }
0xb1: {  	_ =	task [dreg:s8], $0x5FFFF  }
0xb2: {  	[dreg:$0x1] =	wrdreg $0xFFFFFFFF  }
0xb3: {  	[dreg:$0x0] =	wrdreg $0x60  }
0xb4: {  	[dreg:$0x2] =	wrdreg s24  }
0xb5: {  	[dreg:$0x3] =	wrdreg s16  }
0xb6: {  	[dreg:$0x4] =	wrdreg s17  }
0xb7: {  	[dreg:$0x5] =	wrdreg $0x0  }
0xb8: {  	[dreg:$0x6] =	wrdreg $0x9  }
0xb9: {  	_ =	task.clear_ibuf [dreg:s8], $0x7FFFF;
	_ =	strace $0x90000046  }
0xba: {  	s29 =	simm.s32 $0x9;
	_ =	strace $0x80000048  }
0xbb: {  	_ =	swait.ge [sflag:s29], $0x1  }
0xbc: {  	[sflag:s29] =	ssyncadd.s32 $0xFFFFFFFF  }
0xbd: {  	_ =	strace $0x90000048  }
0xbe: {  	_ =	sfence  }
0xbf: {  	s30 =	sld [smem:$0x0];
	_ =	sdelay $0x2  }
0xc0: {  	s31 =	sshll.u32 s1, $0xD;
	s1 =	sshrl.u32 s1, $0x2  }
0xc1: {  	s3 =	sand.u32 $0x4000, s31;
	s1 =	sadd.s32 s1, s30  }
0xc2: {  	s0 =	sor.u32 s3, s0;
	s1 =	sshll.u32 s1, $0x11  }
0xc3: {  	s0 =	sor.u32 s1, s0  }
0xc4: {  	s0 =	sadd.s32 $0x8F2B, s0  }
0xc5: {  	[sflag:s0] =	ssyncadd.remote.s32 $0x1  }
0xc6: {  	_ =	sfence.sel $0xFFFF  }
0xc7: {  	[dreg:$0x0] =	wrdreg $0xFFFFFFFF;
	(pc) =	sbr.abs _section_cstart, $3  }
0xc8: {  	[dreg:$0x1] =	wrdreg $0xFFFFFFFF  }
0xc9: {  	_ =	task.clear_ibuf [dreg:s8], $0x2FFFF;
	_ =	strace $0x9FFFFFFF  }
0xca: {  	(tm) =	ssettm $0x7FFFFFFF  }
0xcb: {  	_ =	shalt  }
tec
execute0_lowered:
.L_overlay_start_1:
0x0: {  	(tag) =	ssettag $0x1  }
0x1: {  	s6 =	rddreg [dreg:$0x0]  }
0x2: {  	s1 =	rddreg [dreg:$0x1]  }
0x3: {  	s2 =	rddreg [dreg:$0x2]  }
0x4: {  	s3 =	rddreg [dreg:$0x3]  }
0x5: {  	s0 =	rddreg [dreg:$0x4];
	s4 =	simm.s32 $0x0  }
0x6: {  	s5 =	srdreg.scid;
	s8 =	stileid.u32;
	s13 =	simm.s32 $0x80  }
0x7: {  	s14 =	simm.s32 $0x1;
	s17 =	simm.s32 $0x0;
	[smem:$0x7FF] =	sst s4  }
0x8: {  	s5 =	sand.u32 $0x1, s5;
	s10 =	smul.u32 $0x4E000, s8;
	s31 =	sshll.u32 s8, $0x6  }
0x9: {  	s12 =	sadd.s32 $0x138000, s3;
	s15 =	smul.u32 $0x2700, s8;
	p0 =	sne.s32 s8, $0x0  }
0xa: {  	s7 =	smul.u32 $0x27200, s5;
	s9 =	sshll.u32 s5, $0x4;
	s5 =	ssub.s32 $0x2, s5  }
0xb: {  	_ =	strace $0x80000047;
	s9 =	sor.u32 s8, s9;
	s11 =	sshrl.u32 s5, $0x1  }
0xc: {  	s30 =	sshrl.u32 s10, $0x2;
	s9 =	smul.u32 $0x2800, s9;
	s7 =	sadd.s32 s7, s6  }
0xd: {  	s11 =	ssub.s32 s5, s11;
	s10 =	sadd.s32 s30, s3;
	s5 =	sor.u32 $0x1C02, s31  }
0xe: {  	s16 =	sadd.s32 $0x16E00, s7;
	s7 =	smax.u32 s11, $0x1;
	s8 =	sshrl.u32 s10, $0x3  }
0xf: {  	s10 =	sshrl.u32 @!p0 s12, $0x3;
	s11 =	simm.s32 $0x16100;
	s9 =	sshrl.u32 s9, $0x3  }
0x10: {  	s12 =	simm.s32 $0x13900;
	s15 =	sadd.s32 s15, s16;
	s6 =	sadd.s32 s6, s9  }
0x11: {  	s16 =	sadd.s32 @!p0 $0x27000, s16;
	s9 =	simm.s32 $0x2;
	s6 =	sadd.s32 $0xCE00, s6  }
.LBB2_1:
0x12: {  	[spmem:s8], [sflag:s5] =	dma.local [hbm:s2], $0x2700  }
0x13: {  	_ =	swait.ge [sflag:s9], $0x2700  }
0x14: {  	[sflag:s9] =	ssyncset.done $0x0  }
0x15: {  	s18 =	simm.s32 @!p0 $0x2;
	[sflag:s9] =	ssyncadd.s32 $0xFFFFD900  }
0x16: {  	[spmem:s10], [sflag:s5] =	dma.local @!p0 [hbm:s2], $0x100  }
0x17: {  	_ =	swait.ge @!p0 [sflag:s18], $0x100  }
0x18: {  	[sflag:s18] =	ssyncset.done @!p0 $0x0  }
0x19: {  	[sflag:s18] =	ssyncadd.s32 @!p0 $0xFFFFFF00  }
0x1a: {  	[tilespmem:s11], [sflag:$0x2] =	stream.linear.gather [hbm4b:s1+s4], $0x4000, $0x38;
	[tilespmem:$0x1A100] =	vst v63  }
0x1b: {  	_ =	swait.ge [sflag:s9], $0x4000  }
0x1c: {  	[sflag:s9] =	ssyncset.done $0x0  }
0x1d: {  	[sflag:s9] =	ssyncadd.s32 $0xFFFFC000  }
0x1e: {  	[tilespmem:s12], [sflag:$0x2] =	stream.linear.gather [hbm4b:s6+s4], $0x2800, $0x38;
	[tilespmem:$0x1A100] =	vst v63  }
0x1f: {  	_ =	swait.ge [sflag:s9], $0x2800  }
0x20: {  	[sflag:s9] =	ssyncset.done $0x0  }
0x21: {  	[sflag:s9] =	ssyncadd.s32 $0xFFFFD800  }
0x22: {  	s23 =	simm.s32 $0x13900;
	[bflag:$0x0] =	sbarrier.arrive $0xFFFF  }
0x23: {  	[spmem:s3] =	stream.indirect.scatter.add.f32 [tilespmem:s11], [sflag:$0x1], $0x80, s23, s13, $0xb8;
	[tilespmem:$0x1A100] =	vst v63  }
0x24: {  	s24 =	simm.s32 $0x13980  }
0x25: {  	[spmem:s3] =	stream.indirect.scatter.add.f32 [tilespmem:s11], [sflag:$0x1], $0x80, s24, s13, $0xb8;
	[tilespmem:$0x1A100] =	vst v63  }
0x26: {  	s25 =	simm.s32 $0x13A00  }
0x27: {  	[spmem:s3] =	stream.indirect.scatter.add.f32 [tilespmem:s11], [sflag:$0x1], $0x80, s25, s13, $0xb8;
	[tilespmem:$0x1A100] =	vst v63  }
0x28: {  	s26 =	simm.s32 $0x13A80  }
0x29: {  	[spmem:s3] =	stream.indirect.scatter.add.f32 [tilespmem:s11], [sflag:$0x1], $0x80, s26, s13, $0xb8;
	[tilespmem:$0x1A100] =	vst v63  }
0x2a: {  	s28 =	simm.s32 $0x13B00  }
0x2b: {  	[spmem:s3] =	stream.indirect.scatter.add.f32 [tilespmem:s11], [sflag:$0x1], $0x80, s28, s13, $0xb8;
	[tilespmem:$0x1A100] =	vst v63  }
0x2c: {  	s29 =	simm.s32 $0x13B80  }
0x2d: {  	[spmem:s3] =	stream.indirect.scatter.add.f32 [tilespmem:s11], [sflag:$0x1], $0x80, s29, s13, $0xb8;
	[tilespmem:$0x1A100] =	vst v63  }
0x2e: {  	s30 =	simm.s32 $0x13C00  }
0x2f: {  	[spmem:s3] =	stream.indirect.scatter.add.f32 [tilespmem:s11], [sflag:$0x1], $0x80, s30, s13, $0xb8;
	[tilespmem:$0x1A100] =	vst v63  }
0x30: {  	s31 =	simm.s32 $0x13C80  }
0x31: {  	[spmem:s3] =	stream.indirect.scatter.add.f32 [tilespmem:s11], [sflag:$0x1], $0x80, s31, s13, $0xb8;
	[tilespmem:$0x1A100] =	vst v63  }
0x32: {  	_ =	swait.ge [sflag:s14], $0x4000  }
0x33: {  	[sflag:s14] =	ssyncset.done $0x0  }
0x34: {  	[sflag:s14] =	ssyncadd.s32 $0xFFFFC000  }
0x35: {  	_ =	swait.ge [sflag:s14], $0x4000  }
0x36: {  	[sflag:s14] =	ssyncset.done $0x0  }
0x37: {  	[sflag:s14] =	ssyncadd.s32 $0xFFFFC000  }
0x38: {  	_ =	swait.ge [sflag:s14], $0x4000  }
0x39: {  	[sflag:s14] =	ssyncset.done $0x0  }
0x3a: {  	[sflag:s14] =	ssyncadd.s32 $0xFFFFC000  }
0x3b: {  	_ =	swait.ge [sflag:s14], $0x4000  }
0x3c: {  	[sflag:s14] =	ssyncset.done $0x0  }
0x3d: {  	[sflag:s14] =	ssyncadd.s32 $0xFFFFC000  }
0x3e: {  	_ =	swait.ge [sflag:s14], $0x4000  }
0x3f: {  	[sflag:s14] =	ssyncset.done $0x0  }
0x40: {  	[sflag:s14] =	ssyncadd.s32 $0xFFFFC000  }
0x41: {  	_ =	swait.ge [sflag:s14], $0x4000  }
0x42: {  	[sflag:s14] =	ssyncset.done $0x0  }
0x43: {  	[sflag:s14] =	ssyncadd.s32 $0xFFFFC000  }
0x44: {  	_ =	swait.ge [sflag:s14], $0x4000  }
0x45: {  	[sflag:s14] =	ssyncset.done $0x0  }
0x46: {  	[sflag:s14] =	ssyncadd.s32 $0xFFFFC000  }
0x47: {  	_ =	swait.ge [sflag:s14], $0x4000  }
0x48: {  	s21 =	simm.s32 $0x2000;
	s20 =	simm.s32 $0x400;
	[sflag:s14] =	ssyncset.done $0x0  }
.LBB2_2:
0x49: {  	s22 =	sadd.s32 $0x13900, s20  }
0x4a: {  	[sflag:s14] =	ssyncadd.s32 $0xFFFFC000;
	s19 =	smov.u32 s21;
	s18 =	sadd.s32 $0x1000, s21  }
0x4b: {  	[spmem:s3] =	stream.indirect.scatter.add.f32 [tilespmem:s11], [sflag:$0x1], $0x80, s22, s13, $0xb8;
	[tilespmem:$0x1A100] =	vst v63  }
0x4c: {  	p1 =	sne.s32 s21, $0x9000;
	s21 =	sadd.s32 $0x13980, s20  }
0x4d: {  	[spmem:s3] =	stream.indirect.scatter.add.f32 [tilespmem:s11], [sflag:$0x1], $0x80, s21, s13, $0xb8;
	[tilespmem:$0x1A100] =	vst v63  }
0x4e: {  	s21 =	sadd.s32 $0x13A00, s20  }
0x4f: {  	[spmem:s3] =	stream.indirect.scatter.add.f32 [tilespmem:s11], [sflag:$0x1], $0x80, s21, s13, $0xb8;
	[tilespmem:$0x1A100] =	vst v63  }
0x50: {  	s21 =	sadd.s32 $0x13A80, s20  }
0x51: {  	[spmem:s3] =	stream.indirect.scatter.add.f32 [tilespmem:s11], [sflag:$0x1], $0x80, s21, s13, $0xb8;
	[tilespmem:$0x1A100] =	vst v63  }
0x52: {  	s21 =	sadd.s32 $0x13B00, s20  }
0x53: {  	[spmem:s3] =	stream.indirect.scatter.add.f32 [tilespmem:s11], [sflag:$0x1], $0x80, s21, s13, $0xb8;
	[tilespmem:$0x1A100] =	vst v63  }
0x54: {  	s21 =	sadd.s32 $0x13B80, s20  }
0x55: {  	[spmem:s3] =	stream.indirect.scatter.add.f32 [tilespmem:s11], [sflag:$0x1], $0x80, s21, s13, $0xb8;
	[tilespmem:$0x1A100] =	vst v63  }
0x56: {  	s21 =	sadd.s32 $0x13C00, s20  }
0x57: {  	[spmem:s3] =	stream.indirect.scatter.add.f32 [tilespmem:s11], [sflag:$0x1], $0x80, s21, s13, $0xb8;
	[tilespmem:$0x1A100] =	vst v63  }
0x58: {  	s20 =	sadd.s32 $0x13C80, s20  }
0x59: {  	[spmem:s3] =	stream.indirect.scatter.add.f32 [tilespmem:s11], [sflag:$0x1], $0x80, s20, s13, $0xb8;
	[tilespmem:$0x1A100] =	vst v63  }
0x5a: {  	_ =	swait.ge [sflag:s14], $0x4000  }
0x5b: {  	[sflag:s14] =	ssyncset.done $0x0  }
0x5c: {  	[sflag:s14] =	ssyncadd.s32 $0xFFFFC000  }
0x5d: {  	_ =	swait.ge [sflag:s14], $0x4000  }
0x5e: {  	[sflag:s14] =	ssyncset.done $0x0  }
0x5f: {  	[sflag:s14] =	ssyncadd.s32 $0xFFFFC000  }
0x60: {  	_ =	swait.ge [sflag:s14], $0x4000  }
0x61: {  	[sflag:s14] =	ssyncset.done $0x0  }
0x62: {  	[sflag:s14] =	ssyncadd.s32 $0xFFFFC000  }
0x63: {  	_ =	swait.ge [sflag:s14], $0x4000  }
0x64: {  	[sflag:s14] =	ssyncset.done $0x0  }
0x65: {  	[sflag:s14] =	ssyncadd.s32 $0xFFFFC000  }
0x66: {  	_ =	swait.ge [sflag:s14], $0x4000  }
0x67: {  	[sflag:s14] =	ssyncset.done $0x0  }
0x68: {  	[sflag:s14] =	ssyncadd.s32 $0xFFFFC000  }
0x69: {  	_ =	swait.ge [sflag:s14], $0x4000  }
0x6a: {  	[sflag:s14] =	ssyncset.done $0x0  }
0x6b: {  	[sflag:s14] =	ssyncadd.s32 $0xFFFFC000  }
.Ltmp0:
0x6c: {  	_ =	swait.ge [sflag:s14], $0x4000;
	(pc) =	sbr.rel @p1 .LBB2_2-.Ltmp0, $4  }
0x6d: {  	[sflag:s14] =	ssyncset.done $0x0  }
0x6e: {  	[sflag:s14] =	ssyncadd.s32 $0xFFFFC000  }
0x6f: {  	_ =	swait.ge [sflag:s14], $0x4000  }
0x70: {  	s21 =	smov.u32 s18;
	s20 =	sshra.s32 s19, $0x2;
	[sflag:s14] =	ssyncset.done $0x0  }
0x71: {  	s18 =	sadd.s32 $0x13900, s20;
	[sflag:s14] =	ssyncadd.s32 $0xFFFFC000  }
0x72: {  	[spmem:s3] =	stream.indirect.scatter.add.f32 [tilespmem:s11], [sflag:$0x1], $0x80, s18, s13, $0xb8;
	[tilespmem:$0x1A100] =	vst v63  }
0x73: {  	s24 =	sadd.s32 $0x13980, s20  }
0x74: {  	[spmem:s3] =	stream.indirect.scatter.add.f32 [tilespmem:s11], [sflag:$0x1], $0x80, s24, s13, $0xb8;
	[tilespmem:$0x1A100] =	vst v63  }
0x75: {  	s25 =	sadd.s32 $0x13A00, s20  }
0x76: {  	[spmem:s3] =	stream.indirect.scatter.add.f32 [tilespmem:s11], [sflag:$0x1], $0x80, s25, s13, $0xb8;
	[tilespmem:$0x1A100] =	vst v63  }
0x77: {  	s26 =	sadd.s32 $0x13A80, s20  }
0x78: {  	[spmem:s3] =	stream.indirect.scatter.add.f32 [tilespmem:s11], [sflag:$0x1], $0x80, s26, s13, $0xb8;
	[tilespmem:$0x1A100] =	vst v63  }
0x79: {  	s28 =	sadd.s32 $0x13B00, s20  }
0x7a: {  	[spmem:s3] =	stream.indirect.scatter.add.f32 [tilespmem:s11], [sflag:$0x1], $0x80, s28, s13, $0xb8;
	[tilespmem:$0x1A100] =	vst v63  }
0x7b: {  	s29 =	sadd.s32 $0x13B80, s20  }
0x7c: {  	[spmem:s3] =	stream.indirect.scatter.add.f32 [tilespmem:s11], [sflag:$0x1], $0x80, s29, s13, $0xb8;
	[tilespmem:$0x1A100] =	vst v63  }
0x7d: {  	s30 =	sadd.s32 $0x13C00, s20  }
0x7e: {  	[spmem:s3] =	stream.indirect.scatter.add.f32 [tilespmem:s11], [sflag:$0x1], $0x80, s30, s13, $0xb8;
	[tilespmem:$0x1A100] =	vst v63  }
0x7f: {  	s31 =	sadd.s32 $0x13C80, s20  }
0x80: {  	[spmem:s3] =	stream.indirect.scatter.add.f32 [tilespmem:s11], [sflag:$0x1], $0x80, s31, s13, $0xb8;
	[tilespmem:$0x1A100] =	vst v63  }
0x81: {  	_ =	swait.ge [sflag:s14], $0x4000  }
0x82: {  	[sflag:s14] =	ssyncset.done $0x0  }
0x83: {  	[sflag:s14] =	ssyncadd.s32 $0xFFFFC000  }
0x84: {  	_ =	swait.ge [sflag:s14], $0x4000  }
0x85: {  	[sflag:s14] =	ssyncset.done $0x0  }
0x86: {  	[sflag:s14] =	ssyncadd.s32 $0xFFFFC000  }
0x87: {  	_ =	swait.ge [sflag:s14], $0x4000  }
0x88: {  	[sflag:s14] =	ssyncset.done $0x0  }
0x89: {  	[sflag:s14] =	ssyncadd.s32 $0xFFFFC000  }
0x8a: {  	_ =	swait.ge [sflag:s14], $0x4000  }
0x8b: {  	[sflag:s14] =	ssyncset.done $0x0  }
0x8c: {  	[sflag:s14] =	ssyncadd.s32 $0xFFFFC000  }
0x8d: {  	_ =	swait.ge [sflag:s14], $0x4000  }
0x8e: {  	[sflag:s14] =	ssyncset.done $0x0  }
0x8f: {  	[sflag:s14] =	ssyncadd.s32 $0xFFFFC000  }
0x90: {  	_ =	swait.ge [sflag:s14], $0x4000  }
0x91: {  	[sflag:s14] =	ssyncset.done $0x0  }
0x92: {  	[sflag:s14] =	ssyncadd.s32 $0xFFFFC000  }
0x93: {  	_ =	swait.ge [sflag:s14], $0x4000  }
0x94: {  	[sflag:s14] =	ssyncset.done $0x0  }
0x95: {  	[sflag:s14] =	ssyncadd.s32 $0xFFFFC000  }
0x96: {  	_ =	swait.ge [sflag:s14], $0x4000  }
0x97: {  	[sflag:s14] =	ssyncset.done $0x0  }
0x98: {  	[sflag:s14] =	ssyncadd.s32 $0xFFFFC000  }
0x99: {  	[bflag:$0x0] =	sbarrier.arrive $0xFFFF  }
0x9a: {  	[hbm:s15], [sflag:s5] =	dma.local [spmem:s8], $0x2700  }
0x9b: {  	s17 =	sadd.s32 $0x1, s17;
	_ =	swait.ge [sflag:s9], $0x2700  }
0x9c: {  	p1 =	sne.s32 s17, s7;
	[sflag:s9] =	ssyncset.done $0x0  }
.Ltmp1:
0x9d: {  	s18 =	simm.s32 @!p0 $0x2;
	[sflag:s9] =	ssyncadd.s32 $0xFFFFD900;
	(pc) =	sbr.rel @p1 .LBB2_1-.Ltmp1, $4  }
0x9e: {  	[hbm:s16], [sflag:s5] =	dma.local @!p0 [spmem:s10], $0x100  }
0x9f: {  	_ =	swait.ge @!p0 [sflag:s18], $0x100  }
0xa0: {  	[sflag:s18] =	ssyncset.done @!p0 $0x0  }
0xa1: {  	[sflag:s18] =	ssyncadd.s32 @!p0 $0xFFFFFF00  }
0xa2: {  	_ =	sfence.sel $0x180000  }
0xa3: {  	[bflag:$0x0] =	sbarrier.arrive $0xFFFF  }
0xa4: {  	_ =	strace $0x90000047  }
0xa5: {  	s0 =	sadd.s32 @!p0 $0x100000, s0;
	[bflag:$0x2] =	sbarrier.arrive $0xFFFF  }
0xa6: {  	[sflag:s0] =	ssyncadd.tile.s32 @!p0 $0x1;
	_ =	shalt  }
.Lfunc_end2:
_tile_overlayer_lowered:
.L_overlay_start_2:
0xa7: {  	(tag) =	ssettag $0x2  }
0xa8: {  	s0 =	rddreg [dreg:$0x0];
	s2 =	stileid.u32  }
0xa9: {  	s1 =	rddreg [dreg:$0x1];
	p0 =	sne.s32 s2, $0x0  }
0xaa: {  	s3 =	rddreg [dreg:$0x2];
	[bflag:$0x3] =	sbarrier.arrive $0xFFFF;
	s2 =	simm.s32 @!p0 $0x1C02  }
0xab: {  	[timem:s3], [sflag:s2] =	dma.local @!p0 [hbm:s0], s1  }
0xac: {  	s0 =	simm.s32 @!p0 $0x2  }
0xad: {  	_ =	swait.ge @!p0 [sflag:s0], s1  }
0xae: {  	s1 =	ssub.s32 @!p0 $0x0, s1;
	[sflag:s0] =	ssyncset.done @!p0 $0x0  }
0xaf: {  	[sflag:s0] =	ssyncadd.s32 @!p0 s1  }
0xb0: {  	[bflag:$0x3] =	sbarrier.arrive $0xFFFF  }
0xb1: {  	_ =	shalt  }

// kernel: kernel.13.cloned.1.call-start
scs
__scs_entry_jumppad:
0x0: {  	(pc) =	sbr.rel $0x88, $3  }
0x1: {  	(tag) =	ssettag $0x0;
	lr =	simm.s32 $0x1  }
0x2: {  	[smem:$0x3F99] =	sst lr;
	_ =	strace $0xD0000000  }
0x3: {  	_ = 	snop  }
0x4: {  	_ = 	snop  }
0x5: {  	_ = 	snop  }
0x6: {  	_ = 	snop  }
0x7: {  	_ = 	snop  }
__scs_overlays_trampoline_lowered:
0x8: {  	[smem:$0x3FA8] =	sst s0  }
0x9: {  	[smem:$0x3FA9] =	sst s1  }
0xa: {  	[smem:$0x3FAA] =	sst s2  }
0xb: {  	[smem:$0x3FAB] =	sst s3  }
0xc: {  	[smem:$0x3FAC] =	sst s4  }
0xd: {  	[smem:$0x3FAD] =	sst s5  }
0xe: {  	[smem:$0x3FAE] =	sst s6  }
0xf: {  	[smem:$0x3FAF] =	sst s7  }
0x10: {  	[smem:$0x3FB0] =	sst s8  }
0x11: {  	[smem:$0x3FB1] =	sst s9;
	s0 =	simm.s32 @!p0 $0x0  }
0x12: {  	s1 =	sld [smem:$0x3F97];
	s0 =	simm.s32 @p0 $0x1  }
0x13: {  	[smem:$0x3FB2] =	sst s0;
	s0 =	simm.s32 @!p1 $0x0  }
0x14: {  	s2 =	sld [smem:$0x3F96];
	s0 =	simm.s32 @p1 $0x1  }
0x15: {  	[smem:$0x3FB3] =	sst s0;
	s0 =	simm.s32 @!p2 $0x0  }
0x16: {  	s3 =	sld [smem:$0x3FDB];
	s0 =	simm.s32 @p2 $0x1  }
0x17: {  	s4 =	simm.s32 $0x1BF5;
	[smem:$0x3FB5] =	sst s0  }
0x18: {  	s0 =	sld [smem:$0x3F98];
	_ =	swait.ge [sflag:s4], $0x0  }
0x19: {  	s7 =	sld [smem:$0x3F99]  }
0x1a: {  	s8 =	sadd.s32 $0xFFFFE003, lr  }
0x1b: {  	s9 =	sadd.s32 $0xFFFFFEF7, lr;
	s5 =	simm.s32 $0xFFFFFFFF;
	p2 =	slt.u32 s8, $0xFFFFF086  }
0x1c: {  	p1 =	slt.u32 s9, $0xF7A;
	s5 =	simm.s32 @!p2 $0x0  }
0x1d: {  	s5 =	simm.s32 @p1 $0x1;
	p0 =	seq.s32 s7, s2  }
0x1e: {  	s7 =	smul.u32 @!p0 $0xF7A, s2;
	p2 =	seq.s32 @!p0 s5, $0x0  }
0x1f: {  	s9 =	smul.u32 $0xF7A, s1;
	s8 =	simm.s32 @!p0 $0x1BF5;
	p2 =	por !p2, p0  }
0x20: {  	[sflag:s8] =	ssyncset.s32 @!p0 $0xFFFFF086;
	s6 =	sadd.s32 @!p0 s3, s7;
	s7 =	simm.s32 @!p0 $0x108  }
0x21: {  	s3 =	sadd.s32 s3, s9;
	s6 =	sadd.s32 @!p0 $0x88, s6;
	s7 =	simm.s32 @p2 $0x1082  }
0x22: {  	[simem:s7], [sflag:s8] =	dma.local @!p0 [hbm:s6], $0xF7A  }
0x23: {  	s9 =	sor.u32 $0xD0000000, s2;
	s6 =	simm.s32 $0x108;
	_ =	swait.ge @!p0 [sflag:s8], $0x0  }
0x24: {  	s3 =	sadd.s32 $0x88, s3;
	s6 =	simm.s32 @!p1 $0x1082;
	[sflag:s4] =	ssyncset.s32 $0xFFFFF086  }
0x25: {  	[simem:s6], [sflag:s4] =	dma.local [hbm:s3], $0xF7A  }
0x26: {  	[smem:$0x3F99] =	sst s1;
	(tag) =	ssettag s2;
	_ =	strace s9  }
0x27: {  	s1 =	sld [smem:$0x3FA9]  }
0x28: {  	s2 =	sld [smem:$0x3FAA]  }
0x29: {  	s4 =	sld [smem:$0x3FAC]  }
0x2a: {  	p0 =	seq.s32 s5, $0x0;
	s5 =	sld [smem:$0x3FAD]  }
0x2b: {  	s6 =	sld [smem:$0x3FAE]  }
0x2c: {  	s7 =	sld [smem:$0x3FAF]  }
0x2d: {  	s3 =	simm.s32 $0x108;
	s8 =	sld [smem:$0x3FB0]  }
0x2e: {  	s3 =	simm.s32 @!p0 $0x1082;
	s9 =	sld [smem:$0x3FB1]  }
0x2f: {  	lr =	sadd.s32 s0, s3;
	s0 =	sld [smem:$0x3FA8]  }
0x30: {  	s3 =	sld [smem:$0x3FAB]  }
0x31: {  	[smem:$0x3FB4] =	sst s10  }
0x32: {  	s10 =	sld [smem:$0x3FB2];
	_ =	sdelay $0x3  }
0x33: {  	p0 =	seq.s32 s10, $0x1;
	s10 =	sld [smem:$0x3FB4];
	_ =	sdelay $0x3  }
0x34: {  	[smem:$0x3FB4] =	sst s10  }
0x35: {  	s10 =	sld [smem:$0x3FB3];
	_ =	sdelay $0x3  }
0x36: {  	p1 =	seq.s32 s10, $0x1;
	s10 =	sld [smem:$0x3FB4];
	_ =	sdelay $0x3  }
0x37: {  	[smem:$0x3FB4] =	sst s10  }
0x38: {  	s10 =	sld [smem:$0x3FB5]  }
0x39: {  	_ = 	snop;
	(pc) =	sbr.ind lr, $3  }
0x3a: {  	_ = 	snop  }
0x3b: {  	_ = 	snop  }
0x3c: {  	p2 =	seq.s32 s10, $0x1;
	s10 =	sld [smem:$0x3FB4]  }
0x3d: {  	_ =	shalt  }
0x3e: {  	_ =	shalt  }
0x3f: {  	_ =	shalt  }
0x40: {  	_ =	shalt  }
0x41: {  	_ =	shalt  }
0x42: {  	_ =	shalt  }
0x43: {  	_ =	shalt  }
0x44: {  	_ =	shalt  }
0x45: {  	_ =	shalt  }
0x46: {  	_ =	shalt  }
0x47: {  	_ =	shalt  }
0x48: {  	_ =	shalt  }
0x49: {  	_ =	shalt  }
0x4a: {  	_ =	shalt  }
0x4b: {  	_ =	shalt  }
0x4c: {  	_ =	shalt  }
0x4d: {  	_ =	shalt  }
0x4e: {  	_ =	shalt  }
0x4f: {  	_ =	shalt  }
0x50: {  	_ =	shalt  }
0x51: {  	_ =	shalt  }
0x52: {  	_ =	shalt  }
0x53: {  	_ =	shalt  }
0x54: {  	_ =	shalt  }
0x55: {  	_ =	shalt  }
0x56: {  	_ =	shalt  }
0x57: {  	_ =	shalt  }
0x58: {  	_ =	shalt  }
0x59: {  	_ =	shalt  }
0x5a: {  	_ =	shalt  }
0x5b: {  	_ =	shalt  }
0x5c: {  	_ =	shalt  }
0x5d: {  	_ =	shalt  }
0x5e: {  	_ =	shalt  }
0x5f: {  	_ =	shalt  }
0x60: {  	_ =	shalt  }
0x61: {  	_ =	shalt  }
0x62: {  	_ =	shalt  }
0x63: {  	_ =	shalt  }
0x64: {  	_ =	shalt  }
0x65: {  	_ =	shalt  }
0x66: {  	_ =	shalt  }
0x67: {  	_ =	shalt  }
0x68: {  	_ =	shalt  }
0x69: {  	_ =	shalt  }
0x6a: {  	_ =	shalt  }
0x6b: {  	_ =	shalt  }
0x6c: {  	_ =	shalt  }
0x6d: {  	_ =	shalt  }
0x6e: {  	_ =	shalt  }
0x6f: {  	_ =	shalt  }
0x70: {  	_ =	shalt  }
0x71: {  	_ =	shalt  }
0x72: {  	_ =	shalt  }
0x73: {  	_ =	shalt  }
0x74: {  	_ =	shalt  }
0x75: {  	_ =	shalt  }
0x76: {  	_ =	shalt  }
0x77: {  	_ =	shalt  }
0x78: {  	_ =	shalt  }
0x79: {  	_ =	shalt  }
0x7a: {  	_ =	shalt  }
0x7b: {  	_ =	shalt  }
0x7c: {  	_ =	shalt  }
0x7d: {  	_ =	shalt  }
0x7e: {  	_ =	shalt  }
0x7f: {  	_ =	shalt  }
0x80: {  	_ =	shalt  }
0x81: {  	_ =	shalt  }
0x82: {  	_ =	shalt  }
0x83: {  	_ =	shalt  }
0x84: {  	_ =	shalt  }
0x85: {  	_ =	shalt  }
0x86: {  	_ =	shalt  }
0x87: {  	_ =	shalt  }
.Lfunc_end0:
.L_simem_size_0:
called_computation.1_lowered:
.L_overlay_start_0:
0x88: {  	s2 =	sld [smem:$0x3FD9]  }
0x89: {  	s3 =	sld [smem:$0x3FFE];
	_ =	sdelay $0x1  }
0x8a: {  	s1 =	srdreg.scid  }
0x8b: {  	s0 =	sand.u32 $0x1, s1  }
0x8c: {  	s14 =	sshll.u32 s0, $0xA;
	s2 =	sadd.s32 s3, s2  }
0x8d: {  	s2 =	sadd.s32 s2, s14  }
0x8e: {  	[smem:$0x3FC0] =	sst s2  }
0x8f: {  	_ = 	snop  }
0x90: {  	s2 =	sld [smem:$0x3FD0];
	_ =	sdelay $0x2  }
0x91: {  	s15 =	simm.s32 $0xA;
	s4 =	simm.s32 $0x10  }
0x92: {  	[smem:s4], [sflag:s15] =	dma.local [hbm:s2], $0x1  }
0x93: {  	_ =	swait.eq [sflag:s15], $0x1  }
0x94: {  	[sflag:s15] =	ssyncset.done $0x0  }
0x95: {  	[sflag:s15] =	ssyncadd.s32 $0xFFFFFFFF  }
0x96: {  	s16 =	sld [smem:$0x12];
	(tm) =	ssettm $0x1  }
0x97: {  	s17 =	sld [smem:$0x3FFB];
	_ =	sdelay $0x3  }
0x98: {  	_ =	strace s17  }
0x99: {  	s3 =	sld [smem:$0x3FFC];
	_ =	sdelay $0x3  }
0x9a: {  	_ =	strace s3  }
0x9b: {  	s3 =	sld [smem:$0x3FFD];
	_ =	sdelay $0x3  }
0x9c: {  	_ =	strace s3  }
0x9d: {  	_ =	strace $0x8FFFFFFF  }
0x9e: {  	s18 =	sld [smem:$0x3FDB];
	_ =	sdelay $0x1  }
0x9f: {  	s19 =	simm.s32 $_scs_section_size  }
0xa0: {  	s5 =	simm.s32 $_size__tile_overlayer_lowered;
	s6 =	simm.s32 $_tile_overlayer_lowered  }
0xa1: {  	s22 =	simm.s32 $0x1BFF;
	s21 =	sshll.u32 s6, $0x1;
	s3 =	sadd.s32 s19, s18  }
0xa2: {  	s7 =	simm.s32 $0x0;
	s20 =	sshll.u32 s5, $0x1;
	s5 =	sadd.s32 s21, s3  }
0xa3: {  	[timem:s7], [sflag:s22] =	dma.local [hbm:s5], s20  }
0xa4: {  	_ =	swait.ge [sflag:s22], s20  }
0xa5: {  	s4 =	ssub.s32 $0x0, s20;
	[sflag:s22] =	ssyncset.done $0x0  }
0xa6: {  	[sflag:s22] =	ssyncadd.s32 s4;
	_ =	sdelay $0x1  }
0xa7: {  	s23 =	simm.s32 $0x1B8B  }
0xa8: {  	_ =	swait.ge [sflag:s23], $0x1  }
0xa9: {  	[sflag:s23] =	ssyncset.done $0x0  }
0xaa: {  	s25 =	simm.s32 $0x1B8E;
	s24 =	sld [smem:$0x3FFE];
	[sflag:s23] =	ssyncadd.s32 $0xFFFFFFFF  }
0xab: {  	s26 =	simm.s32 $execute0_lowered;
	[smem:$0x3FD2] =	sst s25  }
0xac: {  	s5 =	sshll.u32 s26, $0x1;
	_ =	strace $0x80000049;
	[dreg:$0x1] =	wrdreg $0xFFFFFFFF  }
0xad: {  	s28 =	simm.s32 $_size_execute0_lowered;
	s3 =	sadd.s32 s3, s5;
	[dreg:$0x0] =	wrdreg $0x0  }
0xae: {  	s5 =	sshll.u32 s28, $0x1;
	[dreg:$0x2] =	wrdreg s3  }
0xaf: {  	[dreg:$0x3] =	wrdreg s5  }
0xb0: {  	[dreg:$0x4] =	wrdreg $0xC0  }
0xb1: {  	_ =	task [dreg:s7], $0x5FFFF  }
0xb2: {  	[dreg:$0x1] =	wrdreg $0xFFFFFFFF  }
0xb3: {  	[dreg:$0x0] =	wrdreg $0x60  }
0xb4: {  	[dreg:$0x2] =	wrdreg s24  }
0xb5: {  	[dreg:$0x3] =	wrdreg s16  }
0xb6: {  	[dreg:$0x4] =	wrdreg $0x0  }
0xb7: {  	[dreg:$0x5] =	wrdreg $0x9  }
0xb8: {  	_ =	task.clear_ibuf [dreg:s7], $0x6FFFF;
	_ =	strace $0x90000049  }
0xb9: {  	s29 =	simm.s32 $0x9;
	_ =	strace $0x8000004B  }
0xba: {  	_ =	swait.ge [sflag:s29], $0x1  }
0xbb: {  	[sflag:s29] =	ssyncadd.s32 $0xFFFFFFFF  }
0xbc: {  	_ =	strace $0x9000004B  }
0xbd: {  	_ =	sfence  }
0xbe: {  	s30 =	sld [smem:$0x0];
	_ =	sdelay $0x2  }
0xbf: {  	s31 =	sshll.u32 s1, $0xD;
	s1 =	sshrl.u32 s1, $0x2  }
0xc0: {  	s3 =	sand.u32 $0x4000, s31;
	s1 =	sadd.s32 s1, s30  }
0xc1: {  	s0 =	sor.u32 s3, s0;
	s1 =	sshll.u32 s1, $0x11  }
0xc2: {  	s0 =	sor.u32 s1, s0  }
0xc3: {  	s0 =	sadd.s32 $0x8F2B, s0  }
0xc4: {  	[sflag:s0] =	ssyncadd.remote.s32 $0x1  }
0xc5: {  	_ =	sfence.sel $0xFFFF  }
0xc6: {  	[dreg:$0x0] =	wrdreg $0xFFFFFFFF;
	(pc) =	sbr.abs _section_cstart, $3  }
0xc7: {  	[dreg:$0x1] =	wrdreg $0xFFFFFFFF  }
0xc8: {  	_ =	task.clear_ibuf [dreg:s7], $0x2FFFF;
	_ =	strace $0x9FFFFFFF  }
0xc9: {  	(tm) =	ssettm $0x7FFFFFFF  }
tec
execute0_lowered:
.L_overlay_start_1:
0x0: {  	(tag) =	ssettag $0x1  }
0x1: {  	s0 =	rddreg [dreg:$0x0]  }
0x2: {  	s2 =	rddreg [dreg:$0x2]  }
0x3: {  	s3 =	srdreg.scid;
	s18 =	stileid.u32  }
0x4: {  	s15 =	simm.s32 $0x13900;
	s16 =	simm.s32 $0x3;
	s17 =	simm.s32 $0x14D00  }
0x5: {  	s21 =	simm.s32 $0x80;
	s22 =	simm.s32 $0x16100;
	s23 =	simm.s32 $0x1A100  }
0x6: {  	s24 =	simm.s32 $0x1;
	s28 =	simm.s32 $0x16000;
	s29 =	simm.s32 $0x16080  }
0x7: {  	s30 =	simm.s32 $0x0;
	s8 =	sand.u32 $0x1, s3;
	s3 =	simm.s32 $0x0  }
0x8: {  	s10 =	smul.u32 $0x4E000, s18;
	p1 =	sne.s32 s18, $0x0;
	s26 =	sshll.u32 s18, $0x6  }
0x9: {  	s4 =	sshll.u32 s8, $0x4;
	[smem:$0x7FF] =	sst s3;
	s6 =	smul.u32 $0x27200, s8  }
0xa: {  	s7 =	ssub.s32 $0x2, s8;
	p0 =	seq.s32 s8, $0x1;
	s4 =	sor.u32 s18, s4  }
0xb: {  	_ =	strace $0x8000004A;
	s9 =	sshrl.u32 s7, $0x1;
	s25 =	sshrl.u32 s10, $0x2  }
0xc: {  	s5 =	smul.u32 $0x2800, s4;
	s4 =	sadd.s32 $0x16E00, s0;
	s13 =	sadd.s32 s6, s0  }
0xd: {  	s14 =	ssub.s32 s7, s9;
	s6 =	smul.u32 $0x2700, s18;
	s19 =	sadd.s32 s25, s2  }
0xe: {  	s9 =	sadd.s32 $0x138000, s2;
	s18 =	sor.u32 $0x1C03, s26;
	s25 =	simm.s32 $0x2  }
0xf: {  	s26 =	simm.s32 $0x14C80;
	s13 =	sadd.s32 $0x3E000, s13;
	s14 =	smax.u32 s14, $0x1  }
0x10: {  	s19 =	sshrl.u32 s19, $0x3;
	s31 =	sshrl.u32 s9, $0x3;
	s5 =	sshrl.u32 s5, $0x3  }
0x11: {  	s8 =	sadd.s32 s4, s6;
	[dreg:$0x5] =	wrdreg s31;
	s12 =	sadd.s32 s5, s0  }
0x12: {  	s0 =	sadd.s32 $0x3DE00, s0;
	s5 =	sadd.s32 $0x2E00, s12;
	s7 =	sadd.s32 $0xCE00, s12  }
0x13: {  	[dreg:$0x4] =	wrdreg s0;
	s11 =	sadd.s32 $0x3080, s12;
	s12 =	sadd.s32 $0xD080, s12  }
.LBB2_1:
0x14: {  	[tilespmem:s15], [sflag:$0x3] =	stream.linear.gather [hbm4b:s5+s3], $0x1400, $0x38;
	[tilespmem:$0x1E100] =	vst v63  }
0x15: {  	_ =	swait.ge [sflag:s16], $0x1400  }
0x16: {  	[sflag:s16] =	ssyncset.done $0x0  }
.Ltmp0:
0x17: {  	[sflag:s16] =	ssyncadd.s32 $0xFFFFEC00;
	(pc) =	sbr.rel @!p0 .LBB2_2-.Ltmp0, $4  }
0x18: {  	[tilespmem:s17], [sflag:$0x3] =	stream.linear.gather [hbm4b:s7+s3], $0x1400, $0x38;
	[tilespmem:$0x1E100] =	vst v63  }
0x19: {  	_ =	swait.ge [sflag:s16], $0x1400  }
0x1a: {  	[sflag:s16] =	ssyncset.done $0x0  }
0x1b: {  	[sflag:s16] =	ssyncadd.s32 $0xFFFFEC00  }
.Ltmp1:
0x1c: {  	s0 =	rddreg [dreg:$0x1];
	(pc) =	sbr.rel @p1 .LBB2_7-.Ltmp1, $4  }
0x1d: {  	[spmem:s19], [sflag:s18] =	dma.local [hbm:s0], $0x2700  }
0x1e: {  	_ =	swait.ge [sflag:s16], $0x2700  }
0x1f: {  	[sflag:s16] =	ssyncset.done $0x0  }
0x20: {  	[sflag:s16] =	ssyncadd.s32 $0xFFFFD900  }
.Ltmp2:
0x21: {  	(pc) =	sbr.rel .LBB2_6-.Ltmp2, $4  }
0x22: {  	_ = 	snop  }
0x23: {  	s0 =	rddreg [dreg:$0x1]  }
0x24: {  	s1 =	rddreg [dreg:$0x5]  }
0x25: {  	[spmem:s1], [sflag:s18] =	dma.local [hbm:s0], $0x100  }
.LBB2_2:
.Ltmp3:
0x26: {  	(pc) =	sbr.rel @p1 .LBB2_7-.Ltmp3, $4  }
0x27: {  	[spmem:s19], [sflag:s18] =	dma.local [hbm:s8], $0x2700  }
0x28: {  	_ =	swait.ge [sflag:s16], $0x2700  }
0x29: {  	[sflag:s16] =	ssyncset.done $0x0  }
0x2a: {  	[sflag:s16] =	ssyncadd.s32 $0xFFFFD900  }
0x2b: {  	s0 =	rddreg [dreg:$0x4]  }
0x2c: {  	s1 =	rddreg [dreg:$0x5]  }
0x2d: {  	[spmem:s1], [sflag:s18] =	dma.local [hbm:s0], $0x100  }
.LBB2_6:
0x2e: {  	_ =	swait.ge [sflag:s16], $0x100  }
0x2f: {  	[sflag:s16] =	ssyncset.done $0x0  }
0x30: {  	[sflag:s16] =	ssyncadd.s32 $0xFFFFFF00  }
.LBB2_7:
0x31: {  	[bflag:$0x0] =	sbarrier.arrive $0xFFFF  }
0x32: {  	[tilespmem:s22], [sflag:$0x1] =	stream.indirect.gather [hbm4b:s4+s21], $0x80, s15, s21, $0xb8;
	[tilespmem:$0x1E100] =	vst v63  }
0x33: {  	s0 =	simm.s32 $0x13980  }
0x34: {  	[tilespmem:s23], [sflag:$0x2] =	stream.indirect.gather [hbm4b:s4+s21], $0x80, s0, s21, $0xb8;
	[tilespmem:$0x1E100] =	vst v63  }
0x35: {  	_ =	swait.ge [sflag:s24], $0x4000  }
0x36: {  	[sflag:s24] =	ssyncset.done $0x0  }
0x37: {  	s1 =	simm.s32 $0x14D00;
	[sflag:s24] =	ssyncadd.s32 $0xFFFFC000  }
0x38: {  	[spmem:s2] =	stream.indirect.scatter.add.f32 [tilespmem:s22], [sflag:$0x3], $0x80, s1, s21, $0xb8;
	[tilespmem:$0x1E100] =	vst v63  }
0x39: {  	_ =	swait.ge [sflag:s16], $0x4000  }
0x3a: {  	[sflag:s16] =	ssyncset.done $0x0  }
0x3b: {  	s10 =	simm.s32 $0x13A00;
	[sflag:s16] =	ssyncadd.s32 $0xFFFFC000  }
0x3c: {  	[tilespmem:s22], [sflag:$0x1] =	stream.indirect.gather [hbm4b:s4+s21], $0x80, s10, s21, $0xb8;
	[tilespmem:$0x1E100] =	vst v63  }
0x3d: {  	_ =	swait.ge [sflag:s25], $0x4000  }
0x3e: {  	[sflag:s25] =	ssyncset.done $0x0  }
0x3f: {  	s20 =	simm.s32 $0x14D80;
	[sflag:s25] =	ssyncadd.s32 $0xFFFFC000  }
0x40: {  	[spmem:s2] =	stream.indirect.scatter.add.f32 [tilespmem:s23], [sflag:$0x3], $0x80, s20, s21, $0xb8;
	[tilespmem:$0x1E100] =	vst v63  }
0x41: {  	_ =	swait.ge [sflag:s16], $0x4000  }
0x42: {  	s31 =	simm.s32 $0x100;
	s0 =	simm.s32 $0x800;
	[sflag:s16] =	ssyncset.done $0x0  }
.LBB2_8:
0x43: {  	s10 =	sadd.s32 $0x13980, s31  }
0x44: {  	[sflag:s16] =	ssyncadd.s32 $0xFFFFC000;
	s1 =	smov.u32 s0;
	s20 =	sadd.s32 $0x400, s0  }
0x45: {  	[tilespmem:s23], [sflag:$0x2] =	stream.indirect.gather [hbm4b:s4+s21], $0x80, s10, s21, $0xb8;
	[tilespmem:$0x1E100] =	vst v63  }
0x46: {  	p2 =	sne.s32 s0, $0x4800;
	_ =	swait.ge [sflag:s24], $0x4000  }
0x47: {  	[sflag:s24] =	ssyncset.done $0x0  }
0x48: {  	s0 =	sadd.s32 $0x14D00, s31;
	[sflag:s24] =	ssyncadd.s32 $0xFFFFC000  }
0x49: {  	[spmem:s2] =	stream.indirect.scatter.add.f32 [tilespmem:s22], [sflag:$0x3], $0x80, s0, s21, $0xb8;
	[tilespmem:$0x1E100] =	vst v63  }
0x4a: {  	_ =	swait.ge [sflag:s16], $0x4000  }
0x4b: {  	[sflag:s16] =	ssyncset.done $0x0  }
0x4c: {  	s0 =	sadd.s32 $0x13A00, s31;
	[sflag:s16] =	ssyncadd.s32 $0xFFFFC000  }
0x4d: {  	[tilespmem:s22], [sflag:$0x1] =	stream.indirect.gather [hbm4b:s4+s21], $0x80, s0, s21, $0xb8;
	[tilespmem:$0x1E100] =	vst v63  }
0x4e: {  	_ =	swait.ge [sflag:s25], $0x4000  }
.Ltmp4:
0x4f: {  	[sflag:s25] =	ssyncset.done $0x0;
	(pc) =	sbr.rel @p2 .LBB2_8-.Ltmp4, $4  }
0x50: {  	s0 =	sadd.s32 $0x14D80, s31;
	[sflag:s25] =	ssyncadd.s32 $0xFFFFC000  }
0x51: {  	[spmem:s2] =	stream.indirect.scatter.add.f32 [tilespmem:s23], [sflag:$0x3], $0x80, s0, s21, $0xb8;
	[tilespmem:$0x1E100] =	vst v63  }
0x52: {  	_ =	swait.ge [sflag:s16], $0x4000  }
0x53: {  	s31 =	sshra.s32 s1, $0x2;
	s0 =	smov.u32 s20;
	[sflag:s16] =	ssyncset.done $0x0  }
0x54: {  	s0 =	sadd.s32 $0x13980, s31;
	[sflag:s16] =	ssyncadd.s32 $0xFFFFC000  }
0x55: {  	[tilespmem:s23], [sflag:$0x2] =	stream.indirect.gather [hbm4b:s4+s21], $0x80, s0, s21, $0xb8;
	[tilespmem:$0x1E100] =	vst v63  }
0x56: {  	_ =	swait.ge [sflag:s24], $0x4000  }
0x57: {  	[sflag:s24] =	ssyncset.done $0x0  }
0x58: {  	s10 =	sadd.s32 $0x14D00, s31;
	[sflag:s24] =	ssyncadd.s32 $0xFFFFC000  }
0x59: {  	[spmem:s2] =	stream.indirect.scatter.add.f32 [tilespmem:s22], [sflag:$0x3], $0x80, s10, s21, $0xb8;
	[tilespmem:$0x1E100] =	vst v63  }
0x5a: {  	_ =	swait.ge [sflag:s16], $0x4000  }
0x5b: {  	[sflag:s16] =	ssyncset.done $0x0  }
0x5c: {  	s20 =	sadd.s32 $0x13A00, s31;
	[sflag:s16] =	ssyncadd.s32 $0xFFFFC000  }
0x5d: {  	[tilespmem:s22], [sflag:$0x1] =	stream.indirect.gather [hbm4b:s4+s21], $0x80, s20, s21, $0xb8;
	[tilespmem:$0x1E100] =	vst v63  }
0x5e: {  	_ =	swait.ge [sflag:s25], $0x4000  }
0x5f: {  	[sflag:s25] =	ssyncset.done $0x0  }
0x60: {  	s1 =	sadd.s32 $0x14D80, s31;
	[sflag:s25] =	ssyncadd.s32 $0xFFFFC000  }
0x61: {  	[spmem:s2] =	stream.indirect.scatter.add.f32 [tilespmem:s23], [sflag:$0x3], $0x80, s1, s21, $0xb8;
	[tilespmem:$0x1E100] =	vst v63  }
0x62: {  	_ =	swait.ge [sflag:s16], $0x4000  }
0x63: {  	[sflag:s16] =	ssyncset.done $0x0  }
0x64: {  	[sflag:s16] =	ssyncadd.s32 $0xFFFFC000  }
0x65: {  	[tilespmem:s23], [sflag:$0x2] =	stream.indirect.gather [hbm4b:s4+s21], $0x80, s26, s21, $0xb8;
	[tilespmem:$0x1E100] =	vst v63  }
0x66: {  	_ =	swait.ge [sflag:s24], $0x4000  }
0x67: {  	[sflag:s24] =	ssyncset.done $0x0  }
0x68: {  	[sflag:s24] =	ssyncadd.s32 $0xFFFFC000  }
0x69: {  	[spmem:s2] =	stream.indirect.scatter.add.f32 [tilespmem:s22], [sflag:$0x3], $0x80, s28, s21, $0xb8;
	[tilespmem:$0x1E100] =	vst v63  }
0x6a: {  	_ =	swait.ge [sflag:s16], $0x4000  }
0x6b: {  	[sflag:s16] =	ssyncset.done $0x0  }
0x6c: {  	[sflag:s16] =	ssyncadd.s32 $0xFFFFC000  }
0x6d: {  	_ =	swait.ge [sflag:s25], $0x4000  }
0x6e: {  	[sflag:s25] =	ssyncset.done $0x0  }
0x6f: {  	[sflag:s25] =	ssyncadd.s32 $0xFFFFC000  }
0x70: {  	[spmem:s2] =	stream.indirect.scatter.add.f32 [tilespmem:s23], [sflag:$0x3], $0x80, s29, s21, $0xb8;
	[tilespmem:$0x1E100] =	vst v63  }
0x71: {  	_ =	swait.ge [sflag:s16], $0x4000  }
0x72: {  	[sflag:s16] =	ssyncset.done $0x0  }
0x73: {  	s10 =	simm.s32 $0x0;
	[sflag:s16] =	ssyncadd.s32 $0xFFFFC000  }
0x74: {  	[tilespmem:s15], [sflag:$0x3] =	stream.linear.gather [hbm4b:s11+s10], $0x1400, $0x38;
	[tilespmem:$0x1E100] =	vst v63  }
0x75: {  	_ =	swait.ge [sflag:s16], $0x1400  }
0x76: {  	[sflag:s16] =	ssyncset.done $0x0  }
0x77: {  	[sflag:s16] =	ssyncadd.s32 $0xFFFFEC00  }
0x78: {  	[tilespmem:s17], [sflag:$0x3] =	stream.linear.gather [hbm4b:s12+s10], $0x1400, $0x38;
	[tilespmem:$0x1E100] =	vst v63  }
0x79: {  	_ =	swait.ge [sflag:s16], $0x1400  }
0x7a: {  	[sflag:s16] =	ssyncset.done $0x0  }
0x7b: {  	[sflag:s16] =	ssyncadd.s32 $0xFFFFEC00  }
0x7c: {  	[tilespmem:s22], [sflag:$0x1] =	stream.indirect.gather [hbm4b:s4+s21], $0x80, s15, s21, $0xb8;
	[tilespmem:$0x1E100] =	vst v63  }
0x7d: {  	s20 =	simm.s32 $0x13980  }
0x7e: {  	[tilespmem:s23], [sflag:$0x2] =	stream.indirect.gather [hbm4b:s4+s21], $0x80, s20, s21, $0xb8;
	[tilespmem:$0x1E100] =	vst v63  }
0x7f: {  	_ =	swait.ge [sflag:s24], $0x4000  }
0x80: {  	[sflag:s24] =	ssyncset.done $0x0  }
0x81: {  	s1 =	simm.s32 $0x14D00;
	[sflag:s24] =	ssyncadd.s32 $0xFFFFC000  }
0x82: {  	[spmem:s2] =	stream.indirect.scatter.add.f32 [tilespmem:s22], [sflag:$0x3], $0x80, s1, s21, $0xb8;
	[tilespmem:$0x1E100] =	vst v63  }
0x83: {  	_ =	swait.ge [sflag:s16], $0x4000  }
0x84: {  	[sflag:s16] =	ssyncset.done $0x0  }
0x85: {  	s10 =	simm.s32 $0x13A00;
	[sflag:s16] =	ssyncadd.s32 $0xFFFFC000  }
0x86: {  	[tilespmem:s22], [sflag:$0x1] =	stream.indirect.gather [hbm4b:s4+s21], $0x80, s10, s21, $0xb8;
	[tilespmem:$0x1E100] =	vst v63  }
0x87: {  	_ =	swait.ge [sflag:s25], $0x4000  }
0x88: {  	[sflag:s25] =	ssyncset.done $0x0  }
0x89: {  	s20 =	simm.s32 $0x14D80;
	[sflag:s25] =	ssyncadd.s32 $0xFFFFC000  }
0x8a: {  	[spmem:s2] =	stream.indirect.scatter.add.f32 [tilespmem:s23], [sflag:$0x3], $0x80, s20, s21, $0xb8;
	[tilespmem:$0x1E100] =	vst v63  }
0x8b: {  	_ =	swait.ge [sflag:s16], $0x4000  }
0x8c: {  	s31 =	simm.s32 $0x100;
	s0 =	simm.s32 $0x800;
	[sflag:s16] =	ssyncset.done $0x0  }
.LBB2_10:
0x8d: {  	s1 =	sadd.s32 $0x13980, s31  }
0x8e: {  	[sflag:s16] =	ssyncadd.s32 $0xFFFFC000;
	s10 =	smov.u32 s0;
	s20 =	sadd.s32 $0x400, s0  }
0x8f: {  	[tilespmem:s23], [sflag:$0x2] =	stream.indirect.gather [hbm4b:s4+s21], $0x80, s1, s21, $0xb8;
	[tilespmem:$0x1E100] =	vst v63  }
0x90: {  	p2 =	sne.s32 s0, $0x4800;
	_ =	swait.ge [sflag:s24], $0x4000  }
0x91: {  	[sflag:s24] =	ssyncset.done $0x0  }
0x92: {  	s0 =	sadd.s32 $0x14D00, s31;
	[sflag:s24] =	ssyncadd.s32 $0xFFFFC000  }
0x93: {  	[spmem:s2] =	stream.indirect.scatter.add.f32 [tilespmem:s22], [sflag:$0x3], $0x80, s0, s21, $0xb8;
	[tilespmem:$0x1E100] =	vst v63  }
0x94: {  	_ =	swait.ge [sflag:s16], $0x4000  }
0x95: {  	[sflag:s16] =	ssyncset.done $0x0  }
0x96: {  	s0 =	sadd.s32 $0x13A00, s31;
	[sflag:s16] =	ssyncadd.s32 $0xFFFFC000  }
0x97: {  	[tilespmem:s22], [sflag:$0x1] =	stream.indirect.gather [hbm4b:s4+s21], $0x80, s0, s21, $0xb8;
	[tilespmem:$0x1E100] =	vst v63  }
0x98: {  	_ =	swait.ge [sflag:s25], $0x4000  }
.Ltmp5:
0x99: {  	[sflag:s25] =	ssyncset.done $0x0;
	(pc) =	sbr.rel @p2 .LBB2_10-.Ltmp5, $4  }
0x9a: {  	s0 =	sadd.s32 $0x14D80, s31;
	[sflag:s25] =	ssyncadd.s32 $0xFFFFC000  }
0x9b: {  	[spmem:s2] =	stream.indirect.scatter.add.f32 [tilespmem:s23], [sflag:$0x3], $0x80, s0, s21, $0xb8;
	[tilespmem:$0x1E100] =	vst v63  }
0x9c: {  	_ =	swait.ge [sflag:s16], $0x4000  }
0x9d: {  	s31 =	sshra.s32 s10, $0x2;
	s0 =	smov.u32 s20;
	[sflag:s16] =	ssyncset.done $0x0  }
0x9e: {  	s0 =	sadd.s32 $0x13980, s31;
	[sflag:s16] =	ssyncadd.s32 $0xFFFFC000  }
0x9f: {  	[tilespmem:s23], [sflag:$0x2] =	stream.indirect.gather [hbm4b:s4+s21], $0x80, s0, s21, $0xb8;
	[tilespmem:$0x1E100] =	vst v63  }
0xa0: {  	_ =	swait.ge [sflag:s24], $0x4000  }
0xa1: {  	[sflag:s24] =	ssyncset.done $0x0  }
0xa2: {  	s1 =	sadd.s32 $0x14D00, s31;
	[sflag:s24] =	ssyncadd.s32 $0xFFFFC000  }
0xa3: {  	[spmem:s2] =	stream.indirect.scatter.add.f32 [tilespmem:s22], [sflag:$0x3], $0x80, s1, s21, $0xb8;
	[tilespmem:$0x1E100] =	vst v63  }
0xa4: {  	_ =	swait.ge [sflag:s16], $0x4000  }
0xa5: {  	[sflag:s16] =	ssyncset.done $0x0  }
0xa6: {  	s10 =	sadd.s32 $0x13A00, s31;
	[sflag:s16] =	ssyncadd.s32 $0xFFFFC000  }
0xa7: {  	[tilespmem:s22], [sflag:$0x1] =	stream.indirect.gather [hbm4b:s4+s21], $0x80, s10, s21, $0xb8;
	[tilespmem:$0x1E100] =	vst v63  }
0xa8: {  	_ =	swait.ge [sflag:s25], $0x4000  }
0xa9: {  	[sflag:s25] =	ssyncset.done $0x0  }
0xaa: {  	s20 =	sadd.s32 $0x14D80, s31;
	[sflag:s25] =	ssyncadd.s32 $0xFFFFC000  }
0xab: {  	[spmem:s2] =	stream.indirect.scatter.add.f32 [tilespmem:s23], [sflag:$0x3], $0x80, s20, s21, $0xb8;
	[tilespmem:$0x1E100] =	vst v63  }
0xac: {  	_ =	swait.ge [sflag:s16], $0x4000  }
0xad: {  	[sflag:s16] =	ssyncset.done $0x0  }
0xae: {  	[sflag:s16] =	ssyncadd.s32 $0xFFFFC000  }
0xaf: {  	[tilespmem:s23], [sflag:$0x2] =	stream.indirect.gather [hbm4b:s4+s21], $0x80, s26, s21, $0xb8;
	[tilespmem:$0x1E100] =	vst v63  }
0xb0: {  	_ =	swait.ge [sflag:s24], $0x4000  }
0xb1: {  	[sflag:s24] =	ssyncset.done $0x0  }
0xb2: {  	[sflag:s24] =	ssyncadd.s32 $0xFFFFC000  }
0xb3: {  	[spmem:s2] =	stream.indirect.scatter.add.f32 [tilespmem:s22], [sflag:$0x3], $0x80, s28, s21, $0xb8;
	[tilespmem:$0x1E100] =	vst v63  }
0xb4: {  	_ =	swait.ge [sflag:s16], $0x4000  }
0xb5: {  	[sflag:s16] =	ssyncset.done $0x0  }
0xb6: {  	[sflag:s16] =	ssyncadd.s32 $0xFFFFC000  }
0xb7: {  	_ =	swait.ge [sflag:s25], $0x4000  }
0xb8: {  	[sflag:s25] =	ssyncset.done $0x0  }
0xb9: {  	[sflag:s25] =	ssyncadd.s32 $0xFFFFC000  }
0xba: {  	[spmem:s2] =	stream.indirect.scatter.add.f32 [tilespmem:s23], [sflag:$0x3], $0x80, s29, s21, $0xb8;
	[tilespmem:$0x1E100] =	vst v63  }
0xbb: {  	_ =	swait.ge [sflag:s16], $0x4000  }
0xbc: {  	[sflag:s16] =	ssyncset.done $0x0  }
0xbd: {  	[sflag:s16] =	ssyncadd.s32 $0xFFFFC000  }
0xbe: {  	s31 =	sadd.s32 s6, s13;
	[bflag:$0x0] =	sbarrier.arrive $0xFFFF  }
0xbf: {  	[hbm:s31], [sflag:s18] =	dma.local [spmem:s19], $0x2700  }
0xc0: {  	_ =	swait.ge [sflag:s16], $0x2700  }
0xc1: {  	s30 =	sadd.s32 $0x1, s30;
	s0 =	sadd.s32 @!p1 $0x27000, s13;
	[sflag:s16] =	ssyncset.done $0x0  }
0xc2: {  	p2 =	sne.s32 s30, s14;
	s1 =	sshrl.u32 @!p1 s9, $0x3;
	[sflag:s16] =	ssyncadd.s32 $0xFFFFD900  }
0xc3: {  	[hbm:s0], [sflag:s18] =	dma.local @!p1 [spmem:s1], $0x100  }
.Ltmp6:
0xc4: {  	_ = 	snop;
	(pc) =	sbr.rel @p2 .LBB2_1-.Ltmp6, $4  }
0xc5: {  	s0 =	simm.s32 @!p1 $0x3  }
0xc6: {  	_ =	swait.ge @!p1 [sflag:s0], $0x100  }
0xc7: {  	[sflag:s0] =	ssyncset.done @!p1 $0x0  }
0xc8: {  	[sflag:s0] =	ssyncadd.s32 @!p1 $0xFFFFFF00  }
0xc9: {  	_ =	sfence.sel $0x180000  }
0xca: {  	[bflag:$0x0] =	sbarrier.arrive $0xFFFF  }
0xcb: {  	_ =	strace $0x9000004A  }
0xcc: {  	[bflag:$0x2] =	sbarrier.arrive $0xFFFF  }
0xcd: {  	s0 =	rddreg [dreg:$0x3]  }
0xce: {  	s0 =	sadd.s32 @!p1 $0x100000, s0  }
0xcf: {  	[sflag:s0] =	ssyncadd.tile.s32 @!p1 $0x1;
	_ =	shalt  }
.Lfunc_end2:
_tile_overlayer_lowered:
.L_overlay_start_2:
0xd0: {  	(tag) =	ssettag $0x2  }
0xd1: {  	s0 =	rddreg [dreg:$0x0];
	s2 =	stileid.u32  }
0xd2: {  	s1 =	rddreg [dreg:$0x1];
	p0 =	sne.s32 s2, $0x0  }
0xd3: {  	s3 =	rddreg [dreg:$0x2];
	[bflag:$0x3] =	sbarrier.arrive $0xFFFF;
	s2 =	simm.s32 @!p0 $0x1C03  }
0xd4: {  	[timem:s3], [sflag:s2] =	dma.local @!p0 [hbm:s0], s1  }
0xd5: {  	s0 =	simm.s32 @!p0 $0x3  }
0xd6: {  	_ =	swait.ge @!p0 [sflag:s0], s1  }
0xd7: {  	s1 =	ssub.s32 @!p0 $0x0, s1;
	[sflag:s0] =	ssyncset.done @!p0 $0x0  }
0xd8: {  	[sflag:s0] =	ssyncadd.s32 @!p0 s1  }
0xd9: {  	[bflag:$0x3] =	sbarrier.arrive $0xFFFF  }
0xda: {  	_ =	shalt  }

// kernel: kernel.16.cloned.1.call-start
scs
__scs_entry_jumppad:
0x0: {  	(pc) =	sbr.rel $0x88, $3  }
0x1: {  	(tag) =	ssettag $0x0;
	lr =	simm.s32 $0x1  }
0x2: {  	[smem:$0x3F99] =	sst lr;
	_ =	strace $0xD0000000  }
0x3: {  	_ = 	snop  }
0x4: {  	_ = 	snop  }
0x5: {  	_ = 	snop  }
0x6: {  	_ = 	snop  }
0x7: {  	_ = 	snop  }
__scs_overlays_trampoline_lowered:
0x8: {  	[smem:$0x3FA8] =	sst s0  }
0x9: {  	[smem:$0x3FA9] =	sst s1  }
0xa: {  	[smem:$0x3FAA] =	sst s2  }
0xb: {  	[smem:$0x3FAB] =	sst s3  }
0xc: {  	[smem:$0x3FAC] =	sst s4  }
0xd: {  	[smem:$0x3FAD] =	sst s5  }
0xe: {  	[smem:$0x3FAE] =	sst s6  }
0xf: {  	[smem:$0x3FAF] =	sst s7  }
0x10: {  	[smem:$0x3FB0] =	sst s8  }
0x11: {  	[smem:$0x3FB1] =	sst s9;
	s0 =	simm.s32 @!p0 $0x0  }
0x12: {  	s1 =	sld [smem:$0x3F97];
	s0 =	simm.s32 @p0 $0x1  }
0x13: {  	[smem:$0x3FB2] =	sst s0;
	s0 =	simm.s32 @!p1 $0x0  }
0x14: {  	s2 =	sld [smem:$0x3F96];
	s0 =	simm.s32 @p1 $0x1  }
0x15: {  	[smem:$0x3FB3] =	sst s0;
	s0 =	simm.s32 @!p2 $0x0  }
0x16: {  	s3 =	sld [smem:$0x3FDB];
	s0 =	simm.s32 @p2 $0x1  }
0x17: {  	s4 =	simm.s32 $0x1BF5;
	[smem:$0x3FB5] =	sst s0  }
0x18: {  	s0 =	sld [smem:$0x3F98];
	_ =	swait.ge [sflag:s4], $0x0  }
0x19: {  	s7 =	sld [smem:$0x3F99]  }
0x1a: {  	s8 =	sadd.s32 $0xFFFFE003, lr  }
0x1b: {  	s9 =	sadd.s32 $0xFFFFFEF7, lr;
	s5 =	simm.s32 $0xFFFFFFFF;
	p2 =	slt.u32 s8, $0xFFFFF086  }
0x1c: {  	p1 =	slt.u32 s9, $0xF7A;
	s5 =	simm.s32 @!p2 $0x0  }
0x1d: {  	s5 =	simm.s32 @p1 $0x1;
	p0 =	seq.s32 s7, s2  }
0x1e: {  	s7 =	smul.u32 @!p0 $0xF7A, s2;
	p2 =	seq.s32 @!p0 s5, $0x0  }
0x1f: {  	s9 =	smul.u32 $0xF7A, s1;
	s8 =	simm.s32 @!p0 $0x1BF5;
	p2 =	por !p2, p0  }
0x20: {  	[sflag:s8] =	ssyncset.s32 @!p0 $0xFFFFF086;
	s6 =	sadd.s32 @!p0 s3, s7;
	s7 =	simm.s32 @!p0 $0x108  }
0x21: {  	s3 =	sadd.s32 s3, s9;
	s6 =	sadd.s32 @!p0 $0x88, s6;
	s7 =	simm.s32 @p2 $0x1082  }
0x22: {  	[simem:s7], [sflag:s8] =	dma.local @!p0 [hbm:s6], $0xF7A  }
0x23: {  	s9 =	sor.u32 $0xD0000000, s2;
	s6 =	simm.s32 $0x108;
	_ =	swait.ge @!p0 [sflag:s8], $0x0  }
0x24: {  	s3 =	sadd.s32 $0x88, s3;
	s6 =	simm.s32 @!p1 $0x1082;
	[sflag:s4] =	ssyncset.s32 $0xFFFFF086  }
0x25: {  	[simem:s6], [sflag:s4] =	dma.local [hbm:s3], $0xF7A  }
0x26: {  	[smem:$0x3F99] =	sst s1;
	(tag) =	ssettag s2;
	_ =	strace s9  }
0x27: {  	s1 =	sld [smem:$0x3FA9]  }
0x28: {  	s2 =	sld [smem:$0x3FAA]  }
0x29: {  	s4 =	sld [smem:$0x3FAC]  }
0x2a: {  	p0 =	seq.s32 s5, $0x0;
	s5 =	sld [smem:$0x3FAD]  }
0x2b: {  	s6 =	sld [smem:$0x3FAE]  }
0x2c: {  	s7 =	sld [smem:$0x3FAF]  }
0x2d: {  	s3 =	simm.s32 $0x108;
	s8 =	sld [smem:$0x3FB0]  }
0x2e: {  	s3 =	simm.s32 @!p0 $0x1082;
	s9 =	sld [smem:$0x3FB1]  }
0x2f: {  	lr =	sadd.s32 s0, s3;
	s0 =	sld [smem:$0x3FA8]  }
0x30: {  	s3 =	sld [smem:$0x3FAB]  }
0x31: {  	[smem:$0x3FB4] =	sst s10  }
0x32: {  	s10 =	sld [smem:$0x3FB2];
	_ =	sdelay $0x3  }
0x33: {  	p0 =	seq.s32 s10, $0x1;
	s10 =	sld [smem:$0x3FB4];
	_ =	sdelay $0x3  }
0x34: {  	[smem:$0x3FB4] =	sst s10  }
0x35: {  	s10 =	sld [smem:$0x3FB3];
	_ =	sdelay $0x3  }
0x36: {  	p1 =	seq.s32 s10, $0x1;
	s10 =	sld [smem:$0x3FB4];
	_ =	sdelay $0x3  }
0x37: {  	[smem:$0x3FB4] =	sst s10  }
0x38: {  	s10 =	sld [smem:$0x3FB5]  }
0x39: {  	_ = 	snop;
	(pc) =	sbr.ind lr, $3  }
0x3a: {  	_ = 	snop  }
0x3b: {  	_ = 	snop  }
0x3c: {  	p2 =	seq.s32 s10, $0x1;
	s10 =	sld [smem:$0x3FB4]  }
0x3d: {  	_ =	shalt  }
0x3e: {  	_ =	shalt  }
0x3f: {  	_ =	shalt  }
0x40: {  	_ =	shalt  }
0x41: {  	_ =	shalt  }
0x42: {  	_ =	shalt  }
0x43: {  	_ =	shalt  }
0x44: {  	_ =	shalt  }
0x45: {  	_ =	shalt  }
0x46: {  	_ =	shalt  }
0x47: {  	_ =	shalt  }
0x48: {  	_ =	shalt  }
0x49: {  	_ =	shalt  }
0x4a: {  	_ =	shalt  }
0x4b: {  	_ =	shalt  }
0x4c: {  	_ =	shalt  }
0x4d: {  	_ =	shalt  }
0x4e: {  	_ =	shalt  }
0x4f: {  	_ =	shalt  }
0x50: {  	_ =	shalt  }
0x51: {  	_ =	shalt  }
0x52: {  	_ =	shalt  }
0x53: {  	_ =	shalt  }
0x54: {  	_ =	shalt  }
0x55: {  	_ =	shalt  }
0x56: {  	_ =	shalt  }
0x57: {  	_ =	shalt  }
0x58: {  	_ =	shalt  }
0x59: {  	_ =	shalt  }
0x5a: {  	_ =	shalt  }
0x5b: {  	_ =	shalt  }
0x5c: {  	_ =	shalt  }
0x5d: {  	_ =	shalt  }
0x5e: {  	_ =	shalt  }
0x5f: {  	_ =	shalt  }
0x60: {  	_ =	shalt  }
0x61: {  	_ =	shalt  }
0x62: {  	_ =	shalt  }
0x63: {  	_ =	shalt  }
0x64: {  	_ =	shalt  }
0x65: {  	_ =	shalt  }
0x66: {  	_ =	shalt  }
0x67: {  	_ =	shalt  }
0x68: {  	_ =	shalt  }
0x69: {  	_ =	shalt  }
0x6a: {  	_ =	shalt  }
0x6b: {  	_ =	shalt  }
0x6c: {  	_ =	shalt  }
0x6d: {  	_ =	shalt  }
0x6e: {  	_ =	shalt  }
0x6f: {  	_ =	shalt  }
0x70: {  	_ =	shalt  }
0x71: {  	_ =	shalt  }
0x72: {  	_ =	shalt  }
0x73: {  	_ =	shalt  }
0x74: {  	_ =	shalt  }
0x75: {  	_ =	shalt  }
0x76: {  	_ =	shalt  }
0x77: {  	_ =	shalt  }
0x78: {  	_ =	shalt  }
0x79: {  	_ =	shalt  }
0x7a: {  	_ =	shalt  }
0x7b: {  	_ =	shalt  }
0x7c: {  	_ =	shalt  }
0x7d: {  	_ =	shalt  }
0x7e: {  	_ =	shalt  }
0x7f: {  	_ =	shalt  }
0x80: {  	_ =	shalt  }
0x81: {  	_ =	shalt  }
0x82: {  	_ =	shalt  }
0x83: {  	_ =	shalt  }
0x84: {  	_ =	shalt  }
0x85: {  	_ =	shalt  }
0x86: {  	_ =	shalt  }
0x87: {  	_ =	shalt  }
.Lfunc_end0:
.L_simem_size_0:
called_computation.2_lowered:
.L_overlay_start_0:
0x88: {  	s2 =	sld [smem:$0x3FD9]  }
0x89: {  	s3 =	sld [smem:$0x3FFE];
	_ =	sdelay $0x1  }
0x8a: {  	s1 =	srdreg.scid  }
0x8b: {  	s0 =	sand.u32 $0x1, s1  }
0x8c: {  	s14 =	sshll.u32 s0, $0xA;
	s2 =	sadd.s32 s3, s2  }
0x8d: {  	s2 =	sadd.s32 s2, s14  }
0x8e: {  	[smem:$0x3FC0] =	sst s2  }
0x8f: {  	_ = 	snop  }
0x90: {  	s2 =	sld [smem:$0x3FD0];
	_ =	sdelay $0x2  }
0x91: {  	s15 =	simm.s32 $0xA;
	s4 =	simm.s32 $0x10  }
0x92: {  	[smem:s4], [sflag:s15] =	dma.local [hbm:s2], $0x1  }
0x93: {  	_ =	swait.eq [sflag:s15], $0x1  }
0x94: {  	[sflag:s15] =	ssyncset.done $0x0  }
0x95: {  	[sflag:s15] =	ssyncadd.s32 $0xFFFFFFFF  }
0x96: {  	s16 =	sld [smem:$0x12];
	(tm) =	ssettm $0x1  }
0x97: {  	s17 =	sld [smem:$0x3FFB];
	_ =	sdelay $0x3  }
0x98: {  	_ =	strace s17  }
0x99: {  	s3 =	sld [smem:$0x3FFC];
	_ =	sdelay $0x3  }
0x9a: {  	_ =	strace s3  }
0x9b: {  	s3 =	sld [smem:$0x3FFD];
	_ =	sdelay $0x3  }
0x9c: {  	_ =	strace s3  }
0x9d: {  	_ =	strace $0x8FFFFFFF  }
0x9e: {  	s18 =	sld [smem:$0x3FDB];
	_ =	sdelay $0x1  }
0x9f: {  	s19 =	simm.s32 $_scs_section_size  }
0xa0: {  	s5 =	simm.s32 $_size__tile_overlayer_lowered;
	s6 =	simm.s32 $_tile_overlayer_lowered  }
0xa1: {  	s22 =	simm.s32 $0x1BFF;
	s21 =	sshll.u32 s6, $0x1;
	s3 =	sadd.s32 s19, s18  }
0xa2: {  	s7 =	simm.s32 $0x0;
	s20 =	sshll.u32 s5, $0x1;
	s5 =	sadd.s32 s21, s3  }
0xa3: {  	[timem:s7], [sflag:s22] =	dma.local [hbm:s5], s20  }
0xa4: {  	_ =	swait.ge [sflag:s22], s20  }
0xa5: {  	s4 =	ssub.s32 $0x0, s20;
	[sflag:s22] =	ssyncset.done $0x0  }
0xa6: {  	[sflag:s22] =	ssyncadd.s32 s4;
	_ =	sdelay $0x1  }
0xa7: {  	s23 =	simm.s32 $0x1B8B  }
0xa8: {  	_ =	swait.ge [sflag:s23], $0x1  }
0xa9: {  	[sflag:s23] =	ssyncset.done $0x0  }
0xaa: {  	s25 =	simm.s32 $0x1B8E;
	s24 =	sld [smem:$0x3FFE];
	[sflag:s23] =	ssyncadd.s32 $0xFFFFFFFF  }
0xab: {  	s26 =	simm.s32 $execute0_lowered;
	[smem:$0x3FD2] =	sst s25  }
0xac: {  	s5 =	sshll.u32 s26, $0x1;
	_ =	strace $0x8000004C;
	[dreg:$0x1] =	wrdreg $0xFFFFFFFF  }
0xad: {  	s28 =	simm.s32 $_size_execute0_lowered;
	s3 =	sadd.s32 s3, s5;
	[dreg:$0x0] =	wrdreg $0x0  }
0xae: {  	s5 =	sshll.u32 s28, $0x1;
	[dreg:$0x2] =	wrdreg s3  }
0xaf: {  	[dreg:$0x3] =	wrdreg s5  }
0xb0: {  	[dreg:$0x4] =	wrdreg $0xC0  }
0xb1: {  	_ =	task [dreg:s7], $0x5FFFF  }
0xb2: {  	[dreg:$0x1] =	wrdreg $0xFFFFFFFF  }
0xb3: {  	[dreg:$0x0] =	wrdreg $0x60  }
0xb4: {  	[dreg:$0x2] =	wrdreg s24  }
0xb5: {  	[dreg:$0x3] =	wrdreg s16  }
0xb6: {  	[dreg:$0x4] =	wrdreg $0x0  }
0xb7: {  	[dreg:$0x5] =	wrdreg $0x9  }
0xb8: {  	_ =	task.clear_ibuf [dreg:s7], $0x6FFFF;
	_ =	strace $0x9000004C  }
0xb9: {  	s29 =	simm.s32 $0x9;
	_ =	strace $0x8000004E  }
0xba: {  	_ =	swait.ge [sflag:s29], $0x1  }
0xbb: {  	[sflag:s29] =	ssyncadd.s32 $0xFFFFFFFF  }
0xbc: {  	_ =	strace $0x9000004E  }
0xbd: {  	_ =	sfence  }
0xbe: {  	s30 =	sld [smem:$0x0];
	_ =	sdelay $0x2  }
0xbf: {  	s31 =	sshll.u32 s1, $0xD;
	s1 =	sshrl.u32 s1, $0x2  }
0xc0: {  	s3 =	sand.u32 $0x4000, s31;
	s1 =	sadd.s32 s1, s30  }
0xc1: {  	s0 =	sor.u32 s3, s0;
	s1 =	sshll.u32 s1, $0x11  }
0xc2: {  	s0 =	sor.u32 s1, s0  }
0xc3: {  	s0 =	sadd.s32 $0x8F2B, s0  }
0xc4: {  	[sflag:s0] =	ssyncadd.remote.s32 $0x1  }
0xc5: {  	_ =	sfence.sel $0xFFFF  }
0xc6: {  	[dreg:$0x0] =	wrdreg $0xFFFFFFFF;
	(pc) =	sbr.abs _section_cstart, $3  }
0xc7: {  	[dreg:$0x1] =	wrdreg $0xFFFFFFFF  }
0xc8: {  	_ =	task.clear_ibuf [dreg:s7], $0x2FFFF;
	_ =	strace $0x9FFFFFFF  }
0xc9: {  	(tm) =	ssettm $0x7FFFFFFF  }
tec
execute0_lowered:
.L_overlay_start_1:
0x0: {  	(tag) =	ssettag $0x1  }
0x1: {  	s0 =	rddreg [dreg:$0x0]  }
0x2: {  	s2 =	rddreg [dreg:$0x2]  }
0x3: {  	s3 =	srdreg.scid;
	s18 =	stileid.u32  }
0x4: {  	s15 =	simm.s32 $0x13900;
	s16 =	simm.s32 $0x3;
	s17 =	simm.s32 $0x14D00  }
0x5: {  	s21 =	simm.s32 $0x80;
	s22 =	simm.s32 $0x16100;
	s23 =	simm.s32 $0x1A100  }
0x6: {  	s24 =	simm.s32 $0x1;
	s28 =	simm.s32 $0x16000;
	s29 =	simm.s32 $0x16080  }
0x7: {  	s30 =	simm.s32 $0x0;
	s8 =	sand.u32 $0x1, s3;
	s3 =	simm.s32 $0x0  }
0x8: {  	s10 =	smul.u32 $0x4E000, s18;
	p1 =	sne.s32 s18, $0x0;
	s26 =	sshll.u32 s18, $0x6  }
0x9: {  	s4 =	sshll.u32 s8, $0x4;
	[smem:$0x7FF] =	sst s3;
	s6 =	smul.u32 $0x27200, s8  }
0xa: {  	s7 =	ssub.s32 $0x2, s8;
	p0 =	seq.s32 s8, $0x1;
	s4 =	sor.u32 s18, s4  }
0xb: {  	_ =	strace $0x8000004D;
	s9 =	sshrl.u32 s7, $0x1;
	s25 =	sshrl.u32 s10, $0x2  }
0xc: {  	s5 =	smul.u32 $0x2800, s4;
	s4 =	sadd.s32 $0x16E00, s0;
	s13 =	sadd.s32 s6, s0  }
0xd: {  	s14 =	ssub.s32 s7, s9;
	s6 =	smul.u32 $0x2700, s18;
	s19 =	sadd.s32 s25, s2  }
0xe: {  	s9 =	sadd.s32 $0x138000, s2;
	s18 =	sor.u32 $0x1C03, s26;
	s25 =	simm.s32 $0x2  }
0xf: {  	s26 =	simm.s32 $0x14C80;
	s13 =	sadd.s32 $0x3E000, s13;
	s14 =	smax.u32 s14, $0x1  }
0x10: {  	s19 =	sshrl.u32 s19, $0x3;
	s31 =	sshrl.u32 s9, $0x3;
	s5 =	sshrl.u32 s5, $0x3  }
0x11: {  	s8 =	sadd.s32 s4, s6;
	[dreg:$0x5] =	wrdreg s31;
	s12 =	sadd.s32 s5, s0  }
0x12: {  	s0 =	sadd.s32 $0x3DE00, s0;
	s5 =	sadd.s32 $0x2E00, s12;
	s7 =	sadd.s32 $0xCE00, s12  }
0x13: {  	[dreg:$0x4] =	wrdreg s0;
	s11 =	sadd.s32 $0x3080, s12;
	s12 =	sadd.s32 $0xD080, s12  }
.LBB2_1:
0x14: {  	[tilespmem:s15], [sflag:$0x3] =	stream.linear.gather [hbm4b:s5+s3], $0x1400, $0x38;
	[tilespmem:$0x1E100] =	vst v63  }
0x15: {  	_ =	swait.ge [sflag:s16], $0x1400  }
0x16: {  	[sflag:s16] =	ssyncset.done $0x0  }
.Ltmp0:
0x17: {  	[sflag:s16] =	ssyncadd.s32 $0xFFFFEC00;
	(pc) =	sbr.rel @!p0 .LBB2_2-.Ltmp0, $4  }
0x18: {  	[tilespmem:s17], [sflag:$0x3] =	stream.linear.gather [hbm4b:s7+s3], $0x1400, $0x38;
	[tilespmem:$0x1E100] =	vst v63  }
0x19: {  	_ =	swait.ge [sflag:s16], $0x1400  }
0x1a: {  	[sflag:s16] =	ssyncset.done $0x0  }
0x1b: {  	[sflag:s16] =	ssyncadd.s32 $0xFFFFEC00  }
.Ltmp1:
0x1c: {  	s0 =	rddreg [dreg:$0x1];
	(pc) =	sbr.rel @p1 .LBB2_7-.Ltmp1, $4  }
0x1d: {  	[spmem:s19], [sflag:s18] =	dma.local [hbm:s0], $0x2700  }
0x1e: {  	_ =	swait.ge [sflag:s16], $0x2700  }
0x1f: {  	[sflag:s16] =	ssyncset.done $0x0  }
0x20: {  	[sflag:s16] =	ssyncadd.s32 $0xFFFFD900  }
.Ltmp2:
0x21: {  	(pc) =	sbr.rel .LBB2_6-.Ltmp2, $4  }
0x22: {  	_ = 	snop  }
0x23: {  	s0 =	rddreg [dreg:$0x1]  }
0x24: {  	s1 =	rddreg [dreg:$0x5]  }
0x25: {  	[spmem:s1], [sflag:s18] =	dma.local [hbm:s0], $0x100  }
.LBB2_2:
.Ltmp3:
0x26: {  	(pc) =	sbr.rel @p1 .LBB2_7-.Ltmp3, $4  }
0x27: {  	[spmem:s19], [sflag:s18] =	dma.local [hbm:s8], $0x2700  }
0x28: {  	_ =	swait.ge [sflag:s16], $0x2700  }
0x29: {  	[sflag:s16] =	ssyncset.done $0x0  }
0x2a: {  	[sflag:s16] =	ssyncadd.s32 $0xFFFFD900  }
0x2b: {  	s0 =	rddreg [dreg:$0x4]  }
0x2c: {  	s1 =	rddreg [dreg:$0x5]  }
0x2d: {  	[spmem:s1], [sflag:s18] =	dma.local [hbm:s0], $0x100  }
.LBB2_6:
0x2e: {  	_ =	swait.ge [sflag:s16], $0x100  }
0x2f: {  	[sflag:s16] =	ssyncset.done $0x0  }
0x30: {  	[sflag:s16] =	ssyncadd.s32 $0xFFFFFF00  }
.LBB2_7:
0x31: {  	[bflag:$0x0] =	sbarrier.arrive $0xFFFF  }
0x32: {  	[tilespmem:s22], [sflag:$0x1] =	stream.indirect.gather [hbm4b:s4+s21], $0x80, s15, s21, $0xb8;
	[tilespmem:$0x1E100] =	vst v63  }
0x33: {  	s0 =	simm.s32 $0x13980  }
0x34: {  	[tilespmem:s23], [sflag:$0x2] =	stream.indirect.gather [hbm4b:s4+s21], $0x80, s0, s21, $0xb8;
	[tilespmem:$0x1E100] =	vst v63  }
0x35: {  	_ =	swait.ge [sflag:s24], $0x4000  }
0x36: {  	[sflag:s24] =	ssyncset.done $0x0  }
0x37: {  	s1 =	simm.s32 $0x14D00;
	[sflag:s24] =	ssyncadd.s32 $0xFFFFC000  }
0x38: {  	[spmem:s2] =	stream.indirect.scatter.add.f32 [tilespmem:s22], [sflag:$0x3], $0x80, s1, s21, $0xb8;
	[tilespmem:$0x1E100] =	vst v63  }
0x39: {  	_ =	swait.ge [sflag:s16], $0x4000  }
0x3a: {  	[sflag:s16] =	ssyncset.done $0x0  }
0x3b: {  	s10 =	simm.s32 $0x13A00;
	[sflag:s16] =	ssyncadd.s32 $0xFFFFC000  }
0x3c: {  	[tilespmem:s22], [sflag:$0x1] =	stream.indirect.gather [hbm4b:s4+s21], $0x80, s10, s21, $0xb8;
	[tilespmem:$0x1E100] =	vst v63  }
0x3d: {  	_ =	swait.ge [sflag:s25], $0x4000  }
0x3e: {  	[sflag:s25] =	ssyncset.done $0x0  }
0x3f: {  	s20 =	simm.s32 $0x14D80;
	[sflag:s25] =	ssyncadd.s32 $0xFFFFC000  }
0x40: {  	[spmem:s2] =	stream.indirect.scatter.add.f32 [tilespmem:s23], [sflag:$0x3], $0x80, s20, s21, $0xb8;
	[tilespmem:$0x1E100] =	vst v63  }
0x41: {  	_ =	swait.ge [sflag:s16], $0x4000  }
0x42: {  	s31 =	simm.s32 $0x100;
	s0 =	simm.s32 $0x800;
	[sflag:s16] =	ssyncset.done $0x0  }
.LBB2_8:
0x43: {  	s10 =	sadd.s32 $0x13980, s31  }
0x44: {  	[sflag:s16] =	ssyncadd.s32 $0xFFFFC000;
	s1 =	smov.u32 s0;
	s20 =	sadd.s32 $0x400, s0  }
0x45: {  	[tilespmem:s23], [sflag:$0x2] =	stream.indirect.gather [hbm4b:s4+s21], $0x80, s10, s21, $0xb8;
	[tilespmem:$0x1E100] =	vst v63  }
0x46: {  	p2 =	sne.s32 s0, $0x4800;
	_ =	swait.ge [sflag:s24], $0x4000  }
0x47: {  	[sflag:s24] =	ssyncset.done $0x0  }
0x48: {  	s0 =	sadd.s32 $0x14D00, s31;
	[sflag:s24] =	ssyncadd.s32 $0xFFFFC000  }
0x49: {  	[spmem:s2] =	stream.indirect.scatter.add.f32 [tilespmem:s22], [sflag:$0x3], $0x80, s0, s21, $0xb8;
	[tilespmem:$0x1E100] =	vst v63  }
0x4a: {  	_ =	swait.ge [sflag:s16], $0x4000  }
0x4b: {  	[sflag:s16] =	ssyncset.done $0x0  }
0x4c: {  	s0 =	sadd.s32 $0x13A00, s31;
	[sflag:s16] =	ssyncadd.s32 $0xFFFFC000  }
0x4d: {  	[tilespmem:s22], [sflag:$0x1] =	stream.indirect.gather [hbm4b:s4+s21], $0x80, s0, s21, $0xb8;
	[tilespmem:$0x1E100] =	vst v63  }
0x4e: {  	_ =	swait.ge [sflag:s25], $0x4000  }
.Ltmp4:
0x4f: {  	[sflag:s25] =	ssyncset.done $0x0;
	(pc) =	sbr.rel @p2 .LBB2_8-.Ltmp4, $4  }
0x50: {  	s0 =	sadd.s32 $0x14D80, s31;
	[sflag:s25] =	ssyncadd.s32 $0xFFFFC000  }
0x51: {  	[spmem:s2] =	stream.indirect.scatter.add.f32 [tilespmem:s23], [sflag:$0x3], $0x80, s0, s21, $0xb8;
	[tilespmem:$0x1E100] =	vst v63  }
0x52: {  	_ =	swait.ge [sflag:s16], $0x4000  }
0x53: {  	s31 =	sshra.s32 s1, $0x2;
	s0 =	smov.u32 s20;
	[sflag:s16] =	ssyncset.done $0x0  }
0x54: {  	s0 =	sadd.s32 $0x13980, s31;
	[sflag:s16] =	ssyncadd.s32 $0xFFFFC000  }
0x55: {  	[tilespmem:s23], [sflag:$0x2] =	stream.indirect.gather [hbm4b:s4+s21], $0x80, s0, s21, $0xb8;
	[tilespmem:$0x1E100] =	vst v63  }
0x56: {  	_ =	swait.ge [sflag:s24], $0x4000  }
0x57: {  	[sflag:s24] =	ssyncset.done $0x0  }
0x58: {  	s10 =	sadd.s32 $0x14D00, s31;
	[sflag:s24] =	ssyncadd.s32 $0xFFFFC000  }
0x59: {  	[spmem:s2] =	stream.indirect.scatter.add.f32 [tilespmem:s22], [sflag:$0x3], $0x80, s10, s21, $0xb8;
	[tilespmem:$0x1E100] =	vst v63  }
0x5a: {  	_ =	swait.ge [sflag:s16], $0x4000  }
0x5b: {  	[sflag:s16] =	ssyncset.done $0x0  }
0x5c: {  	s20 =	sadd.s32 $0x13A00, s31;
	[sflag:s16] =	ssyncadd.s32 $0xFFFFC000  }
0x5d: {  	[tilespmem:s22], [sflag:$0x1] =	stream.indirect.gather [hbm4b:s4+s21], $0x80, s20, s21, $0xb8;
	[tilespmem:$0x1E100] =	vst v63  }
0x5e: {  	_ =	swait.ge [sflag:s25], $0x4000  }
0x5f: {  	[sflag:s25] =	ssyncset.done $0x0  }
0x60: {  	s1 =	sadd.s32 $0x14D80, s31;
	[sflag:s25] =	ssyncadd.s32 $0xFFFFC000  }
0x61: {  	[spmem:s2] =	stream.indirect.scatter.add.f32 [tilespmem:s23], [sflag:$0x3], $0x80, s1, s21, $0xb8;
	[tilespmem:$0x1E100] =	vst v63  }
0x62: {  	_ =	swait.ge [sflag:s16], $0x4000  }
0x63: {  	[sflag:s16] =	ssyncset.done $0x0  }
0x64: {  	[sflag:s16] =	ssyncadd.s32 $0xFFFFC000  }
0x65: {  	[tilespmem:s23], [sflag:$0x2] =	stream.indirect.gather [hbm4b:s4+s21], $0x80, s26, s21, $0xb8;
	[tilespmem:$0x1E100] =	vst v63  }
0x66: {  	_ =	swait.ge [sflag:s24], $0x4000  }
0x67: {  	[sflag:s24] =	ssyncset.done $0x0  }
0x68: {  	[sflag:s24] =	ssyncadd.s32 $0xFFFFC000  }
0x69: {  	[spmem:s2] =	stream.indirect.scatter.add.f32 [tilespmem:s22], [sflag:$0x3], $0x80, s28, s21, $0xb8;
	[tilespmem:$0x1E100] =	vst v63  }
0x6a: {  	_ =	swait.ge [sflag:s16], $0x4000  }
0x6b: {  	[sflag:s16] =	ssyncset.done $0x0  }
0x6c: {  	[sflag:s16] =	ssyncadd.s32 $0xFFFFC000  }
0x6d: {  	_ =	swait.ge [sflag:s25], $0x4000  }
0x6e: {  	[sflag:s25] =	ssyncset.done $0x0  }
0x6f: {  	[sflag:s25] =	ssyncadd.s32 $0xFFFFC000  }
0x70: {  	[spmem:s2] =	stream.indirect.scatter.add.f32 [tilespmem:s23], [sflag:$0x3], $0x80, s29, s21, $0xb8;
	[tilespmem:$0x1E100] =	vst v63  }
0x71: {  	_ =	swait.ge [sflag:s16], $0x4000  }
0x72: {  	[sflag:s16] =	ssyncset.done $0x0  }
0x73: {  	s10 =	simm.s32 $0x0;
	[sflag:s16] =	ssyncadd.s32 $0xFFFFC000  }
0x74: {  	[tilespmem:s15], [sflag:$0x3] =	stream.linear.gather [hbm4b:s11+s10], $0x1400, $0x38;
	[tilespmem:$0x1E100] =	vst v63  }
0x75: {  	_ =	swait.ge [sflag:s16], $0x1400  }
0x76: {  	[sflag:s16] =	ssyncset.done $0x0  }
0x77: {  	[sflag:s16] =	ssyncadd.s32 $0xFFFFEC00  }
0x78: {  	[tilespmem:s17], [sflag:$0x3] =	stream.linear.gather [hbm4b:s12+s10], $0x1400, $0x38;
	[tilespmem:$0x1E100] =	vst v63  }
0x79: {  	_ =	swait.ge [sflag:s16], $0x1400  }
0x7a: {  	[sflag:s16] =	ssyncset.done $0x0  }
0x7b: {  	[sflag:s16] =	ssyncadd.s32 $0xFFFFEC00  }
0x7c: {  	[tilespmem:s22], [sflag:$0x1] =	stream.indirect.gather [hbm4b:s4+s21], $0x80, s15, s21, $0xb8;
	[tilespmem:$0x1E100] =	vst v63  }
0x7d: {  	s20 =	simm.s32 $0x13980  }
0x7e: {  	[tilespmem:s23], [sflag:$0x2] =	stream.indirect.gather [hbm4b:s4+s21], $0x80, s20, s21, $0xb8;
	[tilespmem:$0x1E100] =	vst v63  }
0x7f: {  	_ =	swait.ge [sflag:s24], $0x4000  }
0x80: {  	[sflag:s24] =	ssyncset.done $0x0  }
0x81: {  	s1 =	simm.s32 $0x14D00;
	[sflag:s24] =	ssyncadd.s32 $0xFFFFC000  }
0x82: {  	[spmem:s2] =	stream.indirect.scatter.add.f32 [tilespmem:s22], [sflag:$0x3], $0x80, s1, s21, $0xb8;
	[tilespmem:$0x1E100] =	vst v63  }
0x83: {  	_ =	swait.ge [sflag:s16], $0x4000  }
0x84: {  	[sflag:s16] =	ssyncset.done $0x0  }
0x85: {  	s10 =	simm.s32 $0x13A00;
	[sflag:s16] =	ssyncadd.s32 $0xFFFFC000  }
0x86: {  	[tilespmem:s22], [sflag:$0x1] =	stream.indirect.gather [hbm4b:s4+s21], $0x80, s10, s21, $0xb8;
	[tilespmem:$0x1E100] =	vst v63  }
0x87: {  	_ =	swait.ge [sflag:s25], $0x4000  }
0x88: {  	[sflag:s25] =	ssyncset.done $0x0  }
0x89: {  	s20 =	simm.s32 $0x14D80;
	[sflag:s25] =	ssyncadd.s32 $0xFFFFC000  }
0x8a: {  	[spmem:s2] =	stream.indirect.scatter.add.f32 [tilespmem:s23], [sflag:$0x3], $0x80, s20, s21, $0xb8;
	[tilespmem:$0x1E100] =	vst v63  }
0x8b: {  	_ =	swait.ge [sflag:s16], $0x4000  }
0x8c: {  	s31 =	simm.s32 $0x100;
	s0 =	simm.s32 $0x800;
	[sflag:s16] =	ssyncset.done $0x0  }
.LBB2_10:
0x8d: {  	s1 =	sadd.s32 $0x13980, s31  }
0x8e: {  	[sflag:s16] =	ssyncadd.s32 $0xFFFFC000;
	s10 =	smov.u32 s0;
	s20 =	sadd.s32 $0x400, s0  }
0x8f: {  	[tilespmem:s23], [sflag:$0x2] =	stream.indirect.gather [hbm4b:s4+s21], $0x80, s1, s21, $0xb8;
	[tilespmem:$0x1E100] =	vst v63  }
0x90: {  	p2 =	sne.s32 s0, $0x4800;
	_ =	swait.ge [sflag:s24], $0x4000  }
0x91: {  	[sflag:s24] =	ssyncset.done $0x0  }
0x92: {  	s0 =	sadd.s32 $0x14D00, s31;
	[sflag:s24] =	ssyncadd.s32 $0xFFFFC000  }
0x93: {  	[spmem:s2] =	stream.indirect.scatter.add.f32 [tilespmem:s22], [sflag:$0x3], $0x80, s0, s21, $0xb8;
	[tilespmem:$0x1E100] =	vst v63  }
0x94: {  	_ =	swait.ge [sflag:s16], $0x4000  }
0x95: {  	[sflag:s16] =	ssyncset.done $0x0  }
0x96: {  	s0 =	sadd.s32 $0x13A00, s31;
	[sflag:s16] =	ssyncadd.s32 $0xFFFFC000  }
0x97: {  	[tilespmem:s22], [sflag:$0x1] =	stream.indirect.gather [hbm4b:s4+s21], $0x80, s0, s21, $0xb8;
	[tilespmem:$0x1E100] =	vst v63  }
0x98: {  	_ =	swait.ge [sflag:s25], $0x4000  }
.Ltmp5:
0x99: {  	[sflag:s25] =	ssyncset.done $0x0;
	(pc) =	sbr.rel @p2 .LBB2_10-.Ltmp5, $4  }
0x9a: {  	s0 =	sadd.s32 $0x14D80, s31;
	[sflag:s25] =	ssyncadd.s32 $0xFFFFC000  }
0x9b: {  	[spmem:s2] =	stream.indirect.scatter.add.f32 [tilespmem:s23], [sflag:$0x3], $0x80, s0, s21, $0xb8;
	[tilespmem:$0x1E100] =	vst v63  }
0x9c: {  	_ =	swait.ge [sflag:s16], $0x4000  }
0x9d: {  	s31 =	sshra.s32 s10, $0x2;
	s0 =	smov.u32 s20;
	[sflag:s16] =	ssyncset.done $0x0  }
0x9e: {  	s0 =	sadd.s32 $0x13980, s31;
	[sflag:s16] =	ssyncadd.s32 $0xFFFFC000  }
0x9f: {  	[tilespmem:s23], [sflag:$0x2] =	stream.indirect.gather [hbm4b:s4+s21], $0x80, s0, s21, $0xb8;
	[tilespmem:$0x1E100] =	vst v63  }
0xa0: {  	_ =	swait.ge [sflag:s24], $0x4000  }
0xa1: {  	[sflag:s24] =	ssyncset.done $0x0  }
0xa2: {  	s1 =	sadd.s32 $0x14D00, s31;
	[sflag:s24] =	ssyncadd.s32 $0xFFFFC000  }
0xa3: {  	[spmem:s2] =	stream.indirect.scatter.add.f32 [tilespmem:s22], [sflag:$0x3], $0x80, s1, s21, $0xb8;
	[tilespmem:$0x1E100] =	vst v63  }
0xa4: {  	_ =	swait.ge [sflag:s16], $0x4000  }
0xa5: {  	[sflag:s16] =	ssyncset.done $0x0  }
0xa6: {  	s10 =	sadd.s32 $0x13A00, s31;
	[sflag:s16] =	ssyncadd.s32 $0xFFFFC000  }
0xa7: {  	[tilespmem:s22], [sflag:$0x1] =	stream.indirect.gather [hbm4b:s4+s21], $0x80, s10, s21, $0xb8;
	[tilespmem:$0x1E100] =	vst v63  }
0xa8: {  	_ =	swait.ge [sflag:s25], $0x4000  }
0xa9: {  	[sflag:s25] =	ssyncset.done $0x0  }
0xaa: {  	s20 =	sadd.s32 $0x14D80, s31;
	[sflag:s25] =	ssyncadd.s32 $0xFFFFC000  }
0xab: {  	[spmem:s2] =	stream.indirect.scatter.add.f32 [tilespmem:s23], [sflag:$0x3], $0x80, s20, s21, $0xb8;
	[tilespmem:$0x1E100] =	vst v63  }
0xac: {  	_ =	swait.ge [sflag:s16], $0x4000  }
0xad: {  	[sflag:s16] =	ssyncset.done $0x0  }
0xae: {  	[sflag:s16] =	ssyncadd.s32 $0xFFFFC000  }
0xaf: {  	[tilespmem:s23], [sflag:$0x2] =	stream.indirect.gather [hbm4b:s4+s21], $0x80, s26, s21, $0xb8;
	[tilespmem:$0x1E100] =	vst v63  }
0xb0: {  	_ =	swait.ge [sflag:s24], $0x4000  }
0xb1: {  	[sflag:s24] =	ssyncset.done $0x0  }
0xb2: {  	[sflag:s24] =	ssyncadd.s32 $0xFFFFC000  }
0xb3: {  	[spmem:s2] =	stream.indirect.scatter.add.f32 [tilespmem:s22], [sflag:$0x3], $0x80, s28, s21, $0xb8;
	[tilespmem:$0x1E100] =	vst v63  }
0xb4: {  	_ =	swait.ge [sflag:s16], $0x4000  }
0xb5: {  	[sflag:s16] =	ssyncset.done $0x0  }
0xb6: {  	[sflag:s16] =	ssyncadd.s32 $0xFFFFC000  }
0xb7: {  	_ =	swait.ge [sflag:s25], $0x4000  }
0xb8: {  	[sflag:s25] =	ssyncset.done $0x0  }
0xb9: {  	[sflag:s25] =	ssyncadd.s32 $0xFFFFC000  }
0xba: {  	[spmem:s2] =	stream.indirect.scatter.add.f32 [tilespmem:s23], [sflag:$0x3], $0x80, s29, s21, $0xb8;
	[tilespmem:$0x1E100] =	vst v63  }
0xbb: {  	_ =	swait.ge [sflag:s16], $0x4000  }
0xbc: {  	[sflag:s16] =	ssyncset.done $0x0  }
0xbd: {  	[sflag:s16] =	ssyncadd.s32 $0xFFFFC000  }
0xbe: {  	s31 =	sadd.s32 s6, s13;
	[bflag:$0x0] =	sbarrier.arrive $0xFFFF  }
0xbf: {  	[hbm:s31], [sflag:s18] =	dma.local [spmem:s19], $0x2700  }
0xc0: {  	_ =	swait.ge [sflag:s16], $0x2700  }
0xc1: {  	s30 =	sadd.s32 $0x1, s30;
	s0 =	sadd.s32 @!p1 $0x27000, s13;
	[sflag:s16] =	ssyncset.done $0x0  }
0xc2: {  	p2 =	sne.s32 s30, s14;
	s1 =	sshrl.u32 @!p1 s9, $0x3;
	[sflag:s16] =	ssyncadd.s32 $0xFFFFD900  }
0xc3: {  	[hbm:s0], [sflag:s18] =	dma.local @!p1 [spmem:s1], $0x100  }
.Ltmp6:
0xc4: {  	_ = 	snop;
	(pc) =	sbr.rel @p2 .LBB2_1-.Ltmp6, $4  }
0xc5: {  	s0 =	simm.s32 @!p1 $0x3  }
0xc6: {  	_ =	swait.ge @!p1 [sflag:s0], $0x100  }
0xc7: {  	[sflag:s0] =	ssyncset.done @!p1 $0x0  }
0xc8: {  	[sflag:s0] =	ssyncadd.s32 @!p1 $0xFFFFFF00  }
0xc9: {  	_ =	sfence.sel $0x180000  }
0xca: {  	[bflag:$0x0] =	sbarrier.arrive $0xFFFF  }
0xcb: {  	_ =	strace $0x9000004D  }
0xcc: {  	[bflag:$0x2] =	sbarrier.arrive $0xFFFF  }
0xcd: {  	s0 =	rddreg [dreg:$0x3]  }
0xce: {  	s0 =	sadd.s32 @!p1 $0x100000, s0  }
0xcf: {  	[sflag:s0] =	ssyncadd.tile.s32 @!p1 $0x1;
	_ =	shalt  }
.Lfunc_end2:
_tile_overlayer_lowered:
.L_overlay_start_2:
0xd0: {  	(tag) =	ssettag $0x2  }
0xd1: {  	s0 =	rddreg [dreg:$0x0];
	s2 =	stileid.u32  }
0xd2: {  	s1 =	rddreg [dreg:$0x1];
	p0 =	sne.s32 s2, $0x0  }
0xd3: {  	s3 =	rddreg [dreg:$0x2];
	[bflag:$0x3] =	sbarrier.arrive $0xFFFF;
	s2 =	simm.s32 @!p0 $0x1C03  }
0xd4: {  	[timem:s3], [sflag:s2] =	dma.local @!p0 [hbm:s0], s1  }
0xd5: {  	s0 =	simm.s32 @!p0 $0x3  }
0xd6: {  	_ =	swait.ge @!p0 [sflag:s0], s1  }
0xd7: {  	s1 =	ssub.s32 @!p0 $0x0, s1;
	[sflag:s0] =	ssyncset.done @!p0 $0x0  }
0xd8: {  	[sflag:s0] =	ssyncadd.s32 @!p0 s1  }
0xd9: {  	[bflag:$0x3] =	sbarrier.arrive $0xFFFF  }
0xda: {  	_ =	shalt  }

</sc_bundles>
